<compile_context>
chip_gen: v7x
topology: tpu7x:2x2x1
jax: 0.10.2.dev20260603
libtpu: 0.0.44.dev20260713+nightly
codegen_flags: <defaults>
</compile_context>

<pallas_src>
import functools

import jax
import jax.numpy as jnp
from jax import lax
from jax.experimental import pallas as pl
from jax.experimental.pallas import tpu as pltpu
from jax.experimental.pallas import tpu_sc as plsc

N = 10000
NPAD = 10240
E = 320000
D = 128
OUT = 64
G = 64

NC = 2
NS = 16
NW = NC * NS
K = 128
EPW = 10240
E_PAD = NW * EPW
NCHUNK = EPW // K
PCH = 40
RPT = NPAD // NS


def _sc_mesh():
    return plsc.VectorSubcoreMesh(core_axis_name="c", subcore_axis_name="s",
                                  num_cores=NC, num_subcores=NS)


@functools.cache
def _make_deg_kernel():
    return pl.kernel(
        _deg_body,
        out_type=jax.ShapeDtypeStruct((NC, NPAD), jnp.float32),
        mesh=_sc_mesh(),
        scratch_types=[
            pltpu.VMEM((NCHUNK, K), jnp.int32),
            pltpu.VMEM((NPAD,), jnp.float32),
            pltpu.VMEM((RPT,), jnp.float32),
            pltpu.VMEM((RPT,), jnp.float32),
            pltpu.VMEM_SHARED((NS, NPAD), jnp.float32),
        ],
        compiler_params=pltpu.CompilerParams(needs_layout_passes=False),
    )


def _deg_body(dst_hbm, zeros_hbm, out_hbm, dstw, table, tmp, acc, staging):
    c = lax.axis_index("c")
    s = lax.axis_index("s")
    wid = s * NC + c
    base = s * RPT
    pltpu.sync_copy(dst_hbm.at[wid], dstw)
    pltpu.sync_copy(zeros_hbm, table)
    ones16 = jnp.ones((16,), jnp.float32)

    def count(j, carry):
        for i in range(K // 16):
            idx = dstw[j, pl.ds(i * 16, 16)]
            plsc.addupdate_scatter(table, [idx], ones16)
        return carry

    lax.fori_loop(0, NCHUNK, count, 0)
    pltpu.sync_copy(table, staging.at[s])
    pltpu.sync_copy(zeros_hbm.at[pl.ds(0, RPT)], acc)
    plsc.subcore_barrier()

    def red(t, carry):
        pltpu.sync_copy(staging.at[t].at[pl.ds(base, RPT)], tmp)
        for m in range(RPT // 16):
            sl = pl.ds(m * 16, 16)
            acc[sl] = acc[sl] + tmp[sl]
        return carry

    lax.fori_loop(0, NS, red, 0)
    pltpu.sync_copy(acc, out_hbm.at[c].at[pl.ds(base, RPT)])


@functools.cache
def _make_agg_kernel():
    return pl.kernel(
        _agg_body,
        out_type=jax.ShapeDtypeStruct((NC, NPAD, D), jnp.float32),
        mesh=_sc_mesh(),
        scratch_types=[
            pltpu.VMEM((PCH, K), jnp.int32),
            pltpu.VMEM((PCH, K), jnp.int32),
            pltpu.VMEM((2, K, D), jnp.float32),
            pltpu.VMEM_SHARED((NPAD, D), jnp.float32),
            pltpu.SemaphoreType.DMA,
            pltpu.SemaphoreType.DMA,
            pltpu.SemaphoreType.DMA,
        ],
    )


def _agg_body(y_hbm, zeros_hbm, src_hbm, dst_hbm, out_hbm,
              srcw, dstw, rows, aggsh, sem0, sem1, isem):
    c = lax.axis_index("c")
    s = lax.axis_index("s")
    wid = s * NC + c
    base = s * RPT
    @pl.when(c == 0)
    def _():
        pltpu.async_copy(y_hbm.at[pl.ds(base, RPT)],
                         aggsh.at[pl.ds(base, RPT)], isem)

    @pl.when(c == 1)
    def _():
        pltpu.async_copy(zeros_hbm.at[pl.ds(base, RPT)],
                         aggsh.at[pl.ds(base, RPT)], isem)

    b0 = rows.at[0]
    b1 = rows.at[1]

    def gwait(buf, sem):
        pltpu.make_async_copy(y_hbm.at[srcw.at[0]], buf, sem).wait()

    def clamp(j):
        return jnp.minimum(j, PCH - 1)

    def phase(p, carry):
        pltpu.sync_copy(src_hbm.at[wid, pl.ds(p * PCH, PCH)], srcw)
        pltpu.sync_copy(dst_hbm.at[wid, pl.ds(p * PCH, PCH)], dstw)
        pltpu.async_copy(y_hbm.at[srcw.at[0]], b0, sem0)
        pltpu.async_copy(y_hbm.at[srcw.at[1]], b1, sem1)

        @pl.when(p == 0)
        def _():
            pltpu.make_async_copy(y_hbm.at[pl.ds(base, RPT)],
                                  aggsh.at[pl.ds(base, RPT)], isem).wait()
            plsc.subcore_barrier()

        def body(t, cc):
            j = 2 * t
            gwait(b0, sem0)
            pltpu.sync_copy(b0, aggsh.at[dstw.at[j]], add=True)
            pltpu.async_copy(y_hbm.at[srcw.at[clamp(j + 2)]], b0, sem0)
            gwait(b1, sem1)
            pltpu.sync_copy(b1, aggsh.at[dstw.at[j + 1]], add=True)
            pltpu.async_copy(y_hbm.at[srcw.at[clamp(j + 3)]], b1, sem1)
            return cc

        lax.fori_loop(0, PCH // 2, body, 0)
        gwait(b0, sem0)
        gwait(b1, sem1)
        return carry

    lax.fori_loop(0, NCHUNK // PCH, phase, 0)
    plsc.subcore_barrier()
    pltpu.sync_copy(aggsh.at[pl.ds(base, RPT)], out_hbm.at[c].at[pl.ds(base, RPT)])



def _gelu(v):
    return 0.5 * v * (1.0 + lax.erf(v * 0.7071067811865476))


_GB = 4
_BR = NPAD // _GB


def _dinv_of(deg_ref):
    deg = deg_ref[0, :] + deg_ref[1, :] + 1.0
    return lax.rsqrt(deg)[:, None]


def _tc1_body(x_ref, deg_ref, w_ref, y_ref):
    y_ref[...] = (x_ref[...] * _dinv_of(deg_ref)) @ w_ref[...]


def _tc1(x, deg_parts, w):
    return pl.pallas_call(
        _tc1_body,
        grid=(_GB,),
        in_specs=[
            pl.BlockSpec((_BR, D), lambda i: (i, 0)),
            pl.BlockSpec((NC, _BR), lambda i: (0, i)),
            pl.BlockSpec((D, D), lambda i: (0, 0)),
        ],
        out_specs=pl.BlockSpec((_BR, D), lambda i: (i, 0)),
        out_shape=jax.ShapeDtypeStruct((NPAD, D), jnp.float32),
    )(x, deg_parts, w)


def _tc2_body(agg_ref, deg_ref, b_ref, w_ref, y_ref):
    dinv = _dinv_of(deg_ref)
    h = _gelu((agg_ref[0] + agg_ref[1]) * dinv + b_ref[...])
    y_ref[...] = (h @ w_ref[...]) * dinv


def _tc2(agg, deg_parts, b, w):
    return pl.pallas_call(
        _tc2_body,
        grid=(_GB,),
        in_specs=[
            pl.BlockSpec((NC, _BR, D), lambda i: (0, i, 0)),
            pl.BlockSpec((NC, _BR), lambda i: (0, i)),
            pl.BlockSpec((1, D), lambda i: (0, 0)),
            pl.BlockSpec((D, D), lambda i: (0, 0)),
        ],
        out_specs=pl.BlockSpec((_BR, D), lambda i: (i, 0)),
        out_shape=jax.ShapeDtypeStruct((NPAD, D), jnp.float32),
    )(agg, deg_parts, b.reshape(1, D), w)


def _tc3_body(agg_ref, deg_ref, b_ref, batch_ref, wm1_ref, bm1_ref,
              wm2_ref, bm2_ref, out_ref):
    dinv = lax.rsqrt(deg_ref[0, :N] + deg_ref[1, :N] + 1.0)[:, None]
    h = _gelu((agg_ref[0, :N, :] + agg_ref[1, :N, :]) * dinv
              + b_ref[...][None, :])
    gids = lax.broadcasted_iota(jnp.int32, (1, G), 1)
    onehot = (batch_ref[...] == gids).astype(jnp.float32)
    sums = lax.dot_general(onehot, h, (((0,), (0,)), ((), ())))
    counts = jnp.sum(onehot, axis=0)
    pooled = sums / jnp.maximum(counts, 1.0)[:, None]
    hm = jnp.maximum(pooled @ wm1_ref[...] + bm1_ref[...][None, :], 0.0)
    out_ref[...] = hm @ wm2_ref[...] + bm2_ref[...][None, :]


def _tc3(agg, deg_parts, b, batch2d, wm1, bm1, wm2, bm2):
    return pl.pallas_call(
        _tc3_body,
        out_shape=jax.ShapeDtypeStruct((G, OUT), jnp.float32),
    )(agg, deg_parts, b, batch2d, wm1, bm1, wm2, bm2)



def kernel(x, edge_index, batch, batch_size, W1, b1, W2, b2, W3, b3,
           Wm1, bm1, Wm2, bm2):
    pad_src = jnp.arange(E_PAD - E, dtype=jnp.int32) % N
    pad_dst = N + jnp.arange(E_PAD - E, dtype=jnp.int32) % (NPAD - N)
    src = jnp.concatenate([edge_index[0].astype(jnp.int32), pad_src])
    dst = jnp.concatenate([edge_index[1].astype(jnp.int32), pad_dst])
    src = src.reshape(NW, NCHUNK, K)
    dst = dst.reshape(NW, NCHUNK, K)
    batch2d = batch.astype(jnp.int32).reshape(N, 1)
    zeros_nd = jnp.zeros((NPAD, D), jnp.float32)
    zeros_1d = jnp.zeros((NPAD,), jnp.float32)

    deg_parts = _make_deg_kernel()(dst, zeros_1d)
    x_pad = jnp.concatenate([x, jnp.zeros((NPAD - N, D), jnp.float32)])
    y1 = _tc1(x_pad, deg_parts, W1)
    agg1 = _make_agg_kernel()(y1, zeros_nd, src, dst)
    y2 = _tc2(agg1, deg_parts, b1, W2)
    agg2 = _make_agg_kernel()(y2, zeros_nd, src, dst)
    y3 = _tc2(agg2, deg_parts, b2, W3)
    agg3 = _make_agg_kernel()(y3, zeros_nd, src, dst)
    return _tc3(agg3, deg_parts, b3, batch2d, Wm1, bm1, Wm2, bm2)

# --- scband reference (transcript-rebuilt; emitter-appended) ---
"""Pipeline reference for scband-gcn-19301583028828 (READ-ONLY COPY).

The authoritative reference and input builder live on the scoring server;
editing this copy changes nothing except your own understanding.
"""

import jax, jax.numpy as jnp
import numpy as np

N = 10000
E = 320000
D_IN = 128
HID = 128
OUT = 64
NUM_GRAPHS = 64


def _gcn_conv(x, src, dst, W, b, num_nodes):
    # GCNConv: linear transform, add self-loops, symmetric normalization, scatter-add
    x = x @ W
    loop = jnp.arange(num_nodes)
    src2 = jnp.concatenate([src, loop])
    dst2 = jnp.concatenate([dst, loop])
    ones = jnp.ones(src2.shape[0], dtype=x.dtype)
    deg = jnp.zeros(num_nodes, dtype=x.dtype).at[dst2].add(ones)
    dinv = jnp.where(deg > 0, 1.0 / jnp.sqrt(deg), 0.0)
    norm = dinv[src2] * dinv[dst2]
    msgs = x[src2] * norm[:, None]
    out = jnp.zeros((num_nodes, x.shape[1]), dtype=x.dtype).at[dst2].add(msgs)
    return out + b


def setup_inputs(seed: int = 0):
    key = jax.random.key(seed)
    ks = jax.random.split(key, 14)
    inp = {}
    inp["x"] = jax.random.normal(ks[0], (N, D_IN), jnp.float32)
    inp["edge_index"] = jax.random.randint(ks[1], (2, E), 0, N)
    inp["batch"] = jnp.sort(jax.random.randint(ks[2], (N,), 0, NUM_GRAPHS))
    inp["batch_size"] = NUM_GRAPHS
    s1 = 1.0 / np.sqrt(D_IN)
    s2 = 1.0 / np.sqrt(HID)
    inp["W1"] = jax.random.normal(ks[3], (D_IN, HID), jnp.float32) * s1
    inp["b1"] = jnp.zeros((HID,), jnp.float32)
    inp["W2"] = jax.random.normal(ks[4], (HID, HID), jnp.float32) * s2
    inp["b2"] = jnp.zeros((HID,), jnp.float32)
    inp["W3"] = jax.random.normal(ks[5], (HID, HID), jnp.float32) * s2
    inp["b3"] = jnp.zeros((HID,), jnp.float32)
    inp["Wm1"] = jax.random.normal(ks[6], (HID, HID), jnp.float32) * s2
    inp["bm1"] = jnp.zeros((HID,), jnp.float32)
    inp["Wm2"] = jax.random.normal(ks[7], (HID, OUT), jnp.float32) * s2
    inp["bm2"] = jnp.zeros((OUT,), jnp.float32)
    return inp


def reference(x, edge_index, batch, batch_size, W1, b1, W2, b2, W3, b3, Wm1, bm1, Wm2, bm2):
    src = edge_index[0]
    dst = edge_index[1]
    n = x.shape[0]
    h = _gcn_conv(x, src, dst, W1, b1, n)
    h = jax.nn.gelu(h, approximate=False)
    h = _gcn_conv(h, src, dst, W2, b2, n)
    h = jax.nn.gelu(h, approximate=False)
    h = _gcn_conv(h, src, dst, W3, b3, n)
    h = jax.nn.gelu(h, approximate=False)
    # global_mean_pool over graph ids
    sums = jax.ops.segment_sum(h, batch, num_segments=NUM_GRAPHS)
    counts = jax.ops.segment_sum(jnp.ones((n,), h.dtype), batch, num_segments=NUM_GRAPHS)
    pooled = sums / jnp.clip(counts, 1.0)[:, None]
    # MLP([hidden, hidden, out], norm=None): Linear -> ReLU -> (dropout=id at eval) -> Linear
    hmlp = jax.nn.relu(pooled @ Wm1 + bm1)
    out = hmlp @ Wm2 + bm2
    out = out + jnp.asarray(batch_size - batch_size, out.dtype)
    return out

if __name__ == "__main__":
    import jax
    _d = setup_inputs()
    print(jax.jit(kernel)(*tuple(_d.values())))

</pallas_src>

<mosaic_0001>
#map = affine_map<(d0, d1) -> (0, 0)>
#map1 = affine_map<(d0, d1) -> (0, 0, 0)>
module attributes {stable_mosaic.version = 14 : i64} {
  func.func @_agg_body(%arg0: i32, %arg1: i32, %arg2: memref<10240x128xf32, #tpu.memory_space<hbm>>, %arg3: memref<10240x128xf32, #tpu.memory_space<hbm>>, %arg4: memref<32x80x128xi32, #tpu.memory_space<hbm>>, %arg5: memref<32x80x128xi32, #tpu.memory_space<hbm>>, %arg6: memref<2x10240x128xf32, #tpu.memory_space<hbm>>, %arg7: memref<40x128xi32, #tpu.memory_space<vmem>>, %arg8: memref<40x128xi32, #tpu.memory_space<vmem>>, %arg9: memref<2x128x128xf32, #tpu.memory_space<vmem>>, %arg10: memref<10240x128xf32, #tpu.memory_space<vmem_shared>>, %arg11: memref<!tpu.dma_semaphore, #tpu.memory_space<semaphore_mem>>, %arg12: memref<!tpu.dma_semaphore, #tpu.memory_space<semaphore_mem>>, %arg13: memref<!tpu.dma_semaphore, #tpu.memory_space<semaphore_mem>>) attributes {dimension_semantics = [#tpu.dimension_semantics<core_parallel>, #tpu.dimension_semantics<subcore_parallel>], iteration_bounds = array<i64: 2, 16>, scalar_prefetch = 0 : i64, scratch_operands = 7 : i64, tpu.core_type = #tpu.core_type<sc_vector_subcore>, window_params = [{transform_indices = #map}, {transform_indices = #map}, {transform_indices = #map1}, {transform_indices = #map1}, {transform_indices = #map1}]} {
    %mul3A = arith.constant 2 : i32
    %mul3A_0 = arith.muli %arg1, %mul3A : i32
    %add3A = arith.addi %mul3A_0, %arg0 : i32
    %mul3A_1 = arith.constant 640 : i32
    %mul3A_2 = arith.muli %arg1, %mul3A_1 : i32
    %eq3A = arith.constant 0 : i32
    %eq3A_3 = arith.cmpi eq, %arg0, %eq3A : i32
    %convert_element_type3A = arith.extui %eq3A_3 : i1 to i32
    %cond3A = arith.constant 0 : i32
    %cond3A_4 = arith.cmpi ne, %convert_element_type3A, %cond3A : i32
    scf.if %cond3A_4 {
      %dma_start3A = arith.constant 0 : i32
      %dma_start3A_17 = tpu.memref_slice %arg10[%mul3A_2, %dma_start3A] : memref<10240x128xf32, #tpu.memory_space<vmem_shared>> -> memref<640x128xf32, #tpu.memory_space<vmem_shared>>
      %dma_start3A_18 = arith.constant 0 : i32
      %dma_start3A_19 = tpu.memref_slice %arg2[%mul3A_2, %dma_start3A_18] : memref<10240x128xf32, #tpu.memory_space<hbm>> -> memref<640x128xf32, #tpu.memory_space<hbm>>
      tpu.enqueue_dma source(%dma_start3A_19 : memref<640x128xf32, #tpu.memory_space<hbm>>) target(%dma_start3A_17 : memref<640x128xf32, #tpu.memory_space<vmem_shared>>) target_semaphore(%arg13 : memref<!tpu.dma_semaphore, #tpu.memory_space<semaphore_mem>>)
    } else {
    }
    %eq3A_5 = arith.constant 1 : i32
    %eq3A_6 = arith.cmpi eq, %arg0, %eq3A_5 : i32
    %convert_element_type3A_7 = arith.extui %eq3A_6 : i1 to i32
    %cond3A_8 = arith.constant 0 : i32
    %cond3A_9 = arith.cmpi ne, %convert_element_type3A_7, %cond3A_8 : i32
    scf.if %cond3A_9 {
      %dma_start3A = arith.constant 0 : i32
      %dma_start3A_17 = tpu.memref_slice %arg10[%mul3A_2, %dma_start3A] : memref<10240x128xf32, #tpu.memory_space<vmem_shared>> -> memref<640x128xf32, #tpu.memory_space<vmem_shared>>
      %dma_start3A_18 = arith.constant 0 : i32
      %dma_start3A_19 = tpu.memref_slice %arg3[%mul3A_2, %dma_start3A_18] : memref<10240x128xf32, #tpu.memory_space<hbm>> -> memref<640x128xf32, #tpu.memory_space<hbm>>
      tpu.enqueue_dma source(%dma_start3A_19 : memref<640x128xf32, #tpu.memory_space<hbm>>) target(%dma_start3A_17 : memref<640x128xf32, #tpu.memory_space<vmem_shared>>) target_semaphore(%arg13 : memref<!tpu.dma_semaphore, #tpu.memory_space<semaphore_mem>>)
    } else {
    }
    %scan3A = arith.constant 0 : i32
    %scan3A_10 = arith.constant 0 : i32
    %scan3A_11 = arith.constant 1 : i32
    %scan3A_12 = arith.constant 0 : i32
    %scan3A_13 = arith.constant 2 : i32
    %scan3A_14 = arith.addi %scan3A_12, %scan3A_13 : i32
    %scan3A_15 = arith.constant 1 : i32
    scf.for %scan3A_17 = %scan3A_12 to %scan3A_14 step %scan3A_15  : i32 {
      %mul3A_18 = arith.constant 40 : i32
      %mul3A_19 = arith.muli %scan3A_17, %mul3A_18 : i32
      "tpu.region"() ({
        %run_scoped3A = tpu.sem_alloc : memref<!tpu.dma_semaphore, #tpu.memory_space<semaphore_mem>>
        %dma_start3A_75 = arith.constant 0 : i32
        %dma_start3A_76 = tpu.memref_slice %arg4[%add3A, %mul3A_19, %dma_start3A_75] : memref<32x80x128xi32, #tpu.memory_space<hbm>> -> memref<1x40x128xi32, #tpu.memory_space<hbm>>
        %dma_start3A_77 = tpu.memref_squeeze %dma_start3A_76 : memref<1x40x128xi32, #tpu.memory_space<hbm>> -> memref<40x128xi32, #tpu.memory_space<hbm>>
        %dma_start3A_78 = arith.constant 0 : i32
        %dma_start3A_79 = tpu.memref_slice %arg4[%add3A, %mul3A_19, %dma_start3A_78] : memref<32x80x128xi32, #tpu.memory_space<hbm>> -> memref<1x40x128xi32, #tpu.memory_space<hbm>>
        %dma_start3A_80 = tpu.memref_squeeze %dma_start3A_79 : memref<1x40x128xi32, #tpu.memory_space<hbm>> -> memref<40x128xi32, #tpu.memory_space<hbm>>
        tpu.enqueue_dma source(%dma_start3A_80 : memref<40x128xi32, #tpu.memory_space<hbm>>) target(%arg7 : memref<40x128xi32, #tpu.memory_space<vmem>>) target_semaphore(%run_scoped3A : memref<!tpu.dma_semaphore, #tpu.memory_space<semaphore_mem>>)
        %dma_wait3A_81 = arith.constant 0 : i32
        %dma_wait3A_82 = tpu.memref_slice %arg4[%add3A, %mul3A_19, %dma_wait3A_81] : memref<32x80x128xi32, #tpu.memory_space<hbm>> -> memref<1x40x128xi32, #tpu.memory_space<hbm>>
        %dma_wait3A_83 = tpu.memref_squeeze %dma_wait3A_82 : memref<1x40x128xi32, #tpu.memory_space<hbm>> -> memref<40x128xi32, #tpu.memory_space<hbm>>
        %dma_wait3A_84 = arith.constant 0 : i32
        %dma_wait3A_85 = tpu.memref_slice %arg4[%add3A, %mul3A_19, %dma_wait3A_84] : memref<32x80x128xi32, #tpu.memory_space<hbm>> -> memref<1x40x128xi32, #tpu.memory_space<hbm>>
        %dma_wait3A_86 = tpu.memref_squeeze %dma_wait3A_85 : memref<1x40x128xi32, #tpu.memory_space<hbm>> -> memref<40x128xi32, #tpu.memory_space<hbm>>
        tpu.wait_dma2 semaphore(%run_scoped3A : memref<!tpu.dma_semaphore, #tpu.memory_space<semaphore_mem>>) src(%dma_wait3A_86 : memref<40x128xi32, #tpu.memory_space<hbm>>) dst(%arg7 : memref<40x128xi32, #tpu.memory_space<vmem>>)
        tpu.yield
      }) : () -> ()
      %mul3A_20 = arith.constant 40 : i32
      %mul3A_21 = arith.muli %scan3A_17, %mul3A_20 : i32
      "tpu.region"() ({
        %run_scoped3A = tpu.sem_alloc : memref<!tpu.dma_semaphore, #tpu.memory_space<semaphore_mem>>
        %dma_start3A_75 = arith.constant 0 : i32
        %dma_start3A_76 = tpu.memref_slice %arg5[%add3A, %mul3A_21, %dma_start3A_75] : memref<32x80x128xi32, #tpu.memory_space<hbm>> -> memref<1x40x128xi32, #tpu.memory_space<hbm>>
        %dma_start3A_77 = tpu.memref_squeeze %dma_start3A_76 : memref<1x40x128xi32, #tpu.memory_space<hbm>> -> memref<40x128xi32, #tpu.memory_space<hbm>>
        %dma_start3A_78 = arith.constant 0 : i32
        %dma_start3A_79 = tpu.memref_slice %arg5[%add3A, %mul3A_21, %dma_start3A_78] : memref<32x80x128xi32, #tpu.memory_space<hbm>> -> memref<1x40x128xi32, #tpu.memory_space<hbm>>
        %dma_start3A_80 = tpu.memref_squeeze %dma_start3A_79 : memref<1x40x128xi32, #tpu.memory_space<hbm>> -> memref<40x128xi32, #tpu.memory_space<hbm>>
        tpu.enqueue_dma source(%dma_start3A_80 : memref<40x128xi32, #tpu.memory_space<hbm>>) target(%arg8 : memref<40x128xi32, #tpu.memory_space<vmem>>) target_semaphore(%run_scoped3A : memref<!tpu.dma_semaphore, #tpu.memory_space<semaphore_mem>>)
        %dma_wait3A_81 = arith.constant 0 : i32
        %dma_wait3A_82 = tpu.memref_slice %arg5[%add3A, %mul3A_21, %dma_wait3A_81] : memref<32x80x128xi32, #tpu.memory_space<hbm>> -> memref<1x40x128xi32, #tpu.memory_space<hbm>>
        %dma_wait3A_83 = tpu.memref_squeeze %dma_wait3A_82 : memref<1x40x128xi32, #tpu.memory_space<hbm>> -> memref<40x128xi32, #tpu.memory_space<hbm>>
        %dma_wait3A_84 = arith.constant 0 : i32
        %dma_wait3A_85 = tpu.memref_slice %arg5[%add3A, %mul3A_21, %dma_wait3A_84] : memref<32x80x128xi32, #tpu.memory_space<hbm>> -> memref<1x40x128xi32, #tpu.memory_space<hbm>>
        %dma_wait3A_86 = tpu.memref_squeeze %dma_wait3A_85 : memref<1x40x128xi32, #tpu.memory_space<hbm>> -> memref<40x128xi32, #tpu.memory_space<hbm>>
        tpu.wait_dma2 semaphore(%run_scoped3A : memref<!tpu.dma_semaphore, #tpu.memory_space<semaphore_mem>>) src(%dma_wait3A_86 : memref<40x128xi32, #tpu.memory_space<hbm>>) dst(%arg8 : memref<40x128xi32, #tpu.memory_space<vmem>>)
        tpu.yield
      }) : () -> ()
      %dma_start3A = arith.constant 0 : i32
      %dma_start3A_22 = arith.constant 0 : i32
      %dma_start3A_23 = arith.constant 0 : i32
      %dma_start3A_24 = tpu.memref_slice %arg9[%scan3A_10, %dma_start3A_22, %dma_start3A_23] : memref<2x128x128xf32, #tpu.memory_space<vmem>> -> memref<1x128x128xf32, #tpu.memory_space<vmem>>
      %dma_start3A_25 = tpu.memref_squeeze %dma_start3A_24 : memref<1x128x128xf32, #tpu.memory_space<vmem>> -> memref<128x128xf32, #tpu.memory_space<vmem>>
      %dma_start3A_26 = arith.constant 0 : i32
      %dma_start3A_27 = tpu.memref_slice %arg7[%dma_start3A, %dma_start3A_26] : memref<40x128xi32, #tpu.memory_space<vmem>> -> memref<1x128xi32, #tpu.memory_space<vmem>>
      %dma_start3A_28 = tpu.memref_squeeze %dma_start3A_27 : memref<1x128xi32, #tpu.memory_space<vmem>> -> memref<128xi32, #tpu.memory_space<vmem>>
      %dma_start3A_29 = arith.constant 0 : i32
      %dma_start3A_30 = arith.constant 0 : i32
      %dma_start3A_31 = tpu.memref_slice %arg2[%dma_start3A_29, %dma_start3A_30] : memref<10240x128xf32, #tpu.memory_space<hbm>> -> memref<10240x128xf32, #tpu.memory_space<hbm>>
      tpu.enqueue_indirect_dma source(%dma_start3A_31 : memref<10240x128xf32, #tpu.memory_space<hbm>>) target(%dma_start3A_25 : memref<128x128xf32, #tpu.memory_space<vmem>>) offsets(%dma_start3A_28 : memref<128xi32, #tpu.memory_space<vmem>>) semaphore(%arg11 : memref<!tpu.dma_semaphore, #tpu.memory_space<semaphore_mem>>)
      %dma_start3A_32 = arith.constant 1 : i32
      %dma_start3A_33 = arith.constant 0 : i32
      %dma_start3A_34 = arith.constant 0 : i32
      %dma_start3A_35 = tpu.memref_slice %arg9[%scan3A_11, %dma_start3A_33, %dma_start3A_34] : memref<2x128x128xf32, #tpu.memory_space<vmem>> -> memref<1x128x128xf32, #tpu.memory_space<vmem>>
      %dma_start3A_36 = tpu.memref_squeeze %dma_start3A_35 : memref<1x128x128xf32, #tpu.memory_space<vmem>> -> memref<128x128xf32, #tpu.memory_space<vmem>>
      %dma_start3A_37 = arith.constant 0 : i32
      %dma_start3A_38 = tpu.memref_slice %arg7[%dma_start3A_32, %dma_start3A_37] : memref<40x128xi32, #tpu.memory_space<vmem>> -> memref<1x128xi32, #tpu.memory_space<vmem>>
      %dma_start3A_39 = tpu.memref_squeeze %dma_start3A_38 : memref<1x128xi32, #tpu.memory_space<vmem>> -> memref<128xi32, #tpu.memory_space<vmem>>
      %dma_start3A_40 = arith.constant 0 : i32
      %dma_start3A_41 = arith.constant 0 : i32
      %dma_start3A_42 = tpu.memref_slice %arg2[%dma_start3A_40, %dma_start3A_41] : memref<10240x128xf32, #tpu.memory_space<hbm>> -> memref<10240x128xf32, #tpu.memory_space<hbm>>
      tpu.enqueue_indirect_dma source(%dma_start3A_42 : memref<10240x128xf32, #tpu.memory_space<hbm>>) target(%dma_start3A_36 : memref<128x128xf32, #tpu.memory_space<vmem>>) offsets(%dma_start3A_39 : memref<128xi32, #tpu.memory_space<vmem>>) semaphore(%arg12 : memref<!tpu.dma_semaphore, #tpu.memory_space<semaphore_mem>>)
      %eq3A_43 = arith.constant 0 : i32
      %eq3A_44 = arith.cmpi eq, %scan3A_17, %eq3A_43 : i32
      %convert_element_type3A_45 = arith.extui %eq3A_44 : i1 to i32
      %cond3A_46 = arith.constant 0 : i32
      %cond3A_47 = arith.cmpi ne, %convert_element_type3A_45, %cond3A_46 : i32
      scf.if %cond3A_47 {
        %dma_wait3A_75 = arith.constant 0 : i32
        %dma_wait3A_76 = tpu.memref_slice %arg10[%mul3A_2, %dma_wait3A_75] : memref<10240x128xf32, #tpu.memory_space<vmem_shared>> -> memref<640x128xf32, #tpu.memory_space<vmem_shared>>
        %dma_wait3A_77 = arith.constant 0 : i32
        %dma_wait3A_78 = tpu.memref_slice %arg2[%mul3A_2, %dma_wait3A_77] : memref<10240x128xf32, #tpu.memory_space<hbm>> -> memref<640x128xf32, #tpu.memory_space<hbm>>
        tpu.wait_dma2 semaphore(%arg13 : memref<!tpu.dma_semaphore, #tpu.memory_space<semaphore_mem>>) src(%dma_wait3A_78 : memref<640x128xf32, #tpu.memory_space<hbm>>) dst(%dma_wait3A_76 : memref<640x128xf32, #tpu.memory_space<vmem_shared>>)
        %barrier3A_79 = arith.constant 0 : index
        tpu.barrier barrier_id(%barrier3A_79)
      } else {
      }
      %scan3A_48 = arith.constant 0 : i32
      %scan3A_49 = arith.constant 0 : i32
      %scan3A_50 = arith.constant 20 : i32
      %scan3A_51 = arith.addi %scan3A_49, %scan3A_50 : i32
      %scan3A_52 = arith.constant 1 : i32
      scf.for %scan3A_75 = %scan3A_49 to %scan3A_51 step %scan3A_52  : i32 {
        %mul3A_76 = arith.constant 2 : i32
        %mul3A_77 = arith.muli %mul3A_76, %scan3A_75 : i32
        %dma_wait3A_78 = arith.constant 0 : i32
        %dma_wait3A_79 = arith.constant 0 : i32
        %dma_wait3A_80 = arith.constant 0 : i32
        %dma_wait3A_81 = tpu.memref_slice %arg9[%scan3A_10, %dma_wait3A_79, %dma_wait3A_80] : memref<2x128x128xf32, #tpu.memory_space<vmem>> -> memref<1x128x128xf32, #tpu.memory_space<vmem>>
        %dma_wait3A_82 = tpu.memref_squeeze %dma_wait3A_81 : memref<1x128x128xf32, #tpu.memory_space<vmem>> -> memref<128x128xf32, #tpu.memory_space<vmem>>
        %dma_wait3A_83 = arith.constant 0 : i32
        %dma_wait3A_84 = tpu.memref_slice %arg7[%dma_wait3A_78, %dma_wait3A_83] : memref<40x128xi32, #tpu.memory_space<vmem>> -> memref<1x128xi32, #tpu.memory_space<vmem>>
        %dma_wait3A_85 = tpu.memref_squeeze %dma_wait3A_84 : memref<1x128xi32, #tpu.memory_space<vmem>> -> memref<128xi32, #tpu.memory_space<vmem>>
        %dma_wait3A_86 = arith.constant 0 : i32
        %dma_wait3A_87 = arith.constant 0 : i32
        %dma_wait3A_88 = tpu.memref_slice %arg2[%dma_wait3A_86, %dma_wait3A_87] : memref<10240x128xf32, #tpu.memory_space<hbm>> -> memref<10240x128xf32, #tpu.memory_space<hbm>>
        tpu.wait_indirect_dma semaphore(%arg11 : memref<!tpu.dma_semaphore, #tpu.memory_space<semaphore_mem>>) src(%dma_wait3A_88 : memref<10240x128xf32, #tpu.memory_space<hbm>>) dst(%dma_wait3A_82 : memref<128x128xf32, #tpu.memory_space<vmem>>)
        "tpu.region"() ({
          %run_scoped3A = tpu.sem_alloc : memref<!tpu.dma_semaphore, #tpu.memory_space<semaphore_mem>>
          %dma_start3A_129 = arith.constant 0 : i32
          %dma_start3A_130 = arith.constant 0 : i32
          %dma_start3A_131 = tpu.memref_slice %arg9[%scan3A_10, %dma_start3A_129, %dma_start3A_130] : memref<2x128x128xf32, #tpu.memory_space<vmem>> -> memref<1x128x128xf32, #tpu.memory_space<vmem>>
          %dma_start3A_132 = tpu.memref_squeeze %dma_start3A_131 : memref<1x128x128xf32, #tpu.memory_space<vmem>> -> memref<128x128xf32, #tpu.memory_space<vmem>>
          %dma_start3A_133 = arith.constant 0 : i32
          %dma_start3A_134 = tpu.memref_slice %arg8[%mul3A_77, %dma_start3A_133] : memref<40x128xi32, #tpu.memory_space<vmem>> -> memref<1x128xi32, #tpu.memory_space<vmem>>
          %dma_start3A_135 = tpu.memref_squeeze %dma_start3A_134 : memref<1x128xi32, #tpu.memory_space<vmem>> -> memref<128xi32, #tpu.memory_space<vmem>>
          %dma_start3A_136 = arith.constant 0 : i32
          %dma_start3A_137 = arith.constant 0 : i32
          %dma_start3A_138 = tpu.memref_slice %arg10[%dma_start3A_136, %dma_start3A_137] : memref<10240x128xf32, #tpu.memory_space<vmem_shared>> -> memref<10240x128xf32, #tpu.memory_space<vmem_shared>>
          tpu.enqueue_indirect_dma source(%dma_start3A_132 : memref<128x128xf32, #tpu.memory_space<vmem>>) target(%dma_start3A_138 : memref<10240x128xf32, #tpu.memory_space<vmem_shared>>) offsets(%dma_start3A_135 : memref<128xi32, #tpu.memory_space<vmem>>) semaphore(%run_scoped3A : memref<!tpu.dma_semaphore, #tpu.memory_space<semaphore_mem>>) {add = true}
          %dma_wait3A_139 = arith.constant 0 : i32
          %dma_wait3A_140 = arith.constant 0 : i32
          %dma_wait3A_141 = tpu.memref_slice %arg9[%scan3A_10, %dma_wait3A_139, %dma_wait3A_140] : memref<2x128x128xf32, #tpu.memory_space<vmem>> -> memref<1x128x128xf32, #tpu.memory_space<vmem>>
          %dma_wait3A_142 = tpu.memref_squeeze %dma_wait3A_141 : memref<1x128x128xf32, #tpu.memory_space<vmem>> -> memref<128x128xf32, #tpu.memory_space<vmem>>
          %dma_wait3A_143 = arith.constant 0 : i32
          %dma_wait3A_144 = tpu.memref_slice %arg8[%mul3A_77, %dma_wait3A_143] : memref<40x128xi32, #tpu.memory_space<vmem>> -> memref<1x128xi32, #tpu.memory_space<vmem>>
          %dma_wait3A_145 = tpu.memref_squeeze %dma_wait3A_144 : memref<1x128xi32, #tpu.memory_space<vmem>> -> memref<128xi32, #tpu.memory_space<vmem>>
          %dma_wait3A_146 = arith.constant 0 : i32
          %dma_wait3A_147 = arith.constant 0 : i32
          %dma_wait3A_148 = tpu.memref_slice %arg10[%dma_wait3A_146, %dma_wait3A_147] : memref<10240x128xf32, #tpu.memory_space<vmem_shared>> -> memref<10240x128xf32, #tpu.memory_space<vmem_shared>>
          tpu.wait_indirect_dma semaphore(%run_scoped3A : memref<!tpu.dma_semaphore, #tpu.memory_space<semaphore_mem>>) src(%dma_wait3A_142 : memref<128x128xf32, #tpu.memory_space<vmem>>) dst(%dma_wait3A_148 : memref<10240x128xf32, #tpu.memory_space<vmem_shared>>)
          tpu.yield
        }) : () -> ()
        %add3A_89 = arith.constant 2 : i32
        %add3A_90 = arith.addi %mul3A_77, %add3A_89 : i32
        %min3A = arith.constant 39 : i32
        %min3A_91 = arith.minsi %add3A_90, %min3A : i32
        %dma_start3A_92 = arith.constant 0 : i32
        %dma_start3A_93 = arith.constant 0 : i32
        %dma_start3A_94 = tpu.memref_slice %arg9[%scan3A_10, %dma_start3A_92, %dma_start3A_93] : memref<2x128x128xf32, #tpu.memory_space<vmem>> -> memref<1x128x128xf32, #tpu.memory_space<vmem>>
        %dma_start3A_95 = tpu.memref_squeeze %dma_start3A_94 : memref<1x128x128xf32, #tpu.memory_space<vmem>> -> memref<128x128xf32, #tpu.memory_space<vmem>>
        %dma_start3A_96 = arith.constant 0 : i32
        %dma_start3A_97 = tpu.memref_slice %arg7[%min3A_91, %dma_start3A_96] : memref<40x128xi32, #tpu.memory_space<vmem>> -> memref<1x128xi32, #tpu.memory_space<vmem>>
        %dma_start3A_98 = tpu.memref_squeeze %dma_start3A_97 : memref<1x128xi32, #tpu.memory_space<vmem>> -> memref<128xi32, #tpu.memory_space<vmem>>
        %dma_start3A_99 = arith.constant 0 : i32
        %dma_start3A_100 = arith.constant 0 : i32
        %dma_start3A_101 = tpu.memref_slice %arg2[%dma_start3A_99, %dma_start3A_100] : memref<10240x128xf32, #tpu.memory_space<hbm>> -> memref<10240x128xf32, #tpu.memory_space<hbm>>
        tpu.enqueue_indirect_dma source(%dma_start3A_101 : memref<10240x128xf32, #tpu.memory_space<hbm>>) target(%dma_start3A_95 : memref<128x128xf32, #tpu.memory_space<vmem>>) offsets(%dma_start3A_98 : memref<128xi32, #tpu.memory_space<vmem>>) semaphore(%arg11 : memref<!tpu.dma_semaphore, #tpu.memory_space<semaphore_mem>>)
        %dma_wait3A_102 = arith.constant 0 : i32
        %dma_wait3A_103 = arith.constant 0 : i32
        %dma_wait3A_104 = arith.constant 0 : i32
        %dma_wait3A_105 = tpu.memref_slice %arg9[%scan3A_11, %dma_wait3A_103, %dma_wait3A_104] : memref<2x128x128xf32, #tpu.memory_space<vmem>> -> memref<1x128x128xf32, #tpu.memory_space<vmem>>
        %dma_wait3A_106 = tpu.memref_squeeze %dma_wait3A_105 : memref<1x128x128xf32, #tpu.memory_space<vmem>> -> memref<128x128xf32, #tpu.memory_space<vmem>>
        %dma_wait3A_107 = arith.constant 0 : i32
        %dma_wait3A_108 = tpu.memref_slice %arg7[%dma_wait3A_102, %dma_wait3A_107] : memref<40x128xi32, #tpu.memory_space<vmem>> -> memref<1x128xi32, #tpu.memory_space<vmem>>
        %dma_wait3A_109 = tpu.memref_squeeze %dma_wait3A_108 : memref<1x128xi32, #tpu.memory_space<vmem>> -> memref<128xi32, #tpu.memory_space<vmem>>
        %dma_wait3A_110 = arith.constant 0 : i32
        %dma_wait3A_111 = arith.constant 0 : i32
        %dma_wait3A_112 = tpu.memref_slice %arg2[%dma_wait3A_110, %dma_wait3A_111] : memref<10240x128xf32, #tpu.memory_space<hbm>> -> memref<10240x128xf32, #tpu.memory_space<hbm>>
        tpu.wait_indirect_dma semaphore(%arg12 : memref<!tpu.dma_semaphore, #tpu.memory_space<semaphore_mem>>) src(%dma_wait3A_112 : memref<10240x128xf32, #tpu.memory_space<hbm>>) dst(%dma_wait3A_106 : memref<128x128xf32, #tpu.memory_space<vmem>>)
        %add3A_113 = arith.constant 1 : i32
        %add3A_114 = arith.addi %mul3A_77, %add3A_113 : i32
        "tpu.region"() ({
          %run_scoped3A = tpu.sem_alloc : memref<!tpu.dma_semaphore, #tpu.memory_space<semaphore_mem>>
          %dma_start3A_129 = arith.constant 0 : i32
          %dma_start3A_130 = arith.constant 0 : i32
          %dma_start3A_131 = tpu.memref_slice %arg9[%scan3A_11, %dma_start3A_129, %dma_start3A_130] : memref<2x128x128xf32, #tpu.memory_space<vmem>> -> memref<1x128x128xf32, #tpu.memory_space<vmem>>
          %dma_start3A_132 = tpu.memref_squeeze %dma_start3A_131 : memref<1x128x128xf32, #tpu.memory_space<vmem>> -> memref<128x128xf32, #tpu.memory_space<vmem>>
          %dma_start3A_133 = arith.constant 0 : i32
          %dma_start3A_134 = tpu.memref_slice %arg8[%add3A_114, %dma_start3A_133] : memref<40x128xi32, #tpu.memory_space<vmem>> -> memref<1x128xi32, #tpu.memory_space<vmem>>
          %dma_start3A_135 = tpu.memref_squeeze %dma_start3A_134 : memref<1x128xi32, #tpu.memory_space<vmem>> -> memref<128xi32, #tpu.memory_space<vmem>>
          %dma_start3A_136 = arith.constant 0 : i32
          %dma_start3A_137 = arith.constant 0 : i32
          %dma_start3A_138 = tpu.memref_slice %arg10[%dma_start3A_136, %dma_start3A_137] : memref<10240x128xf32, #tpu.memory_space<vmem_shared>> -> memref<10240x128xf32, #tpu.memory_space<vmem_shared>>
          tpu.enqueue_indirect_dma source(%dma_start3A_132 : memref<128x128xf32, #tpu.memory_space<vmem>>) target(%dma_start3A_138 : memref<10240x128xf32, #tpu.memory_space<vmem_shared>>) offsets(%dma_start3A_135 : memref<128xi32, #tpu.memory_space<vmem>>) semaphore(%run_scoped3A : memref<!tpu.dma_semaphore, #tpu.memory_space<semaphore_mem>>) {add = true}
          %dma_wait3A_139 = arith.constant 0 : i32
          %dma_wait3A_140 = arith.constant 0 : i32
          %dma_wait3A_141 = tpu.memref_slice %arg9[%scan3A_11, %dma_wait3A_139, %dma_wait3A_140] : memref<2x128x128xf32, #tpu.memory_space<vmem>> -> memref<1x128x128xf32, #tpu.memory_space<vmem>>
          %dma_wait3A_142 = tpu.memref_squeeze %dma_wait3A_141 : memref<1x128x128xf32, #tpu.memory_space<vmem>> -> memref<128x128xf32, #tpu.memory_space<vmem>>
          %dma_wait3A_143 = arith.constant 0 : i32
          %dma_wait3A_144 = tpu.memref_slice %arg8[%add3A_114, %dma_wait3A_143] : memref<40x128xi32, #tpu.memory_space<vmem>> -> memref<1x128xi32, #tpu.memory_space<vmem>>
          %dma_wait3A_145 = tpu.memref_squeeze %dma_wait3A_144 : memref<1x128xi32, #tpu.memory_space<vmem>> -> memref<128xi32, #tpu.memory_space<vmem>>
          %dma_wait3A_146 = arith.constant 0 : i32
          %dma_wait3A_147 = arith.constant 0 : i32
          %dma_wait3A_148 = tpu.memref_slice %arg10[%dma_wait3A_146, %dma_wait3A_147] : memref<10240x128xf32, #tpu.memory_space<vmem_shared>> -> memref<10240x128xf32, #tpu.memory_space<vmem_shared>>
          tpu.wait_indirect_dma semaphore(%run_scoped3A : memref<!tpu.dma_semaphore, #tpu.memory_space<semaphore_mem>>) src(%dma_wait3A_142 : memref<128x128xf32, #tpu.memory_space<vmem>>) dst(%dma_wait3A_148 : memref<10240x128xf32, #tpu.memory_space<vmem_shared>>)
          tpu.yield
        }) : () -> ()
        %add3A_115 = arith.constant 3 : i32
        %add3A_116 = arith.addi %mul3A_77, %add3A_115 : i32
        %min3A_117 = arith.constant 39 : i32
        %min3A_118 = arith.minsi %add3A_116, %min3A_117 : i32
        %dma_start3A_119 = arith.constant 0 : i32
        %dma_start3A_120 = arith.constant 0 : i32
        %dma_start3A_121 = tpu.memref_slice %arg9[%scan3A_11, %dma_start3A_119, %dma_start3A_120] : memref<2x128x128xf32, #tpu.memory_space<vmem>> -> memref<1x128x128xf32, #tpu.memory_space<vmem>>
        %dma_start3A_122 = tpu.memref_squeeze %dma_start3A_121 : memref<1x128x128xf32, #tpu.memory_space<vmem>> -> memref<128x128xf32, #tpu.memory_space<vmem>>
        %dma_start3A_123 = arith.constant 0 : i32
        %dma_start3A_124 = tpu.memref_slice %arg7[%min3A_118, %dma_start3A_123] : memref<40x128xi32, #tpu.memory_space<vmem>> -> memref<1x128xi32, #tpu.memory_space<vmem>>
        %dma_start3A_125 = tpu.memref_squeeze %dma_start3A_124 : memref<1x128xi32, #tpu.memory_space<vmem>> -> memref<128xi32, #tpu.memory_space<vmem>>
        %dma_start3A_126 = arith.constant 0 : i32
        %dma_start3A_127 = arith.constant 0 : i32
        %dma_start3A_128 = tpu.memref_slice %arg2[%dma_start3A_126, %dma_start3A_127] : memref<10240x128xf32, #tpu.memory_space<hbm>> -> memref<10240x128xf32, #tpu.memory_space<hbm>>
        tpu.enqueue_indirect_dma source(%dma_start3A_128 : memref<10240x128xf32, #tpu.memory_space<hbm>>) target(%dma_start3A_122 : memref<128x128xf32, #tpu.memory_space<vmem>>) offsets(%dma_start3A_125 : memref<128xi32, #tpu.memory_space<vmem>>) semaphore(%arg12 : memref<!tpu.dma_semaphore, #tpu.memory_space<semaphore_mem>>)
      }
      %scan3A_53 = arith.constant 20 : i32
      %dma_wait3A = arith.constant 0 : i32
      %dma_wait3A_54 = arith.constant 0 : i32
      %dma_wait3A_55 = arith.constant 0 : i32
      %dma_wait3A_56 = tpu.memref_slice %arg9[%scan3A_10, %dma_wait3A_54, %dma_wait3A_55] : memref<2x128x128xf32, #tpu.memory_space<vmem>> -> memref<1x128x128xf32, #tpu.memory_space<vmem>>
      %dma_wait3A_57 = tpu.memref_squeeze %dma_wait3A_56 : memref<1x128x128xf32, #tpu.memory_space<vmem>> -> memref<128x128xf32, #tpu.memory_space<vmem>>
      %dma_wait3A_58 = arith.constant 0 : i32
      %dma_wait3A_59 = tpu.memref_slice %arg7[%dma_wait3A, %dma_wait3A_58] : memref<40x128xi32, #tpu.memory_space<vmem>> -> memref<1x128xi32, #tpu.memory_space<vmem>>
      %dma_wait3A_60 = tpu.memref_squeeze %dma_wait3A_59 : memref<1x128xi32, #tpu.memory_space<vmem>> -> memref<128xi32, #tpu.memory_space<vmem>>
      %dma_wait3A_61 = arith.constant 0 : i32
      %dma_wait3A_62 = arith.constant 0 : i32
      %dma_wait3A_63 = tpu.memref_slice %arg2[%dma_wait3A_61, %dma_wait3A_62] : memref<10240x128xf32, #tpu.memory_space<hbm>> -> memref<10240x128xf32, #tpu.memory_space<hbm>>
      tpu.wait_indirect_dma semaphore(%arg11 : memref<!tpu.dma_semaphore, #tpu.memory_space<semaphore_mem>>) src(%dma_wait3A_63 : memref<10240x128xf32, #tpu.memory_space<hbm>>) dst(%dma_wait3A_57 : memref<128x128xf32, #tpu.memory_space<vmem>>)
      %dma_wait3A_64 = arith.constant 0 : i32
      %dma_wait3A_65 = arith.constant 0 : i32
      %dma_wait3A_66 = arith.constant 0 : i32
      %dma_wait3A_67 = tpu.memref_slice %arg9[%scan3A_11, %dma_wait3A_65, %dma_wait3A_66] : memref<2x128x128xf32, #tpu.memory_space<vmem>> -> memref<1x128x128xf32, #tpu.memory_space<vmem>>
      %dma_wait3A_68 = tpu.memref_squeeze %dma_wait3A_67 : memref<1x128x128xf32, #tpu.memory_space<vmem>> -> memref<128x128xf32, #tpu.memory_space<vmem>>
      %dma_wait3A_69 = arith.constant 0 : i32
      %dma_wait3A_70 = tpu.memref_slice %arg7[%dma_wait3A_64, %dma_wait3A_69] : memref<40x128xi32, #tpu.memory_space<vmem>> -> memref<1x128xi32, #tpu.memory_space<vmem>>
      %dma_wait3A_71 = tpu.memref_squeeze %dma_wait3A_70 : memref<1x128xi32, #tpu.memory_space<vmem>> -> memref<128xi32, #tpu.memory_space<vmem>>
      %dma_wait3A_72 = arith.constant 0 : i32
      %dma_wait3A_73 = arith.constant 0 : i32
      %dma_wait3A_74 = tpu.memref_slice %arg2[%dma_wait3A_72, %dma_wait3A_73] : memref<10240x128xf32, #tpu.memory_space<hbm>> -> memref<10240x128xf32, #tpu.memory_space<hbm>>
      tpu.wait_indirect_dma semaphore(%arg12 : memref<!tpu.dma_semaphore, #tpu.memory_space<semaphore_mem>>) src(%dma_wait3A_74 : memref<10240x128xf32, #tpu.memory_space<hbm>>) dst(%dma_wait3A_68 : memref<128x128xf32, #tpu.memory_space<vmem>>)
    }
    %scan3A_16 = arith.constant 2 : i32
    %barrier3A = arith.constant 0 : index
    tpu.barrier barrier_id(%barrier3A)
    "tpu.region"() ({
      %run_scoped3A = tpu.sem_alloc : memref<!tpu.dma_semaphore, #tpu.memory_space<semaphore_mem>>
      %dma_start3A = arith.constant 0 : i32
      %dma_start3A_17 = arith.constant 0 : i32
      %dma_start3A_18 = tpu.memref_slice %arg6[%arg0, %dma_start3A, %dma_start3A_17] : memref<2x10240x128xf32, #tpu.memory_space<hbm>> -> memref<1x10240x128xf32, #tpu.memory_space<hbm>>
      %dma_start3A_19 = tpu.memref_squeeze %dma_start3A_18 : memref<1x10240x128xf32, #tpu.memory_space<hbm>> -> memref<10240x128xf32, #tpu.memory_space<hbm>>
      %dma_start3A_20 = arith.constant 0 : i32
      %dma_start3A_21 = tpu.memref_slice %dma_start3A_19[%mul3A_2, %dma_start3A_20] : memref<10240x128xf32, #tpu.memory_space<hbm>> -> memref<640x128xf32, #tpu.memory_space<hbm>>
      %dma_start3A_22 = arith.constant 0 : i32
      %dma_start3A_23 = tpu.memref_slice %arg10[%mul3A_2, %dma_start3A_22] : memref<10240x128xf32, #tpu.memory_space<vmem_shared>> -> memref<640x128xf32, #tpu.memory_space<vmem_shared>>
      tpu.enqueue_dma source(%dma_start3A_23 : memref<640x128xf32, #tpu.memory_space<vmem_shared>>) target(%dma_start3A_21 : memref<640x128xf32, #tpu.memory_space<hbm>>) target_semaphore(%run_scoped3A : memref<!tpu.dma_semaphore, #tpu.memory_space<semaphore_mem>>)
      %dma_wait3A = arith.constant 0 : i32
      %dma_wait3A_24 = arith.constant 0 : i32
      %dma_wait3A_25 = tpu.memref_slice %arg6[%arg0, %dma_wait3A, %dma_wait3A_24] : memref<2x10240x128xf32, #tpu.memory_space<hbm>> -> memref<1x10240x128xf32, #tpu.memory_space<hbm>>
      %dma_wait3A_26 = tpu.memref_squeeze %dma_wait3A_25 : memref<1x10240x128xf32, #tpu.memory_space<hbm>> -> memref<10240x128xf32, #tpu.memory_space<hbm>>
      %dma_wait3A_27 = arith.constant 0 : i32
      %dma_wait3A_28 = tpu.memref_slice %dma_wait3A_26[%mul3A_2, %dma_wait3A_27] : memref<10240x128xf32, #tpu.memory_space<hbm>> -> memref<640x128xf32, #tpu.memory_space<hbm>>
      %dma_wait3A_29 = arith.constant 0 : i32
      %dma_wait3A_30 = tpu.memref_slice %arg10[%mul3A_2, %dma_wait3A_29] : memref<10240x128xf32, #tpu.memory_space<vmem_shared>> -> memref<640x128xf32, #tpu.memory_space<vmem_shared>>
      tpu.wait_dma2 semaphore(%run_scoped3A : memref<!tpu.dma_semaphore, #tpu.memory_space<semaphore_mem>>) src(%dma_wait3A_30 : memref<640x128xf32, #tpu.memory_space<vmem_shared>>) dst(%dma_wait3A_28 : memref<640x128xf32, #tpu.memory_space<hbm>>)
      tpu.yield
    }) : () -> ()
    return
  }
}

#map = affine_map<(d0, d1) -> (0, 0, 0)>
#map1 = affine_map<(d0, d1) -> (0)>
#map2 = affine_map<(d0, d1) -> (0, 0)>
module attributes {stable_mosaic.version = 14 : i64} {
  func.func @_deg_body(%arg0: i32, %arg1: i32, %arg2: memref<32x80x128xi32, #tpu.memory_space<hbm>>, %arg3: memref<10240xf32, #tpu.memory_space<hbm>>, %arg4: memref<2x10240xf32, #tpu.memory_space<hbm>>, %arg5: memref<80x128xi32, #tpu.memory_space<vmem>>, %arg6: memref<10240xf32, #tpu.memory_space<vmem>>, %arg7: memref<640xf32, #tpu.memory_space<vmem>>, %arg8: memref<640xf32, #tpu.memory_space<vmem>>, %arg9: memref<16x10240xf32, #tpu.memory_space<vmem_shared>>) attributes {dimension_semantics = [#tpu.dimension_semantics<core_parallel>, #tpu.dimension_semantics<subcore_parallel>], iteration_bounds = array<i64: 2, 16>, scalar_prefetch = 0 : i64, scratch_operands = 5 : i64, tpu.core_type = #tpu.core_type<sc_vector_subcore>, window_params = [{transform_indices = #map}, {transform_indices = #map1}, {transform_indices = #map2}]} {
    %mul3A = arith.constant 2 : i32
    %mul3A_0 = arith.muli %arg1, %mul3A : i32
    %add3A = arith.addi %mul3A_0, %arg0 : i32
    %mul3A_1 = arith.constant 640 : i32
    %mul3A_2 = arith.muli %arg1, %mul3A_1 : i32
    "tpu.region"() ({
      %run_scoped3A = tpu.sem_alloc : memref<!tpu.dma_semaphore, #tpu.memory_space<semaphore_mem>>
      %dma_start3A = arith.constant 0 : i32
      %dma_start3A_15 = arith.constant 0 : i32
      %dma_start3A_16 = tpu.memref_slice %arg2[%add3A, %dma_start3A, %dma_start3A_15] : memref<32x80x128xi32, #tpu.memory_space<hbm>> -> memref<1x80x128xi32, #tpu.memory_space<hbm>>
      %dma_start3A_17 = tpu.memref_squeeze %dma_start3A_16 : memref<1x80x128xi32, #tpu.memory_space<hbm>> -> memref<80x128xi32, #tpu.memory_space<hbm>>
      %dma_start3A_18 = arith.constant 0 : i32
      %dma_start3A_19 = arith.constant 0 : i32
      %dma_start3A_20 = tpu.memref_slice %arg2[%add3A, %dma_start3A_18, %dma_start3A_19] : memref<32x80x128xi32, #tpu.memory_space<hbm>> -> memref<1x80x128xi32, #tpu.memory_space<hbm>>
      %dma_start3A_21 = tpu.memref_squeeze %dma_start3A_20 : memref<1x80x128xi32, #tpu.memory_space<hbm>> -> memref<80x128xi32, #tpu.memory_space<hbm>>
      tpu.enqueue_dma source(%dma_start3A_21 : memref<80x128xi32, #tpu.memory_space<hbm>>) target(%arg5 : memref<80x128xi32, #tpu.memory_space<vmem>>) target_semaphore(%run_scoped3A : memref<!tpu.dma_semaphore, #tpu.memory_space<semaphore_mem>>)
      %dma_wait3A = arith.constant 0 : i32
      %dma_wait3A_22 = arith.constant 0 : i32
      %dma_wait3A_23 = tpu.memref_slice %arg2[%add3A, %dma_wait3A, %dma_wait3A_22] : memref<32x80x128xi32, #tpu.memory_space<hbm>> -> memref<1x80x128xi32, #tpu.memory_space<hbm>>
      %dma_wait3A_24 = tpu.memref_squeeze %dma_wait3A_23 : memref<1x80x128xi32, #tpu.memory_space<hbm>> -> memref<80x128xi32, #tpu.memory_space<hbm>>
      %dma_wait3A_25 = arith.constant 0 : i32
      %dma_wait3A_26 = arith.constant 0 : i32
      %dma_wait3A_27 = tpu.memref_slice %arg2[%add3A, %dma_wait3A_25, %dma_wait3A_26] : memref<32x80x128xi32, #tpu.memory_space<hbm>> -> memref<1x80x128xi32, #tpu.memory_space<hbm>>
      %dma_wait3A_28 = tpu.memref_squeeze %dma_wait3A_27 : memref<1x80x128xi32, #tpu.memory_space<hbm>> -> memref<80x128xi32, #tpu.memory_space<hbm>>
      tpu.wait_dma2 semaphore(%run_scoped3A : memref<!tpu.dma_semaphore, #tpu.memory_space<semaphore_mem>>) src(%dma_wait3A_28 : memref<80x128xi32, #tpu.memory_space<hbm>>) dst(%arg5 : memref<80x128xi32, #tpu.memory_space<vmem>>)
      tpu.yield
    }) : () -> ()
    "tpu.region"() ({
      %run_scoped3A = tpu.sem_alloc : memref<!tpu.dma_semaphore, #tpu.memory_space<semaphore_mem>>
      tpu.enqueue_dma source(%arg3 : memref<10240xf32, #tpu.memory_space<hbm>>) target(%arg6 : memref<10240xf32, #tpu.memory_space<vmem>>) target_semaphore(%run_scoped3A : memref<!tpu.dma_semaphore, #tpu.memory_space<semaphore_mem>>)
      tpu.wait_dma2 semaphore(%run_scoped3A : memref<!tpu.dma_semaphore, #tpu.memory_space<semaphore_mem>>) src(%arg3 : memref<10240xf32, #tpu.memory_space<hbm>>) dst(%arg6 : memref<10240xf32, #tpu.memory_space<vmem>>)
      tpu.yield
    }) : () -> ()
    %broadcast_in_dim3A = arith.constant 1.000000e+00 : f32
    %broadcast_in_dim3A_3 = vector.broadcast %broadcast_in_dim3A : f32 to vector<16xf32>
    %scan3A = arith.constant 0 : i32
    %scan3A_4 = arith.constant 0 : i32
    %scan3A_5 = arith.constant 80 : i32
    %scan3A_6 = arith.addi %scan3A_4, %scan3A_5 : i32
    %scan3A_7 = arith.constant 1 : i32
    scf.for %scan3A_15 = %scan3A_4 to %scan3A_6 step %scan3A_7  : i32 {
      %get3A = arith.index_cast %scan3A_15 : i32 to index
      %get3A_16 = arith.constant 0 : index
      %get3A_17 = tpu.vector_load %arg5[%get3A, %get3A_16] {strides = array<i32>} : memref<80x128xi32, #tpu.memory_space<vmem>>, vector<16xi32>,
      tpu.vector_store_idx %arg6[%get3A_17], %broadcast_in_dim3A_3 {add = true} : memref<10240xf32, #tpu.memory_space<vmem>>[vector<16xi32>], vector<16xf32>,
      %get3A_18 = arith.index_cast %scan3A_15 : i32 to index
      %get3A_19 = arith.constant 16 : index
      %get3A_20 = tpu.vector_load %arg5[%get3A_18, %get3A_19] {strides = array<i32>} : memref<80x128xi32, #tpu.memory_space<vmem>>, vector<16xi32>,
      tpu.vector_store_idx %arg6[%get3A_20], %broadcast_in_dim3A_3 {add = true} : memref<10240xf32, #tpu.memory_space<vmem>>[vector<16xi32>], vector<16xf32>,
      %get3A_21 = arith.index_cast %scan3A_15 : i32 to index
      %get3A_22 = arith.constant 32 : index
      %get3A_23 = tpu.vector_load %arg5[%get3A_21, %get3A_22] {strides = array<i32>} : memref<80x128xi32, #tpu.memory_space<vmem>>, vector<16xi32>,
      tpu.vector_store_idx %arg6[%get3A_23], %broadcast_in_dim3A_3 {add = true} : memref<10240xf32, #tpu.memory_space<vmem>>[vector<16xi32>], vector<16xf32>,
      %get3A_24 = arith.index_cast %scan3A_15 : i32 to index
      %get3A_25 = arith.constant 48 : index
      %get3A_26 = tpu.vector_load %arg5[%get3A_24, %get3A_25] {strides = array<i32>} : memref<80x128xi32, #tpu.memory_space<vmem>>, vector<16xi32>,
      tpu.vector_store_idx %arg6[%get3A_26], %broadcast_in_dim3A_3 {add = true} : memref<10240xf32, #tpu.memory_space<vmem>>[vector<16xi32>], vector<16xf32>,
      %get3A_27 = arith.index_cast %scan3A_15 : i32 to index
      %get3A_28 = arith.constant 64 : index
      %get3A_29 = tpu.vector_load %arg5[%get3A_27, %get3A_28] {strides = array<i32>} : memref<80x128xi32, #tpu.memory_space<vmem>>, vector<16xi32>,
      tpu.vector_store_idx %arg6[%get3A_29], %broadcast_in_dim3A_3 {add = true} : memref<10240xf32, #tpu.memory_space<vmem>>[vector<16xi32>], vector<16xf32>,
      %get3A_30 = arith.index_cast %scan3A_15 : i32 to index
      %get3A_31 = arith.constant 80 : index
      %get3A_32 = tpu.vector_load %arg5[%get3A_30, %get3A_31] {strides = array<i32>} : memref<80x128xi32, #tpu.memory_space<vmem>>, vector<16xi32>,
      tpu.vector_store_idx %arg6[%get3A_32], %broadcast_in_dim3A_3 {add = true} : memref<10240xf32, #tpu.memory_space<vmem>>[vector<16xi32>], vector<16xf32>,
      %get3A_33 = arith.index_cast %scan3A_15 : i32 to index
      %get3A_34 = arith.constant 96 : index
      %get3A_35 = tpu.vector_load %arg5[%get3A_33, %get3A_34] {strides = array<i32>} : memref<80x128xi32, #tpu.memory_space<vmem>>, vector<16xi32>,
      tpu.vector_store_idx %arg6[%get3A_35], %broadcast_in_dim3A_3 {add = true} : memref<10240xf32, #tpu.memory_space<vmem>>[vector<16xi32>], vector<16xf32>,
      %get3A_36 = arith.index_cast %scan3A_15 : i32 to index
      %get3A_37 = arith.constant 112 : index
      %get3A_38 = tpu.vector_load %arg5[%get3A_36, %get3A_37] {strides = array<i32>} : memref<80x128xi32, #tpu.memory_space<vmem>>, vector<16xi32>,
      tpu.vector_store_idx %arg6[%get3A_38], %broadcast_in_dim3A_3 {add = true} : memref<10240xf32, #tpu.memory_space<vmem>>[vector<16xi32>], vector<16xf32>,
    }
    %scan3A_8 = arith.constant 80 : i32
    "tpu.region"() ({
      %run_scoped3A = tpu.sem_alloc : memref<!tpu.dma_semaphore, #tpu.memory_space<semaphore_mem>>
      %dma_start3A = arith.constant 0 : i32
      %dma_start3A_15 = tpu.memref_slice %arg9[%arg1, %dma_start3A] : memref<16x10240xf32, #tpu.memory_space<vmem_shared>> -> memref<1x10240xf32, #tpu.memory_space<vmem_shared>>
      %dma_start3A_16 = tpu.memref_squeeze %dma_start3A_15 : memref<1x10240xf32, #tpu.memory_space<vmem_shared>> -> memref<10240xf32, #tpu.memory_space<vmem_shared>>
      %dma_start3A_17 = arith.constant 0 : i32
      %dma_start3A_18 = tpu.memref_slice %arg9[%arg1, %dma_start3A_17] : memref<16x10240xf32, #tpu.memory_space<vmem_shared>> -> memref<1x10240xf32, #tpu.memory_space<vmem_shared>>
      %dma_start3A_19 = tpu.memref_squeeze %dma_start3A_18 : memref<1x10240xf32, #tpu.memory_space<vmem_shared>> -> memref<10240xf32, #tpu.memory_space<vmem_shared>>
      tpu.enqueue_dma source(%arg6 : memref<10240xf32, #tpu.memory_space<vmem>>) target(%dma_start3A_19 : memref<10240xf32, #tpu.memory_space<vmem_shared>>) target_semaphore(%run_scoped3A : memref<!tpu.dma_semaphore, #tpu.memory_space<semaphore_mem>>)
      %dma_wait3A = arith.constant 0 : i32
      %dma_wait3A_20 = tpu.memref_slice %arg9[%arg1, %dma_wait3A] : memref<16x10240xf32, #tpu.memory_space<vmem_shared>> -> memref<1x10240xf32, #tpu.memory_space<vmem_shared>>
      %dma_wait3A_21 = tpu.memref_squeeze %dma_wait3A_20 : memref<1x10240xf32, #tpu.memory_space<vmem_shared>> -> memref<10240xf32, #tpu.memory_space<vmem_shared>>
      %dma_wait3A_22 = arith.constant 0 : i32
      %dma_wait3A_23 = tpu.memref_slice %arg9[%arg1, %dma_wait3A_22] : memref<16x10240xf32, #tpu.memory_space<vmem_shared>> -> memref<1x10240xf32, #tpu.memory_space<vmem_shared>>
      %dma_wait3A_24 = tpu.memref_squeeze %dma_wait3A_23 : memref<1x10240xf32, #tpu.memory_space<vmem_shared>> -> memref<10240xf32, #tpu.memory_space<vmem_shared>>
      tpu.wait_dma2 semaphore(%run_scoped3A : memref<!tpu.dma_semaphore, #tpu.memory_space<semaphore_mem>>) src(%arg6 : memref<10240xf32, #tpu.memory_space<vmem>>) dst(%dma_wait3A_24 : memref<10240xf32, #tpu.memory_space<vmem_shared>>)
      tpu.yield
    }) : () -> ()
    "tpu.region"() ({
      %run_scoped3A = tpu.sem_alloc : memref<!tpu.dma_semaphore, #tpu.memory_space<semaphore_mem>>
      %dma_start3A = arith.constant 0 : i32
      %dma_start3A_15 = tpu.memref_slice %arg3[%dma_start3A] : memref<10240xf32, #tpu.memory_space<hbm>> -> memref<640xf32, #tpu.memory_space<hbm>>
      %dma_start3A_16 = arith.constant 0 : i32
      %dma_start3A_17 = tpu.memref_slice %arg3[%dma_start3A_16] : memref<10240xf32, #tpu.memory_space<hbm>> -> memref<640xf32, #tpu.memory_space<hbm>>
      tpu.enqueue_dma source(%dma_start3A_17 : memref<640xf32, #tpu.memory_space<hbm>>) target(%arg8 : memref<640xf32, #tpu.memory_space<vmem>>) target_semaphore(%run_scoped3A : memref<!tpu.dma_semaphore, #tpu.memory_space<semaphore_mem>>)
      %dma_wait3A = arith.constant 0 : i32
      %dma_wait3A_18 = tpu.memref_slice %arg3[%dma_wait3A] : memref<10240xf32, #tpu.memory_space<hbm>> -> memref<640xf32, #tpu.memory_space<hbm>>
      %dma_wait3A_19 = arith.constant 0 : i32
      %dma_wait3A_20 = tpu.memref_slice %arg3[%dma_wait3A_19] : memref<10240xf32, #tpu.memory_space<hbm>> -> memref<640xf32, #tpu.memory_space<hbm>>
      tpu.wait_dma2 semaphore(%run_scoped3A : memref<!tpu.dma_semaphore, #tpu.memory_space<semaphore_mem>>) src(%dma_wait3A_20 : memref<640xf32, #tpu.memory_space<hbm>>) dst(%arg8 : memref<640xf32, #tpu.memory_space<vmem>>)
      tpu.yield
    }) : () -> ()
    %barrier3A = arith.constant 0 : index
    tpu.barrier barrier_id(%barrier3A)
    %scan3A_9 = arith.constant 0 : i32
    %scan3A_10 = arith.constant 0 : i32
    %scan3A_11 = arith.constant 16 : i32
    %scan3A_12 = arith.addi %scan3A_10, %scan3A_11 : i32
    %scan3A_13 = arith.constant 1 : i32
    scf.for %scan3A_15 = %scan3A_10 to %scan3A_12 step %scan3A_13  : i32 {
      "tpu.region"() ({
        %run_scoped3A = tpu.sem_alloc : memref<!tpu.dma_semaphore, #tpu.memory_space<semaphore_mem>>
        %dma_start3A = arith.constant 0 : i32
        %dma_start3A_294 = tpu.memref_slice %arg9[%scan3A_15, %dma_start3A] : memref<16x10240xf32, #tpu.memory_space<vmem_shared>> -> memref<1x10240xf32, #tpu.memory_space<vmem_shared>>
        %dma_start3A_295 = tpu.memref_squeeze %dma_start3A_294 : memref<1x10240xf32, #tpu.memory_space<vmem_shared>> -> memref<10240xf32, #tpu.memory_space<vmem_shared>>
        %dma_start3A_296 = tpu.memref_slice %dma_start3A_295[%mul3A_2] : memref<10240xf32, #tpu.memory_space<vmem_shared>> -> memref<640xf32, #tpu.memory_space<vmem_shared>>
        %dma_start3A_297 = arith.constant 0 : i32
        %dma_start3A_298 = tpu.memref_slice %arg9[%scan3A_15, %dma_start3A_297] : memref<16x10240xf32, #tpu.memory_space<vmem_shared>> -> memref<1x10240xf32, #tpu.memory_space<vmem_shared>>
        %dma_start3A_299 = tpu.memref_squeeze %dma_start3A_298 : memref<1x10240xf32, #tpu.memory_space<vmem_shared>> -> memref<10240xf32, #tpu.memory_space<vmem_shared>>
        %dma_start3A_300 = tpu.memref_slice %dma_start3A_299[%mul3A_2] : memref<10240xf32, #tpu.memory_space<vmem_shared>> -> memref<640xf32, #tpu.memory_space<vmem_shared>>
        tpu.enqueue_dma source(%dma_start3A_300 : memref<640xf32, #tpu.memory_space<vmem_shared>>) target(%arg7 : memref<640xf32, #tpu.memory_space<vmem>>) target_semaphore(%run_scoped3A : memref<!tpu.dma_semaphore, #tpu.memory_space<semaphore_mem>>)
        %dma_wait3A = arith.constant 0 : i32
        %dma_wait3A_301 = tpu.memref_slice %arg9[%scan3A_15, %dma_wait3A] : memref<16x10240xf32, #tpu.memory_space<vmem_shared>> -> memref<1x10240xf32, #tpu.memory_space<vmem_shared>>
        %dma_wait3A_302 = tpu.memref_squeeze %dma_wait3A_301 : memref<1x10240xf32, #tpu.memory_space<vmem_shared>> -> memref<10240xf32, #tpu.memory_space<vmem_shared>>
        %dma_wait3A_303 = tpu.memref_slice %dma_wait3A_302[%mul3A_2] : memref<10240xf32, #tpu.memory_space<vmem_shared>> -> memref<640xf32, #tpu.memory_space<vmem_shared>>
        %dma_wait3A_304 = arith.constant 0 : i32
        %dma_wait3A_305 = tpu.memref_slice %arg9[%scan3A_15, %dma_wait3A_304] : memref<16x10240xf32, #tpu.memory_space<vmem_shared>> -> memref<1x10240xf32, #tpu.memory_space<vmem_shared>>
        %dma_wait3A_306 = tpu.memref_squeeze %dma_wait3A_305 : memref<1x10240xf32, #tpu.memory_space<vmem_shared>> -> memref<10240xf32, #tpu.memory_space<vmem_shared>>
        %dma_wait3A_307 = tpu.memref_slice %dma_wait3A_306[%mul3A_2] : memref<10240xf32, #tpu.memory_space<vmem_shared>> -> memref<640xf32, #tpu.memory_space<vmem_shared>>
        tpu.wait_dma2 semaphore(%run_scoped3A : memref<!tpu.dma_semaphore, #tpu.memory_space<semaphore_mem>>) src(%dma_wait3A_307 : memref<640xf32, #tpu.memory_space<vmem_shared>>) dst(%arg7 : memref<640xf32, #tpu.memory_space<vmem>>)
        tpu.yield
      }) : () -> ()
      %get3A = arith.constant 0 : index
      %get3A_16 = tpu.vector_load %arg8[%get3A] {strides = array<i32>} : memref<640xf32, #tpu.memory_space<vmem>>, vector<16xf32>,
      %get3A_17 = arith.constant 0 : index
      %get3A_18 = tpu.vector_load %arg7[%get3A_17] {strides = array<i32>} : memref<640xf32, #tpu.memory_space<vmem>>, vector<16xf32>,
      %add3A_19 = arith.addf %get3A_16, %get3A_18 : vector<16xf32>
      %swap3A = arith.constant 0 : index
      %swap3A_20 = tpu.vector_load %arg8[%swap3A] {strides = array<i32>} : memref<640xf32, #tpu.memory_space<vmem>>, vector<16xf32>,
      tpu.vector_store %arg8[%swap3A], %add3A_19 {strides = array<i32>} : memref<640xf32, #tpu.memory_space<vmem>>, vector<16xf32>,
      %get3A_21 = arith.constant 16 : index
      %get3A_22 = tpu.vector_load %arg8[%get3A_21] {strides = array<i32>} : memref<640xf32, #tpu.memory_space<vmem>>, vector<16xf32>,
      %get3A_23 = arith.constant 16 : index
      %get3A_24 = tpu.vector_load %arg7[%get3A_23] {strides = array<i32>} : memref<640xf32, #tpu.memory_space<vmem>>, vector<16xf32>,
      %add3A_25 = arith.addf %get3A_22, %get3A_24 : vector<16xf32>
      %swap3A_26 = arith.constant 16 : index
      %swap3A_27 = tpu.vector_load %arg8[%swap3A_26] {strides = array<i32>} : memref<640xf32, #tpu.memory_space<vmem>>, vector<16xf32>,
      tpu.vector_store %arg8[%swap3A_26], %add3A_25 {strides = array<i32>} : memref<640xf32, #tpu.memory_space<vmem>>, vector<16xf32>,
      %get3A_28 = arith.constant 32 : index
      %get3A_29 = tpu.vector_load %arg8[%get3A_28] {strides = array<i32>} : memref<640xf32, #tpu.memory_space<vmem>>, vector<16xf32>,
      %get3A_30 = arith.constant 32 : index
      %get3A_31 = tpu.vector_load %arg7[%get3A_30] {strides = array<i32>} : memref<640xf32, #tpu.memory_space<vmem>>, vector<16xf32>,
      %add3A_32 = arith.addf %get3A_29, %get3A_31 : vector<16xf32>
      %swap3A_33 = arith.constant 32 : index
      %swap3A_34 = tpu.vector_load %arg8[%swap3A_33] {strides = array<i32>} : memref<640xf32, #tpu.memory_space<vmem>>, vector<16xf32>,
      tpu.vector_store %arg8[%swap3A_33], %add3A_32 {strides = array<i32>} : memref<640xf32, #tpu.memory_space<vmem>>, vector<16xf32>,
      %get3A_35 = arith.constant 48 : index
      %get3A_36 = tpu.vector_load %arg8[%get3A_35] {strides = array<i32>} : memref<640xf32, #tpu.memory_space<vmem>>, vector<16xf32>,
      %get3A_37 = arith.constant 48 : index
      %get3A_38 = tpu.vector_load %arg7[%get3A_37] {strides = array<i32>} : memref<640xf32, #tpu.memory_space<vmem>>, vector<16xf32>,
      %add3A_39 = arith.addf %get3A_36, %get3A_38 : vector<16xf32>
      %swap3A_40 = arith.constant 48 : index
      %swap3A_41 = tpu.vector_load %arg8[%swap3A_40] {strides = array<i32>} : memref<640xf32, #tpu.memory_space<vmem>>, vector<16xf32>,
      tpu.vector_store %arg8[%swap3A_40], %add3A_39 {strides = array<i32>} : memref<640xf32, #tpu.memory_space<vmem>>, vector<16xf32>,
      %get3A_42 = arith.constant 64 : index
      %get3A_43 = tpu.vector_load %arg8[%get3A_42] {strides = array<i32>} : memref<640xf32, #tpu.memory_space<vmem>>, vector<16xf32>,
      %get3A_44 = arith.constant 64 : index
      %get3A_45 = tpu.vector_load %arg7[%get3A_44] {strides = array<i32>} : memref<640xf32, #tpu.memory_space<vmem>>, vector<16xf32>,
      %add3A_46 = arith.addf %get3A_43, %get3A_45 : vector<16xf32>
      %swap3A_47 = arith.constant 64 : index
      %swap3A_48 = tpu.vector_load %arg8[%swap3A_47] {strides = array<i32>} : memref<640xf32, #tpu.memory_space<vmem>>, vector<16xf32>,
      tpu.vector_store %arg8[%swap3A_47], %add3A_46 {strides = array<i32>} : memref<640xf32, #tpu.memory_space<vmem>>, vector<16xf32>,
      %get3A_49 = arith.constant 80 : index
      %get3A_50 = tpu.vector_load %arg8[%get3A_49] {strides = array<i32>} : memref<640xf32, #tpu.memory_space<vmem>>, vector<16xf32>,
      %get3A_51 = arith.constant 80 : index
      %get3A_52 = tpu.vector_load %arg7[%get3A_51] {strides = array<i32>} : memref<640xf32, #tpu.memory_space<vmem>>, vector<16xf32>,
      %add3A_53 = arith.addf %get3A_50, %get3A_52 : vector<16xf32>
      %swap3A_54 = arith.constant 80 : index
      %swap3A_55 = tpu.vector_load %arg8[%swap3A_54] {strides = array<i32>} : memref<640xf32, #tpu.memory_space<vmem>>, vector<16xf32>,
      tpu.vector_store %arg8[%swap3A_54], %add3A_53 {strides = array<i32>} : memref<640xf32, #tpu.memory_space<vmem>>, vector<16xf32>,
      %get3A_56 = arith.constant 96 : index
      %get3A_57 = tpu.vector_load %arg8[%get3A_56] {strides = array<i32>} : memref<640xf32, #tpu.memory_space<vmem>>, vector<16xf32>,
      %get3A_58 = arith.constant 96 : index
      %get3A_59 = tpu.vector_load %arg7[%get3A_58] {strides = array<i32>} : memref<640xf32, #tpu.memory_space<vmem>>, vector<16xf32>,
      %add3A_60 = arith.addf %get3A_57, %get3A_59 : vector<16xf32>
      %swap3A_61 = arith.constant 96 : index
      %swap3A_62 = tpu.vector_load %arg8[%swap3A_61] {strides = array<i32>} : memref<640xf32, #tpu.memory_space<vmem>>, vector<16xf32>,
      tpu.vector_store %arg8[%swap3A_61], %add3A_60 {strides = array<i32>} : memref<640xf32, #tpu.memory_space<vmem>>, vector<16xf32>,
      %get3A_63 = arith.constant 112 : index
      %get3A_64 = tpu.vector_load %arg8[%get3A_63] {strides = array<i32>} : memref<640xf32, #tpu.memory_space<vmem>>, vector<16xf32>,
      %get3A_65 = arith.constant 112 : index
      %get3A_66 = tpu.vector_load %arg7[%get3A_65] {strides = array<i32>} : memref<640xf32, #tpu.memory_space<vmem>>, vector<16xf32>,
      %add3A_67 = arith.addf %get3A_64, %get3A_66 : vector<16xf32>
      %swap3A_68 = arith.constant 112 : index
      %swap3A_69 = tpu.vector_load %arg8[%swap3A_68] {strides = array<i32>} : memref<640xf32, #tpu.memory_space<vmem>>, vector<16xf32>,
      tpu.vector_store %arg8[%swap3A_68], %add3A_67 {strides = array<i32>} : memref<640xf32, #tpu.memory_space<vmem>>, vector<16xf32>,
      %get3A_70 = arith.constant 128 : index
      %get3A_71 = tpu.vector_load %arg8[%get3A_70] {strides = array<i32>} : memref<640xf32, #tpu.memory_space<vmem>>, vector<16xf32>,
      %get3A_72 = arith.constant 128 : index
      %get3A_73 = tpu.vector_load %arg7[%get3A_72] {strides = array<i32>} : memref<640xf32, #tpu.memory_space<vmem>>, vector<16xf32>,
      %add3A_74 = arith.addf %get3A_71, %get3A_73 : vector<16xf32>
      %swap3A_75 = arith.constant 128 : index
      %swap3A_76 = tpu.vector_load %arg8[%swap3A_75] {strides = array<i32>} : memref<640xf32, #tpu.memory_space<vmem>>, vector<16xf32>,
      tpu.vector_store %arg8[%swap3A_75], %add3A_74 {strides = array<i32>} : memref<640xf32, #tpu.memory_space<vmem>>, vector<16xf32>,
      %get3A_77 = arith.constant 144 : index
      %get3A_78 = tpu.vector_load %arg8[%get3A_77] {strides = array<i32>} : memref<640xf32, #tpu.memory_space<vmem>>, vector<16xf32>,
      %get3A_79 = arith.constant 144 : index
      %get3A_80 = tpu.vector_load %arg7[%get3A_79] {strides = array<i32>} : memref<640xf32, #tpu.memory_space<vmem>>, vector<16xf32>,
      %add3A_81 = arith.addf %get3A_78, %get3A_80 : vector<16xf32>
      %swap3A_82 = arith.constant 144 : index
      %swap3A_83 = tpu.vector_load %arg8[%swap3A_82] {strides = array<i32>} : memref<640xf32, #tpu.memory_space<vmem>>, vector<16xf32>,
      tpu.vector_store %arg8[%swap3A_82], %add3A_81 {strides = array<i32>} : memref<640xf32, #tpu.memory_space<vmem>>, vector<16xf32>,
      %get3A_84 = arith.constant 160 : index
      %get3A_85 = tpu.vector_load %arg8[%get3A_84] {strides = array<i32>} : memref<640xf32, #tpu.memory_space<vmem>>, vector<16xf32>,
      %get3A_86 = arith.constant 160 : index
      %get3A_87 = tpu.vector_load %arg7[%get3A_86] {strides = array<i32>} : memref<640xf32, #tpu.memory_space<vmem>>, vector<16xf32>,
      %add3A_88 = arith.addf %get3A_85, %get3A_87 : vector<16xf32>
      %swap3A_89 = arith.constant 160 : index
      %swap3A_90 = tpu.vector_load %arg8[%swap3A_89] {strides = array<i32>} : memref<640xf32, #tpu.memory_space<vmem>>, vector<16xf32>,
      tpu.vector_store %arg8[%swap3A_89], %add3A_88 {strides = array<i32>} : memref<640xf32, #tpu.memory_space<vmem>>, vector<16xf32>,
      %get3A_91 = arith.constant 176 : index
      %get3A_92 = tpu.vector_load %arg8[%get3A_91] {strides = array<i32>} : memref<640xf32, #tpu.memory_space<vmem>>, vector<16xf32>,
      %get3A_93 = arith.constant 176 : index
      %get3A_94 = tpu.vector_load %arg7[%get3A_93] {strides = array<i32>} : memref<640xf32, #tpu.memory_space<vmem>>, vector<16xf32>,
      %add3A_95 = arith.addf %get3A_92, %get3A_94 : vector<16xf32>
      %swap3A_96 = arith.constant 176 : index
      %swap3A_97 = tpu.vector_load %arg8[%swap3A_96] {strides = array<i32>} : memref<640xf32, #tpu.memory_space<vmem>>, vector<16xf32>,
      tpu.vector_store %arg8[%swap3A_96], %add3A_95 {strides = array<i32>} : memref<640xf32, #tpu.memory_space<vmem>>, vector<16xf32>,
      %get3A_98 = arith.constant 192 : index
      %get3A_99 = tpu.vector_load %arg8[%get3A_98] {strides = array<i32>} : memref<640xf32, #tpu.memory_space<vmem>>, vector<16xf32>,
      %get3A_100 = arith.constant 192 : index
      %get3A_101 = tpu.vector_load %arg7[%get3A_100] {strides = array<i32>} : memref<640xf32, #tpu.memory_space<vmem>>, vector<16xf32>,
      %add3A_102 = arith.addf %get3A_99, %get3A_101 : vector<16xf32>
      %swap3A_103 = arith.constant 192 : index
      %swap3A_104 = tpu.vector_load %arg8[%swap3A_103] {strides = array<i32>} : memref<640xf32, #tpu.memory_space<vmem>>, vector<16xf32>,
      tpu.vector_store %arg8[%swap3A_103], %add3A_102 {strides = array<i32>} : memref<640xf32, #tpu.memory_space<vmem>>, vector<16xf32>,
      %get3A_105 = arith.constant 208 : index
      %get3A_106 = tpu.vector_load %arg8[%get3A_105] {strides = array<i32>} : memref<640xf32, #tpu.memory_space<vmem>>, vector<16xf32>,
      %get3A_107 = arith.constant 208 : index
      %get3A_108 = tpu.vector_load %arg7[%get3A_107] {strides = array<i32>} : memref<640xf32, #tpu.memory_space<vmem>>, vector<16xf32>,
      %add3A_109 = arith.addf %get3A_106, %get3A_108 : vector<16xf32>
      %swap3A_110 = arith.constant 208 : index
      %swap3A_111 = tpu.vector_load %arg8[%swap3A_110] {strides = array<i32>} : memref<640xf32, #tpu.memory_space<vmem>>, vector<16xf32>,
      tpu.vector_store %arg8[%swap3A_110], %add3A_109 {strides = array<i32>} : memref<640xf32, #tpu.memory_space<vmem>>, vector<16xf32>,
      %get3A_112 = arith.constant 224 : index
      %get3A_113 = tpu.vector_load %arg8[%get3A_112] {strides = array<i32>} : memref<640xf32, #tpu.memory_space<vmem>>, vector<16xf32>,
      %get3A_114 = arith.constant 224 : index
      %get3A_115 = tpu.vector_load %arg7[%get3A_114] {strides = array<i32>} : memref<640xf32, #tpu.memory_space<vmem>>, vector<16xf32>,
      %add3A_116 = arith.addf %get3A_113, %get3A_115 : vector<16xf32>
      %swap3A_117 = arith.constant 224 : index
      %swap3A_118 = tpu.vector_load %arg8[%swap3A_117] {strides = array<i32>} : memref<640xf32, #tpu.memory_space<vmem>>, vector<16xf32>,
      tpu.vector_store %arg8[%swap3A_117], %add3A_116 {strides = array<i32>} : memref<640xf32, #tpu.memory_space<vmem>>, vector<16xf32>,
      %get3A_119 = arith.constant 240 : index
      %get3A_120 = tpu.vector_load %arg8[%get3A_119] {strides = array<i32>} : memref<640xf32, #tpu.memory_space<vmem>>, vector<16xf32>,
      %get3A_121 = arith.constant 240 : index
      %get3A_122 = tpu.vector_load %arg7[%get3A_121] {strides = array<i32>} : memref<640xf32, #tpu.memory_space<vmem>>, vector<16xf32>,
      %add3A_123 = arith.addf %get3A_120, %get3A_122 : vector<16xf32>
      %swap3A_124 = arith.constant 240 : index
      %swap3A_125 = tpu.vector_load %arg8[%swap3A_124] {strides = array<i32>} : memref<640xf32, #tpu.memory_space<vmem>>, vector<16xf32>,
      tpu.vector_store %arg8[%swap3A_124], %add3A_123 {strides = array<i32>} : memref<640xf32, #tpu.memory_space<vmem>>, vector<16xf32>,
      %get3A_126 = arith.constant 256 : index
      %get3A_127 = tpu.vector_load %arg8[%get3A_126] {strides = array<i32>} : memref<640xf32, #tpu.memory_space<vmem>>, vector<16xf32>,
      %get3A_128 = arith.constant 256 : index
      %get3A_129 = tpu.vector_load %arg7[%get3A_128] {strides = array<i32>} : memref<640xf32, #tpu.memory_space<vmem>>, vector<16xf32>,
      %add3A_130 = arith.addf %get3A_127, %get3A_129 : vector<16xf32>
      %swap3A_131 = arith.constant 256 : index
      %swap3A_132 = tpu.vector_load %arg8[%swap3A_131] {strides = array<i32>} : memref<640xf32, #tpu.memory_space<vmem>>, vector<16xf32>,
      tpu.vector_store %arg8[%swap3A_131], %add3A_130 {strides = array<i32>} : memref<640xf32, #tpu.memory_space<vmem>>, vector<16xf32>,
      %get3A_133 = arith.constant 272 : index
      %get3A_134 = tpu.vector_load %arg8[%get3A_133] {strides = array<i32>} : memref<640xf32, #tpu.memory_space<vmem>>, vector<16xf32>,
      %get3A_135 = arith.constant 272 : index
      %get3A_136 = tpu.vector_load %arg7[%get3A_135] {strides = array<i32>} : memref<640xf32, #tpu.memory_space<vmem>>, vector<16xf32>,
      %add3A_137 = arith.addf %get3A_134, %get3A_136 : vector<16xf32>
      %swap3A_138 = arith.constant 272 : index
      %swap3A_139 = tpu.vector_load %arg8[%swap3A_138] {strides = array<i32>} : memref<640xf32, #tpu.memory_space<vmem>>, vector<16xf32>,
      tpu.vector_store %arg8[%swap3A_138], %add3A_137 {strides = array<i32>} : memref<640xf32, #tpu.memory_space<vmem>>, vector<16xf32>,
      %get3A_140 = arith.constant 288 : index
      %get3A_141 = tpu.vector_load %arg8[%get3A_140] {strides = array<i32>} : memref<640xf32, #tpu.memory_space<vmem>>, vector<16xf32>,
      %get3A_142 = arith.constant 288 : index
      %get3A_143 = tpu.vector_load %arg7[%get3A_142] {strides = array<i32>} : memref<640xf32, #tpu.memory_space<vmem>>, vector<16xf32>,
      %add3A_144 = arith.addf %get3A_141, %get3A_143 : vector<16xf32>
      %swap3A_145 = arith.constant 288 : index
      %swap3A_146 = tpu.vector_load %arg8[%swap3A_145] {strides = array<i32>} : memref<640xf32, #tpu.memory_space<vmem>>, vector<16xf32>,
      tpu.vector_store %arg8[%swap3A_145], %add3A_144 {strides = array<i32>} : memref<640xf32, #tpu.memory_space<vmem>>, vector<16xf32>,
      %get3A_147 = arith.constant 304 : index
      %get3A_148 = tpu.vector_load %arg8[%get3A_147] {strides = array<i32>} : memref<640xf32, #tpu.memory_space<vmem>>, vector<16xf32>,
      %get3A_149 = arith.constant 304 : index
      %get3A_150 = tpu.vector_load %arg7[%get3A_149] {strides = array<i32>} : memref<640xf32, #tpu.memory_space<vmem>>, vector<16xf32>,
      %add3A_151 = arith.addf %get3A_148, %get3A_150 : vector<16xf32>
      %swap3A_152 = arith.constant 304 : index
      %swap3A_153 = tpu.vector_load %arg8[%swap3A_152] {strides = array<i32>} : memref<640xf32, #tpu.memory_space<vmem>>, vector<16xf32>,
      tpu.vector_store %arg8[%swap3A_152], %add3A_151 {strides = array<i32>} : memref<640xf32, #tpu.memory_space<vmem>>, vector<16xf32>,
      %get3A_154 = arith.constant 320 : index
      %get3A_155 = tpu.vector_load %arg8[%get3A_154] {strides = array<i32>} : memref<640xf32, #tpu.memory_space<vmem>>, vector<16xf32>,
      %get3A_156 = arith.constant 320 : index
      %get3A_157 = tpu.vector_load %arg7[%get3A_156] {strides = array<i32>} : memref<640xf32, #tpu.memory_space<vmem>>, vector<16xf32>,
      %add3A_158 = arith.addf %get3A_155, %get3A_157 : vector<16xf32>
      %swap3A_159 = arith.constant 320 : index
      %swap3A_160 = tpu.vector_load %arg8[%swap3A_159] {strides = array<i32>} : memref<640xf32, #tpu.memory_space<vmem>>, vector<16xf32>,
      tpu.vector_store %arg8[%swap3A_159], %add3A_158 {strides = array<i32>} : memref<640xf32, #tpu.memory_space<vmem>>, vector<16xf32>,
      %get3A_161 = arith.constant 336 : index
      %get3A_162 = tpu.vector_load %arg8[%get3A_161] {strides = array<i32>} : memref<640xf32, #tpu.memory_space<vmem>>, vector<16xf32>,
      %get3A_163 = arith.constant 336 : index
      %get3A_164 = tpu.vector_load %arg7[%get3A_163] {strides = array<i32>} : memref<640xf32, #tpu.memory_space<vmem>>, vector<16xf32>,
      %add3A_165 = arith.addf %get3A_162, %get3A_164 : vector<16xf32>
      %swap3A_166 = arith.constant 336 : index
      %swap3A_167 = tpu.vector_load %arg8[%swap3A_166] {strides = array<i32>} : memref<640xf32, #tpu.memory_space<vmem>>, vector<16xf32>,
      tpu.vector_store %arg8[%swap3A_166], %add3A_165 {strides = array<i32>} : memref<640xf32, #tpu.memory_space<vmem>>, vector<16xf32>,
      %get3A_168 = arith.constant 352 : index
      %get3A_169 = tpu.vector_load %arg8[%get3A_168] {strides = array<i32>} : memref<640xf32, #tpu.memory_space<vmem>>, vector<16xf32>,
      %get3A_170 = arith.constant 352 : index
      %get3A_171 = tpu.vector_load %arg7[%get3A_170] {strides = array<i32>} : memref<640xf32, #tpu.memory_space<vmem>>, vector<16xf32>,
      %add3A_172 = arith.addf %get3A_169, %get3A_171 : vector<16xf32>
      %swap3A_173 = arith.constant 352 : index
      %swap3A_174 = tpu.vector_load %arg8[%swap3A_173] {strides = array<i32>} : memref<640xf32, #tpu.memory_space<vmem>>, vector<16xf32>,
      tpu.vector_store %arg8[%swap3A_173], %add3A_172 {strides = array<i32>} : memref<640xf32, #tpu.memory_space<vmem>>, vector<16xf32>,
      %get3A_175 = arith.constant 368 : index
      %get3A_176 = tpu.vector_load %arg8[%get3A_175] {strides = array<i32>} : memref<640xf32, #tpu.memory_space<vmem>>, vector<16xf32>,
      %get3A_177 = arith.constant 368 : index
      %get3A_178 = tpu.vector_load %arg7[%get3A_177] {strides = array<i32>} : memref<640xf32, #tpu.memory_space<vmem>>, vector<16xf32>,
      %add3A_179 = arith.addf %get3A_176, %get3A_178 : vector<16xf32>
      %swap3A_180 = arith.constant 368 : index
      %swap3A_181 = tpu.vector_load %arg8[%swap3A_180] {strides = array<i32>} : memref<640xf32, #tpu.memory_space<vmem>>, vector<16xf32>,
      tpu.vector_store %arg8[%swap3A_180], %add3A_179 {strides = array<i32>} : memref<640xf32, #tpu.memory_space<vmem>>, vector<16xf32>,
      %get3A_182 = arith.constant 384 : index
      %get3A_183 = tpu.vector_load %arg8[%get3A_182] {strides = array<i32>} : memref<640xf32, #tpu.memory_space<vmem>>, vector<16xf32>,
      %get3A_184 = arith.constant 384 : index
      %get3A_185 = tpu.vector_load %arg7[%get3A_184] {strides = array<i32>} : memref<640xf32, #tpu.memory_space<vmem>>, vector<16xf32>,
      %add3A_186 = arith.addf %get3A_183, %get3A_185 : vector<16xf32>
      %swap3A_187 = arith.constant 384 : index
      %swap3A_188 = tpu.vector_load %arg8[%swap3A_187] {strides = array<i32>} : memref<640xf32, #tpu.memory_space<vmem>>, vector<16xf32>,
      tpu.vector_store %arg8[%swap3A_187], %add3A_186 {strides = array<i32>} : memref<640xf32, #tpu.memory_space<vmem>>, vector<16xf32>,
      %get3A_189 = arith.constant 400 : index
      %get3A_190 = tpu.vector_load %arg8[%get3A_189] {strides = array<i32>} : memref<640xf32, #tpu.memory_space<vmem>>, vector<16xf32>,
      %get3A_191 = arith.constant 400 : index
      %get3A_192 = tpu.vector_load %arg7[%get3A_191] {strides = array<i32>} : memref<640xf32, #tpu.memory_space<vmem>>, vector<16xf32>,
      %add3A_193 = arith.addf %get3A_190, %get3A_192 : vector<16xf32>
      %swap3A_194 = arith.constant 400 : index
      %swap3A_195 = tpu.vector_load %arg8[%swap3A_194] {strides = array<i32>} : memref<640xf32, #tpu.memory_space<vmem>>, vector<16xf32>,
      tpu.vector_store %arg8[%swap3A_194], %add3A_193 {strides = array<i32>} : memref<640xf32, #tpu.memory_space<vmem>>, vector<16xf32>,
      %get3A_196 = arith.constant 416 : index
      %get3A_197 = tpu.vector_load %arg8[%get3A_196] {strides = array<i32>} : memref<640xf32, #tpu.memory_space<vmem>>, vector<16xf32>,
      %get3A_198 = arith.constant 416 : index
      %get3A_199 = tpu.vector_load %arg7[%get3A_198] {strides = array<i32>} : memref<640xf32, #tpu.memory_space<vmem>>, vector<16xf32>,
      %add3A_200 = arith.addf %get3A_197, %get3A_199 : vector<16xf32>
      %swap3A_201 = arith.constant 416 : index
      %swap3A_202 = tpu.vector_load %arg8[%swap3A_201] {strides = array<i32>} : memref<640xf32, #tpu.memory_space<vmem>>, vector<16xf32>,
      tpu.vector_store %arg8[%swap3A_201], %add3A_200 {strides = array<i32>} : memref<640xf32, #tpu.memory_space<vmem>>, vector<16xf32>,
      %get3A_203 = arith.constant 432 : index
      %get3A_204 = tpu.vector_load %arg8[%get3A_203] {strides = array<i32>} : memref<640xf32, #tpu.memory_space<vmem>>, vector<16xf32>,
      %get3A_205 = arith.constant 432 : index
      %get3A_206 = tpu.vector_load %arg7[%get3A_205] {strides = array<i32>} : memref<640xf32, #tpu.memory_space<vmem>>, vector<16xf32>,
      %add3A_207 = arith.addf %get3A_204, %get3A_206 : vector<16xf32>
      %swap3A_208 = arith.constant 432 : index
      %swap3A_209 = tpu.vector_load %arg8[%swap3A_208] {strides = array<i32>} : memref<640xf32, #tpu.memory_space<vmem>>, vector<16xf32>,
      tpu.vector_store %arg8[%swap3A_208], %add3A_207 {strides = array<i32>} : memref<640xf32, #tpu.memory_space<vmem>>, vector<16xf32>,
      %get3A_210 = arith.constant 448 : index
      %get3A_211 = tpu.vector_load %arg8[%get3A_210] {strides = array<i32>} : memref<640xf32, #tpu.memory_space<vmem>>, vector<16xf32>,
      %get3A_212 = arith.constant 448 : index
      %get3A_213 = tpu.vector_load %arg7[%get3A_212] {strides = array<i32>} : memref<640xf32, #tpu.memory_space<vmem>>, vector<16xf32>,
      %add3A_214 = arith.addf %get3A_211, %get3A_213 : vector<16xf32>
      %swap3A_215 = arith.constant 448 : index
      %swap3A_216 = tpu.vector_load %arg8[%swap3A_215] {strides = array<i32>} : memref<640xf32, #tpu.memory_space<vmem>>, vector<16xf32>,
      tpu.vector_store %arg8[%swap3A_215], %add3A_214 {strides = array<i32>} : memref<640xf32, #tpu.memory_space<vmem>>, vector<16xf32>,
      %get3A_217 = arith.constant 464 : index
      %get3A_218 = tpu.vector_load %arg8[%get3A_217] {strides = array<i32>} : memref<640xf32, #tpu.memory_space<vmem>>, vector<16xf32>,
      %get3A_219 = arith.constant 464 : index
      %get3A_220 = tpu.vector_load %arg7[%get3A_219] {strides = array<i32>} : memref<640xf32, #tpu.memory_space<vmem>>, vector<16xf32>,
      %add3A_221 = arith.addf %get3A_218, %get3A_220 : vector<16xf32>
      %swap3A_222 = arith.constant 464 : index
      %swap3A_223 = tpu.vector_load %arg8[%swap3A_222] {strides = array<i32>} : memref<640xf32, #tpu.memory_space<vmem>>, vector<16xf32>,
      tpu.vector_store %arg8[%swap3A_222], %add3A_221 {strides = array<i32>} : memref<640xf32, #tpu.memory_space<vmem>>, vector<16xf32>,
      %get3A_224 = arith.constant 480 : index
      %get3A_225 = tpu.vector_load %arg8[%get3A_224] {strides = array<i32>} : memref<640xf32, #tpu.memory_space<vmem>>, vector<16xf32>,
      %get3A_226 = arith.constant 480 : index
      %get3A_227 = tpu.vector_load %arg7[%get3A_226] {strides = array<i32>} : memref<640xf32, #tpu.memory_space<vmem>>, vector<16xf32>,
      %add3A_228 = arith.addf %get3A_225, %get3A_227 : vector<16xf32>
      %swap3A_229 = arith.constant 480 : index
      %swap3A_230 = tpu.vector_load %arg8[%swap3A_229] {strides = array<i32>} : memref<640xf32, #tpu.memory_space<vmem>>, vector<16xf32>,
      tpu.vector_store %arg8[%swap3A_229], %add3A_228 {strides = array<i32>} : memref<640xf32, #tpu.memory_space<vmem>>, vector<16xf32>,
      %get3A_231 = arith.constant 496 : index
      %get3A_232 = tpu.vector_load %arg8[%get3A_231] {strides = array<i32>} : memref<640xf32, #tpu.memory_space<vmem>>, vector<16xf32>,
      %get3A_233 = arith.constant 496 : index
      %get3A_234 = tpu.vector_load %arg7[%get3A_233] {strides = array<i32>} : memref<640xf32, #tpu.memory_space<vmem>>, vector<16xf32>,
      %add3A_235 = arith.addf %get3A_232, %get3A_234 : vector<16xf32>
      %swap3A_236 = arith.constant 496 : index
      %swap3A_237 = tpu.vector_load %arg8[%swap3A_236] {strides = array<i32>} : memref<640xf32, #tpu.memory_space<vmem>>, vector<16xf32>,
      tpu.vector_store %arg8[%swap3A_236], %add3A_235 {strides = array<i32>} : memref<640xf32, #tpu.memory_space<vmem>>, vector<16xf32>,
      %get3A_238 = arith.constant 512 : index
      %get3A_239 = tpu.vector_load %arg8[%get3A_238] {strides = array<i32>} : memref<640xf32, #tpu.memory_space<vmem>>, vector<16xf32>,
      %get3A_240 = arith.constant 512 : index
      %get3A_241 = tpu.vector_load %arg7[%get3A_240] {strides = array<i32>} : memref<640xf32, #tpu.memory_space<vmem>>, vector<16xf32>,
      %add3A_242 = arith.addf %get3A_239, %get3A_241 : vector<16xf32>
      %swap3A_243 = arith.constant 512 : index
      %swap3A_244 = tpu.vector_load %arg8[%swap3A_243] {strides = array<i32>} : memref<640xf32, #tpu.memory_space<vmem>>, vector<16xf32>,
      tpu.vector_store %arg8[%swap3A_243], %add3A_242 {strides = array<i32>} : memref<640xf32, #tpu.memory_space<vmem>>, vector<16xf32>,
      %get3A_245 = arith.constant 528 : index
      %get3A_246 = tpu.vector_load %arg8[%get3A_245] {strides = array<i32>} : memref<640xf32, #tpu.memory_space<vmem>>, vector<16xf32>,
      %get3A_247 = arith.constant 528 : index
      %get3A_248 = tpu.vector_load %arg7[%get3A_247] {strides = array<i32>} : memref<640xf32, #tpu.memory_space<vmem>>, vector<16xf32>,
      %add3A_249 = arith.addf %get3A_246, %get3A_248 : vector<16xf32>
      %swap3A_250 = arith.constant 528 : index
      %swap3A_251 = tpu.vector_load %arg8[%swap3A_250] {strides = array<i32>} : memref<640xf32, #tpu.memory_space<vmem>>, vector<16xf32>,
      tpu.vector_store %arg8[%swap3A_250], %add3A_249 {strides = array<i32>} : memref<640xf32, #tpu.memory_space<vmem>>, vector<16xf32>,
      %get3A_252 = arith.constant 544 : index
      %get3A_253 = tpu.vector_load %arg8[%get3A_252] {strides = array<i32>} : memref<640xf32, #tpu.memory_space<vmem>>, vector<16xf32>,
      %get3A_254 = arith.constant 544 : index
      %get3A_255 = tpu.vector_load %arg7[%get3A_254] {strides = array<i32>} : memref<640xf32, #tpu.memory_space<vmem>>, vector<16xf32>,
      %add3A_256 = arith.addf %get3A_253, %get3A_255 : vector<16xf32>
      %swap3A_257 = arith.constant 544 : index
      %swap3A_258 = tpu.vector_load %arg8[%swap3A_257] {strides = array<i32>} : memref<640xf32, #tpu.memory_space<vmem>>, vector<16xf32>,
      tpu.vector_store %arg8[%swap3A_257], %add3A_256 {strides = array<i32>} : memref<640xf32, #tpu.memory_space<vmem>>, vector<16xf32>,
      %get3A_259 = arith.constant 560 : index
      %get3A_260 = tpu.vector_load %arg8[%get3A_259] {strides = array<i32>} : memref<640xf32, #tpu.memory_space<vmem>>, vector<16xf32>,
      %get3A_261 = arith.constant 560 : index
      %get3A_262 = tpu.vector_load %arg7[%get3A_261] {strides = array<i32>} : memref<640xf32, #tpu.memory_space<vmem>>, vector<16xf32>,
      %add3A_263 = arith.addf %get3A_260, %get3A_262 : vector<16xf32>
      %swap3A_264 = arith.constant 560 : index
      %swap3A_265 = tpu.vector_load %arg8[%swap3A_264] {strides = array<i32>} : memref<640xf32, #tpu.memory_space<vmem>>, vector<16xf32>,
      tpu.vector_store %arg8[%swap3A_264], %add3A_263 {strides = array<i32>} : memref<640xf32, #tpu.memory_space<vmem>>, vector<16xf32>,
      %get3A_266 = arith.constant 576 : index
      %get3A_267 = tpu.vector_load %arg8[%get3A_266] {strides = array<i32>} : memref<640xf32, #tpu.memory_space<vmem>>, vector<16xf32>,
      %get3A_268 = arith.constant 576 : index
      %get3A_269 = tpu.vector_load %arg7[%get3A_268] {strides = array<i32>} : memref<640xf32, #tpu.memory_space<vmem>>, vector<16xf32>,
      %add3A_270 = arith.addf %get3A_267, %get3A_269 : vector<16xf32>
      %swap3A_271 = arith.constant 576 : index
      %swap3A_272 = tpu.vector_load %arg8[%swap3A_271] {strides = array<i32>} : memref<640xf32, #tpu.memory_space<vmem>>, vector<16xf32>,
      tpu.vector_store %arg8[%swap3A_271], %add3A_270 {strides = array<i32>} : memref<640xf32, #tpu.memory_space<vmem>>, vector<16xf32>,
      %get3A_273 = arith.constant 592 : index
      %get3A_274 = tpu.vector_load %arg8[%get3A_273] {strides = array<i32>} : memref<640xf32, #tpu.memory_space<vmem>>, vector<16xf32>,
      %get3A_275 = arith.constant 592 : index
      %get3A_276 = tpu.vector_load %arg7[%get3A_275] {strides = array<i32>} : memref<640xf32, #tpu.memory_space<vmem>>, vector<16xf32>,
      %add3A_277 = arith.addf %get3A_274, %get3A_276 : vector<16xf32>
      %swap3A_278 = arith.constant 592 : index
      %swap3A_279 = tpu.vector_load %arg8[%swap3A_278] {strides = array<i32>} : memref<640xf32, #tpu.memory_space<vmem>>, vector<16xf32>,
      tpu.vector_store %arg8[%swap3A_278], %add3A_277 {strides = array<i32>} : memref<640xf32, #tpu.memory_space<vmem>>, vector<16xf32>,
      %get3A_280 = arith.constant 608 : index
      %get3A_281 = tpu.vector_load %arg8[%get3A_280] {strides = array<i32>} : memref<640xf32, #tpu.memory_space<vmem>>, vector<16xf32>,
      %get3A_282 = arith.constant 608 : index
      %get3A_283 = tpu.vector_load %arg7[%get3A_282] {strides = array<i32>} : memref<640xf32, #tpu.memory_space<vmem>>, vector<16xf32>,
      %add3A_284 = arith.addf %get3A_281, %get3A_283 : vector<16xf32>
      %swap3A_285 = arith.constant 608 : index
      %swap3A_286 = tpu.vector_load %arg8[%swap3A_285] {strides = array<i32>} : memref<640xf32, #tpu.memory_space<vmem>>, vector<16xf32>,
      tpu.vector_store %arg8[%swap3A_285], %add3A_284 {strides = array<i32>} : memref<640xf32, #tpu.memory_space<vmem>>, vector<16xf32>,
      %get3A_287 = arith.constant 624 : index
      %get3A_288 = tpu.vector_load %arg8[%get3A_287] {strides = array<i32>} : memref<640xf32, #tpu.memory_space<vmem>>, vector<16xf32>,
      %get3A_289 = arith.constant 624 : index
      %get3A_290 = tpu.vector_load %arg7[%get3A_289] {strides = array<i32>} : memref<640xf32, #tpu.memory_space<vmem>>, vector<16xf32>,
      %add3A_291 = arith.addf %get3A_288, %get3A_290 : vector<16xf32>
      %swap3A_292 = arith.constant 624 : index
      %swap3A_293 = tpu.vector_load %arg8[%swap3A_292] {strides = array<i32>} : memref<640xf32, #tpu.memory_space<vmem>>, vector<16xf32>,
      tpu.vector_store %arg8[%swap3A_292], %add3A_291 {strides = array<i32>} : memref<640xf32, #tpu.memory_space<vmem>>, vector<16xf32>,
    }
    %scan3A_14 = arith.constant 16 : i32
    "tpu.region"() ({
      %run_scoped3A = tpu.sem_alloc : memref<!tpu.dma_semaphore, #tpu.memory_space<semaphore_mem>>
      %dma_start3A = arith.constant 0 : i32
      %dma_start3A_15 = tpu.memref_slice %arg4[%arg0, %dma_start3A] : memref<2x10240xf32, #tpu.memory_space<hbm>> -> memref<1x10240xf32, #tpu.memory_space<hbm>>
      %dma_start3A_16 = tpu.memref_squeeze %dma_start3A_15 : memref<1x10240xf32, #tpu.memory_space<hbm>> -> memref<10240xf32, #tpu.memory_space<hbm>>
      %dma_start3A_17 = tpu.memref_slice %dma_start3A_16[%mul3A_2] : memref<10240xf32, #tpu.memory_space<hbm>> -> memref<640xf32, #tpu.memory_space<hbm>>
      %dma_start3A_18 = arith.constant 0 : i32
      %dma_start3A_19 = tpu.memref_slice %arg4[%arg0, %dma_start3A_18] : memref<2x10240xf32, #tpu.memory_space<hbm>> -> memref<1x10240xf32, #tpu.memory_space<hbm>>
      %dma_start3A_20 = tpu.memref_squeeze %dma_start3A_19 : memref<1x10240xf32, #tpu.memory_space<hbm>> -> memref<10240xf32, #tpu.memory_space<hbm>>
      %dma_start3A_21 = tpu.memref_slice %dma_start3A_20[%mul3A_2] : memref<10240xf32, #tpu.memory_space<hbm>> -> memref<640xf32, #tpu.memory_space<hbm>>
      tpu.enqueue_dma source(%arg8 : memref<640xf32, #tpu.memory_space<vmem>>) target(%dma_start3A_21 : memref<640xf32, #tpu.memory_space<hbm>>) target_semaphore(%run_scoped3A : memref<!tpu.dma_semaphore, #tpu.memory_space<semaphore_mem>>)
      %dma_wait3A = arith.constant 0 : i32
      %dma_wait3A_22 = tpu.memref_slice %arg4[%arg0, %dma_wait3A] : memref<2x10240xf32, #tpu.memory_space<hbm>> -> memref<1x10240xf32, #tpu.memory_space<hbm>>
      %dma_wait3A_23 = tpu.memref_squeeze %dma_wait3A_22 : memref<1x10240xf32, #tpu.memory_space<hbm>> -> memref<10240xf32, #tpu.memory_space<hbm>>
      %dma_wait3A_24 = tpu.memref_slice %dma_wait3A_23[%mul3A_2] : memref<10240xf32, #tpu.memory_space<hbm>> -> memref<640xf32, #tpu.memory_space<hbm>>
      %dma_wait3A_25 = arith.constant 0 : i32
      %dma_wait3A_26 = tpu.memref_slice %arg4[%arg0, %dma_wait3A_25] : memref<2x10240xf32, #tpu.memory_space<hbm>> -> memref<1x10240xf32, #tpu.memory_space<hbm>>
      %dma_wait3A_27 = tpu.memref_squeeze %dma_wait3A_26 : memref<1x10240xf32, #tpu.memory_space<hbm>> -> memref<10240xf32, #tpu.memory_space<hbm>>
      %dma_wait3A_28 = tpu.memref_slice %dma_wait3A_27[%mul3A_2] : memref<10240xf32, #tpu.memory_space<hbm>> -> memref<640xf32, #tpu.memory_space<hbm>>
      tpu.wait_dma2 semaphore(%run_scoped3A : memref<!tpu.dma_semaphore, #tpu.memory_space<semaphore_mem>>) src(%arg8 : memref<640xf32, #tpu.memory_space<vmem>>) dst(%dma_wait3A_28 : memref<640xf32, #tpu.memory_space<hbm>>)
      tpu.yield
    }) : () -> ()
    return
  }
}

#map = affine_map<(d0, d1) -> (0, 0)>
#map1 = affine_map<(d0, d1) -> (0, 0, 0)>
module attributes {stable_mosaic.version = 14 : i64} {
  func.func @_agg_body(%arg0: i32, %arg1: i32, %arg2: memref<10240x128xf32, #tpu.memory_space<hbm>>, %arg3: memref<10240x128xf32, #tpu.memory_space<hbm>>, %arg4: memref<32x80x128xi32, #tpu.memory_space<hbm>>, %arg5: memref<32x80x128xi32, #tpu.memory_space<hbm>>, %arg6: memref<2x10240x128xf32, #tpu.memory_space<hbm>>, %arg7: memref<40x128xi32, #tpu.memory_space<vmem>>, %arg8: memref<40x128xi32, #tpu.memory_space<vmem>>, %arg9: memref<2x128x128xf32, #tpu.memory_space<vmem>>, %arg10: memref<10240x128xf32, #tpu.memory_space<vmem_shared>>, %arg11: memref<!tpu.dma_semaphore, #tpu.memory_space<semaphore_mem>>, %arg12: memref<!tpu.dma_semaphore, #tpu.memory_space<semaphore_mem>>, %arg13: memref<!tpu.dma_semaphore, #tpu.memory_space<semaphore_mem>>) attributes {dimension_semantics = [#tpu.dimension_semantics<core_parallel>, #tpu.dimension_semantics<subcore_parallel>], iteration_bounds = array<i64: 2, 16>, scalar_prefetch = 0 : i64, scratch_operands = 7 : i64, tpu.core_type = #tpu.core_type<sc_vector_subcore>, window_params = [{transform_indices = #map}, {transform_indices = #map}, {transform_indices = #map1}, {transform_indices = #map1}, {transform_indices = #map1}]} {
    %mul3A = arith.constant 2 : i32
    %mul3A_0 = arith.muli %arg1, %mul3A : i32
    %add3A = arith.addi %mul3A_0, %arg0 : i32
    %mul3A_1 = arith.constant 640 : i32
    %mul3A_2 = arith.muli %arg1, %mul3A_1 : i32
    %eq3A = arith.constant 0 : i32
    %eq3A_3 = arith.cmpi eq, %arg0, %eq3A : i32
    %convert_element_type3A = arith.extui %eq3A_3 : i1 to i32
    %cond3A = arith.constant 0 : i32
    %cond3A_4 = arith.cmpi ne, %convert_element_type3A, %cond3A : i32
    scf.if %cond3A_4 {
      %dma_start3A = arith.constant 0 : i32
      %dma_start3A_17 = tpu.memref_slice %arg10[%mul3A_2, %dma_start3A] : memref<10240x128xf32, #tpu.memory_space<vmem_shared>> -> memref<640x128xf32, #tpu.memory_space<vmem_shared>>
      %dma_start3A_18 = arith.constant 0 : i32
      %dma_start3A_19 = tpu.memref_slice %arg2[%mul3A_2, %dma_start3A_18] : memref<10240x128xf32, #tpu.memory_space<hbm>> -> memref<640x128xf32, #tpu.memory_space<hbm>>
      tpu.enqueue_dma source(%dma_start3A_19 : memref<640x128xf32, #tpu.memory_space<hbm>>) target(%dma_start3A_17 : memref<640x128xf32, #tpu.memory_space<vmem_shared>>) target_semaphore(%arg13 : memref<!tpu.dma_semaphore, #tpu.memory_space<semaphore_mem>>)
    } else {
    }
    %eq3A_5 = arith.constant 1 : i32
    %eq3A_6 = arith.cmpi eq, %arg0, %eq3A_5 : i32
    %convert_element_type3A_7 = arith.extui %eq3A_6 : i1 to i32
    %cond3A_8 = arith.constant 0 : i32
    %cond3A_9 = arith.cmpi ne, %convert_element_type3A_7, %cond3A_8 : i32
    scf.if %cond3A_9 {
      %dma_start3A = arith.constant 0 : i32
      %dma_start3A_17 = tpu.memref_slice %arg10[%mul3A_2, %dma_start3A] : memref<10240x128xf32, #tpu.memory_space<vmem_shared>> -> memref<640x128xf32, #tpu.memory_space<vmem_shared>>
      %dma_start3A_18 = arith.constant 0 : i32
      %dma_start3A_19 = tpu.memref_slice %arg3[%mul3A_2, %dma_start3A_18] : memref<10240x128xf32, #tpu.memory_space<hbm>> -> memref<640x128xf32, #tpu.memory_space<hbm>>
      tpu.enqueue_dma source(%dma_start3A_19 : memref<640x128xf32, #tpu.memory_space<hbm>>) target(%dma_start3A_17 : memref<640x128xf32, #tpu.memory_space<vmem_shared>>) target_semaphore(%arg13 : memref<!tpu.dma_semaphore, #tpu.memory_space<semaphore_mem>>)
    } else {
    }
    %scan3A = arith.constant 0 : i32
    %scan3A_10 = arith.constant 0 : i32
    %scan3A_11 = arith.constant 1 : i32
    %scan3A_12 = arith.constant 0 : i32
    %scan3A_13 = arith.constant 2 : i32
    %scan3A_14 = arith.addi %scan3A_12, %scan3A_13 : i32
    %scan3A_15 = arith.constant 1 : i32
    scf.for %scan3A_17 = %scan3A_12 to %scan3A_14 step %scan3A_15  : i32 {
      %mul3A_18 = arith.constant 40 : i32
      %mul3A_19 = arith.muli %scan3A_17, %mul3A_18 : i32
      "tpu.region"() ({
        %run_scoped3A = tpu.sem_alloc : memref<!tpu.dma_semaphore, #tpu.memory_space<semaphore_mem>>
        %dma_start3A_75 = arith.constant 0 : i32
        %dma_start3A_76 = tpu.memref_slice %arg4[%add3A, %mul3A_19, %dma_start3A_75] : memref<32x80x128xi32, #tpu.memory_space<hbm>> -> memref<1x40x128xi32, #tpu.memory_space<hbm>>
        %dma_start3A_77 = tpu.memref_squeeze %dma_start3A_76 : memref<1x40x128xi32, #tpu.memory_space<hbm>> -> memref<40x128xi32, #tpu.memory_space<hbm>>
        %dma_start3A_78 = arith.constant 0 : i32
        %dma_start3A_79 = tpu.memref_slice %arg4[%add3A, %mul3A_19, %dma_start3A_78] : memref<32x80x128xi32, #tpu.memory_space<hbm>> -> memref<1x40x128xi32, #tpu.memory_space<hbm>>
        %dma_start3A_80 = tpu.memref_squeeze %dma_start3A_79 : memref<1x40x128xi32, #tpu.memory_space<hbm>> -> memref<40x128xi32, #tpu.memory_space<hbm>>
        tpu.enqueue_dma source(%dma_start3A_80 : memref<40x128xi32, #tpu.memory_space<hbm>>) target(%arg7 : memref<40x128xi32, #tpu.memory_space<vmem>>) target_semaphore(%run_scoped3A : memref<!tpu.dma_semaphore, #tpu.memory_space<semaphore_mem>>)
        %dma_wait3A_81 = arith.constant 0 : i32
        %dma_wait3A_82 = tpu.memref_slice %arg4[%add3A, %mul3A_19, %dma_wait3A_81] : memref<32x80x128xi32, #tpu.memory_space<hbm>> -> memref<1x40x128xi32, #tpu.memory_space<hbm>>
        %dma_wait3A_83 = tpu.memref_squeeze %dma_wait3A_82 : memref<1x40x128xi32, #tpu.memory_space<hbm>> -> memref<40x128xi32, #tpu.memory_space<hbm>>
        %dma_wait3A_84 = arith.constant 0 : i32
        %dma_wait3A_85 = tpu.memref_slice %arg4[%add3A, %mul3A_19, %dma_wait3A_84] : memref<32x80x128xi32, #tpu.memory_space<hbm>> -> memref<1x40x128xi32, #tpu.memory_space<hbm>>
        %dma_wait3A_86 = tpu.memref_squeeze %dma_wait3A_85 : memref<1x40x128xi32, #tpu.memory_space<hbm>> -> memref<40x128xi32, #tpu.memory_space<hbm>>
        tpu.wait_dma2 semaphore(%run_scoped3A : memref<!tpu.dma_semaphore, #tpu.memory_space<semaphore_mem>>) src(%dma_wait3A_86 : memref<40x128xi32, #tpu.memory_space<hbm>>) dst(%arg7 : memref<40x128xi32, #tpu.memory_space<vmem>>)
        tpu.yield
      }) : () -> ()
      %mul3A_20 = arith.constant 40 : i32
      %mul3A_21 = arith.muli %scan3A_17, %mul3A_20 : i32
      "tpu.region"() ({
        %run_scoped3A = tpu.sem_alloc : memref<!tpu.dma_semaphore, #tpu.memory_space<semaphore_mem>>
        %dma_start3A_75 = arith.constant 0 : i32
        %dma_start3A_76 = tpu.memref_slice %arg5[%add3A, %mul3A_21, %dma_start3A_75] : memref<32x80x128xi32, #tpu.memory_space<hbm>> -> memref<1x40x128xi32, #tpu.memory_space<hbm>>
        %dma_start3A_77 = tpu.memref_squeeze %dma_start3A_76 : memref<1x40x128xi32, #tpu.memory_space<hbm>> -> memref<40x128xi32, #tpu.memory_space<hbm>>
        %dma_start3A_78 = arith.constant 0 : i32
        %dma_start3A_79 = tpu.memref_slice %arg5[%add3A, %mul3A_21, %dma_start3A_78] : memref<32x80x128xi32, #tpu.memory_space<hbm>> -> memref<1x40x128xi32, #tpu.memory_space<hbm>>
        %dma_start3A_80 = tpu.memref_squeeze %dma_start3A_79 : memref<1x40x128xi32, #tpu.memory_space<hbm>> -> memref<40x128xi32, #tpu.memory_space<hbm>>
        tpu.enqueue_dma source(%dma_start3A_80 : memref<40x128xi32, #tpu.memory_space<hbm>>) target(%arg8 : memref<40x128xi32, #tpu.memory_space<vmem>>) target_semaphore(%run_scoped3A : memref<!tpu.dma_semaphore, #tpu.memory_space<semaphore_mem>>)
        %dma_wait3A_81 = arith.constant 0 : i32
        %dma_wait3A_82 = tpu.memref_slice %arg5[%add3A, %mul3A_21, %dma_wait3A_81] : memref<32x80x128xi32, #tpu.memory_space<hbm>> -> memref<1x40x128xi32, #tpu.memory_space<hbm>>
        %dma_wait3A_83 = tpu.memref_squeeze %dma_wait3A_82 : memref<1x40x128xi32, #tpu.memory_space<hbm>> -> memref<40x128xi32, #tpu.memory_space<hbm>>
        %dma_wait3A_84 = arith.constant 0 : i32
        %dma_wait3A_85 = tpu.memref_slice %arg5[%add3A, %mul3A_21, %dma_wait3A_84] : memref<32x80x128xi32, #tpu.memory_space<hbm>> -> memref<1x40x128xi32, #tpu.memory_space<hbm>>
        %dma_wait3A_86 = tpu.memref_squeeze %dma_wait3A_85 : memref<1x40x128xi32, #tpu.memory_space<hbm>> -> memref<40x128xi32, #tpu.memory_space<hbm>>
        tpu.wait_dma2 semaphore(%run_scoped3A : memref<!tpu.dma_semaphore, #tpu.memory_space<semaphore_mem>>) src(%dma_wait3A_86 : memref<40x128xi32, #tpu.memory_space<hbm>>) dst(%arg8 : memref<40x128xi32, #tpu.memory_space<vmem>>)
        tpu.yield
      }) : () -> ()
      %dma_start3A = arith.constant 0 : i32
      %dma_start3A_22 = arith.constant 0 : i32
      %dma_start3A_23 = arith.constant 0 : i32
      %dma_start3A_24 = tpu.memref_slice %arg9[%scan3A_10, %dma_start3A_22, %dma_start3A_23] : memref<2x128x128xf32, #tpu.memory_space<vmem>> -> memref<1x128x128xf32, #tpu.memory_space<vmem>>
      %dma_start3A_25 = tpu.memref_squeeze %dma_start3A_24 : memref<1x128x128xf32, #tpu.memory_space<vmem>> -> memref<128x128xf32, #tpu.memory_space<vmem>>
      %dma_start3A_26 = arith.constant 0 : i32
      %dma_start3A_27 = tpu.memref_slice %arg7[%dma_start3A, %dma_start3A_26] : memref<40x128xi32, #tpu.memory_space<vmem>> -> memref<1x128xi32, #tpu.memory_space<vmem>>
      %dma_start3A_28 = tpu.memref_squeeze %dma_start3A_27 : memref<1x128xi32, #tpu.memory_space<vmem>> -> memref<128xi32, #tpu.memory_space<vmem>>
      %dma_start3A_29 = arith.constant 0 : i32
      %dma_start3A_30 = arith.constant 0 : i32
      %dma_start3A_31 = tpu.memref_slice %arg2[%dma_start3A_29, %dma_start3A_30] : memref<10240x128xf32, #tpu.memory_space<hbm>> -> memref<10240x128xf32, #tpu.memory_space<hbm>>
      tpu.enqueue_indirect_dma source(%dma_start3A_31 : memref<10240x128xf32, #tpu.memory_space<hbm>>) target(%dma_start3A_25 : memref<128x128xf32, #tpu.memory_space<vmem>>) offsets(%dma_start3A_28 : memref<128xi32, #tpu.memory_space<vmem>>) semaphore(%arg11 : memref<!tpu.dma_semaphore, #tpu.memory_space<semaphore_mem>>)
      %dma_start3A_32 = arith.constant 1 : i32
      %dma_start3A_33 = arith.constant 0 : i32
      %dma_start3A_34 = arith.constant 0 : i32
      %dma_start3A_35 = tpu.memref_slice %arg9[%scan3A_11, %dma_start3A_33, %dma_start3A_34] : memref<2x128x128xf32, #tpu.memory_space<vmem>> -> memref<1x128x128xf32, #tpu.memory_space<vmem>>
      %dma_start3A_36 = tpu.memref_squeeze %dma_start3A_35 : memref<1x128x128xf32, #tpu.memory_space<vmem>> -> memref<128x128xf32, #tpu.memory_space<vmem>>
      %dma_start3A_37 = arith.constant 0 : i32
      %dma_start3A_38 = tpu.memref_slice %arg7[%dma_start3A_32, %dma_start3A_37] : memref<40x128xi32, #tpu.memory_space<vmem>> -> memref<1x128xi32, #tpu.memory_space<vmem>>
      %dma_start3A_39 = tpu.memref_squeeze %dma_start3A_38 : memref<1x128xi32, #tpu.memory_space<vmem>> -> memref<128xi32, #tpu.memory_space<vmem>>
      %dma_start3A_40 = arith.constant 0 : i32
      %dma_start3A_41 = arith.constant 0 : i32
      %dma_start3A_42 = tpu.memref_slice %arg2[%dma_start3A_40, %dma_start3A_41] : memref<10240x128xf32, #tpu.memory_space<hbm>> -> memref<10240x128xf32, #tpu.memory_space<hbm>>
      tpu.enqueue_indirect_dma source(%dma_start3A_42 : memref<10240x128xf32, #tpu.memory_space<hbm>>) target(%dma_start3A_36 : memref<128x128xf32, #tpu.memory_space<vmem>>) offsets(%dma_start3A_39 : memref<128xi32, #tpu.memory_space<vmem>>) semaphore(%arg12 : memref<!tpu.dma_semaphore, #tpu.memory_space<semaphore_mem>>)
      %eq3A_43 = arith.constant 0 : i32
      %eq3A_44 = arith.cmpi eq, %scan3A_17, %eq3A_43 : i32
      %convert_element_type3A_45 = arith.extui %eq3A_44 : i1 to i32
      %cond3A_46 = arith.constant 0 : i32
      %cond3A_47 = arith.cmpi ne, %convert_element_type3A_45, %cond3A_46 : i32
      scf.if %cond3A_47 {
        %dma_wait3A_75 = arith.constant 0 : i32
        %dma_wait3A_76 = tpu.memref_slice %arg10[%mul3A_2, %dma_wait3A_75] : memref<10240x128xf32, #tpu.memory_space<vmem_shared>> -> memref<640x128xf32, #tpu.memory_space<vmem_shared>>
        %dma_wait3A_77 = arith.constant 0 : i32
        %dma_wait3A_78 = tpu.memref_slice %arg2[%mul3A_2, %dma_wait3A_77] : memref<10240x128xf32, #tpu.memory_space<hbm>> -> memref<640x128xf32, #tpu.memory_space<hbm>>
        tpu.wait_dma2 semaphore(%arg13 : memref<!tpu.dma_semaphore, #tpu.memory_space<semaphore_mem>>) src(%dma_wait3A_78 : memref<640x128xf32, #tpu.memory_space<hbm>>) dst(%dma_wait3A_76 : memref<640x128xf32, #tpu.memory_space<vmem_shared>>)
        %barrier3A_79 = arith.constant 0 : index
        tpu.barrier barrier_id(%barrier3A_79)
      } else {
      }
      %scan3A_48 = arith.constant 0 : i32
      %scan3A_49 = arith.constant 0 : i32
      %scan3A_50 = arith.constant 20 : i32
      %scan3A_51 = arith.addi %scan3A_49, %scan3A_50 : i32
      %scan3A_52 = arith.constant 1 : i32
      scf.for %scan3A_75 = %scan3A_49 to %scan3A_51 step %scan3A_52  : i32 {
        %mul3A_76 = arith.constant 2 : i32
        %mul3A_77 = arith.muli %mul3A_76, %scan3A_75 : i32
        %dma_wait3A_78 = arith.constant 0 : i32
        %dma_wait3A_79 = arith.constant 0 : i32
        %dma_wait3A_80 = arith.constant 0 : i32
        %dma_wait3A_81 = tpu.memref_slice %arg9[%scan3A_10, %dma_wait3A_79, %dma_wait3A_80] : memref<2x128x128xf32, #tpu.memory_space<vmem>> -> memref<1x128x128xf32, #tpu.memory_space<vmem>>
        %dma_wait3A_82 = tpu.memref_squeeze %dma_wait3A_81 : memref<1x128x128xf32, #tpu.memory_space<vmem>> -> memref<128x128xf32, #tpu.memory_space<vmem>>
        %dma_wait3A_83 = arith.constant 0 : i32
        %dma_wait3A_84 = tpu.memref_slice %arg7[%dma_wait3A_78, %dma_wait3A_83] : memref<40x128xi32, #tpu.memory_space<vmem>> -> memref<1x128xi32, #tpu.memory_space<vmem>>
        %dma_wait3A_85 = tpu.memref_squeeze %dma_wait3A_84 : memref<1x128xi32, #tpu.memory_space<vmem>> -> memref<128xi32, #tpu.memory_space<vmem>>
        %dma_wait3A_86 = arith.constant 0 : i32
        %dma_wait3A_87 = arith.constant 0 : i32
        %dma_wait3A_88 = tpu.memref_slice %arg2[%dma_wait3A_86, %dma_wait3A_87] : memref<10240x128xf32, #tpu.memory_space<hbm>> -> memref<10240x128xf32, #tpu.memory_space<hbm>>
        tpu.wait_indirect_dma semaphore(%arg11 : memref<!tpu.dma_semaphore, #tpu.memory_space<semaphore_mem>>) src(%dma_wait3A_88 : memref<10240x128xf32, #tpu.memory_space<hbm>>) dst(%dma_wait3A_82 : memref<128x128xf32, #tpu.memory_space<vmem>>)
        "tpu.region"() ({
          %run_scoped3A = tpu.sem_alloc : memref<!tpu.dma_semaphore, #tpu.memory_space<semaphore_mem>>
          %dma_start3A_129 = arith.constant 0 : i32
          %dma_start3A_130 = arith.constant 0 : i32
          %dma_start3A_131 = tpu.memref_slice %arg9[%scan3A_10, %dma_start3A_129, %dma_start3A_130] : memref<2x128x128xf32, #tpu.memory_space<vmem>> -> memref<1x128x128xf32, #tpu.memory_space<vmem>>
          %dma_start3A_132 = tpu.memref_squeeze %dma_start3A_131 : memref<1x128x128xf32, #tpu.memory_space<vmem>> -> memref<128x128xf32, #tpu.memory_space<vmem>>
          %dma_start3A_133 = arith.constant 0 : i32
          %dma_start3A_134 = tpu.memref_slice %arg8[%mul3A_77, %dma_start3A_133] : memref<40x128xi32, #tpu.memory_space<vmem>> -> memref<1x128xi32, #tpu.memory_space<vmem>>
          %dma_start3A_135 = tpu.memref_squeeze %dma_start3A_134 : memref<1x128xi32, #tpu.memory_space<vmem>> -> memref<128xi32, #tpu.memory_space<vmem>>
          %dma_start3A_136 = arith.constant 0 : i32
          %dma_start3A_137 = arith.constant 0 : i32
          %dma_start3A_138 = tpu.memref_slice %arg10[%dma_start3A_136, %dma_start3A_137] : memref<10240x128xf32, #tpu.memory_space<vmem_shared>> -> memref<10240x128xf32, #tpu.memory_space<vmem_shared>>
          tpu.enqueue_indirect_dma source(%dma_start3A_132 : memref<128x128xf32, #tpu.memory_space<vmem>>) target(%dma_start3A_138 : memref<10240x128xf32, #tpu.memory_space<vmem_shared>>) offsets(%dma_start3A_135 : memref<128xi32, #tpu.memory_space<vmem>>) semaphore(%run_scoped3A : memref<!tpu.dma_semaphore, #tpu.memory_space<semaphore_mem>>) {add = true}
          %dma_wait3A_139 = arith.constant 0 : i32
          %dma_wait3A_140 = arith.constant 0 : i32
          %dma_wait3A_141 = tpu.memref_slice %arg9[%scan3A_10, %dma_wait3A_139, %dma_wait3A_140] : memref<2x128x128xf32, #tpu.memory_space<vmem>> -> memref<1x128x128xf32, #tpu.memory_space<vmem>>
          %dma_wait3A_142 = tpu.memref_squeeze %dma_wait3A_141 : memref<1x128x128xf32, #tpu.memory_space<vmem>> -> memref<128x128xf32, #tpu.memory_space<vmem>>
          %dma_wait3A_143 = arith.constant 0 : i32
          %dma_wait3A_144 = tpu.memref_slice %arg8[%mul3A_77, %dma_wait3A_143] : memref<40x128xi32, #tpu.memory_space<vmem>> -> memref<1x128xi32, #tpu.memory_space<vmem>>
          %dma_wait3A_145 = tpu.memref_squeeze %dma_wait3A_144 : memref<1x128xi32, #tpu.memory_space<vmem>> -> memref<128xi32, #tpu.memory_space<vmem>>
          %dma_wait3A_146 = arith.constant 0 : i32
          %dma_wait3A_147 = arith.constant 0 : i32
          %dma_wait3A_148 = tpu.memref_slice %arg10[%dma_wait3A_146, %dma_wait3A_147] : memref<10240x128xf32, #tpu.memory_space<vmem_shared>> -> memref<10240x128xf32, #tpu.memory_space<vmem_shared>>
          tpu.wait_indirect_dma semaphore(%run_scoped3A : memref<!tpu.dma_semaphore, #tpu.memory_space<semaphore_mem>>) src(%dma_wait3A_142 : memref<128x128xf32, #tpu.memory_space<vmem>>) dst(%dma_wait3A_148 : memref<10240x128xf32, #tpu.memory_space<vmem_shared>>)
          tpu.yield
        }) : () -> ()
        %add3A_89 = arith.constant 2 : i32
        %add3A_90 = arith.addi %mul3A_77, %add3A_89 : i32
        %min3A = arith.constant 39 : i32
        %min3A_91 = arith.minsi %add3A_90, %min3A : i32
        %dma_start3A_92 = arith.constant 0 : i32
        %dma_start3A_93 = arith.constant 0 : i32
        %dma_start3A_94 = tpu.memref_slice %arg9[%scan3A_10, %dma_start3A_92, %dma_start3A_93] : memref<2x128x128xf32, #tpu.memory_space<vmem>> -> memref<1x128x128xf32, #tpu.memory_space<vmem>>
        %dma_start3A_95 = tpu.memref_squeeze %dma_start3A_94 : memref<1x128x128xf32, #tpu.memory_space<vmem>> -> memref<128x128xf32, #tpu.memory_space<vmem>>
        %dma_start3A_96 = arith.constant 0 : i32
        %dma_start3A_97 = tpu.memref_slice %arg7[%min3A_91, %dma_start3A_96] : memref<40x128xi32, #tpu.memory_space<vmem>> -> memref<1x128xi32, #tpu.memory_space<vmem>>
        %dma_start3A_98 = tpu.memref_squeeze %dma_start3A_97 : memref<1x128xi32, #tpu.memory_space<vmem>> -> memref<128xi32, #tpu.memory_space<vmem>>
        %dma_start3A_99 = arith.constant 0 : i32
        %dma_start3A_100 = arith.constant 0 : i32
        %dma_start3A_101 = tpu.memref_slice %arg2[%dma_start3A_99, %dma_start3A_100] : memref<10240x128xf32, #tpu.memory_space<hbm>> -> memref<10240x128xf32, #tpu.memory_space<hbm>>
        tpu.enqueue_indirect_dma source(%dma_start3A_101 : memref<10240x128xf32, #tpu.memory_space<hbm>>) target(%dma_start3A_95 : memref<128x128xf32, #tpu.memory_space<vmem>>) offsets(%dma_start3A_98 : memref<128xi32, #tpu.memory_space<vmem>>) semaphore(%arg11 : memref<!tpu.dma_semaphore, #tpu.memory_space<semaphore_mem>>)
        %dma_wait3A_102 = arith.constant 0 : i32
        %dma_wait3A_103 = arith.constant 0 : i32
        %dma_wait3A_104 = arith.constant 0 : i32
        %dma_wait3A_105 = tpu.memref_slice %arg9[%scan3A_11, %dma_wait3A_103, %dma_wait3A_104] : memref<2x128x128xf32, #tpu.memory_space<vmem>> -> memref<1x128x128xf32, #tpu.memory_space<vmem>>
        %dma_wait3A_106 = tpu.memref_squeeze %dma_wait3A_105 : memref<1x128x128xf32, #tpu.memory_space<vmem>> -> memref<128x128xf32, #tpu.memory_space<vmem>>
        %dma_wait3A_107 = arith.constant 0 : i32
        %dma_wait3A_108 = tpu.memref_slice %arg7[%dma_wait3A_102, %dma_wait3A_107] : memref<40x128xi32, #tpu.memory_space<vmem>> -> memref<1x128xi32, #tpu.memory_space<vmem>>
        %dma_wait3A_109 = tpu.memref_squeeze %dma_wait3A_108 : memref<1x128xi32, #tpu.memory_space<vmem>> -> memref<128xi32, #tpu.memory_space<vmem>>
        %dma_wait3A_110 = arith.constant 0 : i32
        %dma_wait3A_111 = arith.constant 0 : i32
        %dma_wait3A_112 = tpu.memref_slice %arg2[%dma_wait3A_110, %dma_wait3A_111] : memref<10240x128xf32, #tpu.memory_space<hbm>> -> memref<10240x128xf32, #tpu.memory_space<hbm>>
        tpu.wait_indirect_dma semaphore(%arg12 : memref<!tpu.dma_semaphore, #tpu.memory_space<semaphore_mem>>) src(%dma_wait3A_112 : memref<10240x128xf32, #tpu.memory_space<hbm>>) dst(%dma_wait3A_106 : memref<128x128xf32, #tpu.memory_space<vmem>>)
        %add3A_113 = arith.constant 1 : i32
        %add3A_114 = arith.addi %mul3A_77, %add3A_113 : i32
        "tpu.region"() ({
          %run_scoped3A = tpu.sem_alloc : memref<!tpu.dma_semaphore, #tpu.memory_space<semaphore_mem>>
          %dma_start3A_129 = arith.constant 0 : i32
          %dma_start3A_130 = arith.constant 0 : i32
          %dma_start3A_131 = tpu.memref_slice %arg9[%scan3A_11, %dma_start3A_129, %dma_start3A_130] : memref<2x128x128xf32, #tpu.memory_space<vmem>> -> memref<1x128x128xf32, #tpu.memory_space<vmem>>
          %dma_start3A_132 = tpu.memref_squeeze %dma_start3A_131 : memref<1x128x128xf32, #tpu.memory_space<vmem>> -> memref<128x128xf32, #tpu.memory_space<vmem>>
          %dma_start3A_133 = arith.constant 0 : i32
          %dma_start3A_134 = tpu.memref_slice %arg8[%add3A_114, %dma_start3A_133] : memref<40x128xi32, #tpu.memory_space<vmem>> -> memref<1x128xi32, #tpu.memory_space<vmem>>
          %dma_start3A_135 = tpu.memref_squeeze %dma_start3A_134 : memref<1x128xi32, #tpu.memory_space<vmem>> -> memref<128xi32, #tpu.memory_space<vmem>>
          %dma_start3A_136 = arith.constant 0 : i32
          %dma_start3A_137 = arith.constant 0 : i32
          %dma_start3A_138 = tpu.memref_slice %arg10[%dma_start3A_136, %dma_start3A_137] : memref<10240x128xf32, #tpu.memory_space<vmem_shared>> -> memref<10240x128xf32, #tpu.memory_space<vmem_shared>>
          tpu.enqueue_indirect_dma source(%dma_start3A_132 : memref<128x128xf32, #tpu.memory_space<vmem>>) target(%dma_start3A_138 : memref<10240x128xf32, #tpu.memory_space<vmem_shared>>) offsets(%dma_start3A_135 : memref<128xi32, #tpu.memory_space<vmem>>) semaphore(%run_scoped3A : memref<!tpu.dma_semaphore, #tpu.memory_space<semaphore_mem>>) {add = true}
          %dma_wait3A_139 = arith.constant 0 : i32
          %dma_wait3A_140 = arith.constant 0 : i32
          %dma_wait3A_141 = tpu.memref_slice %arg9[%scan3A_11, %dma_wait3A_139, %dma_wait3A_140] : memref<2x128x128xf32, #tpu.memory_space<vmem>> -> memref<1x128x128xf32, #tpu.memory_space<vmem>>
          %dma_wait3A_142 = tpu.memref_squeeze %dma_wait3A_141 : memref<1x128x128xf32, #tpu.memory_space<vmem>> -> memref<128x128xf32, #tpu.memory_space<vmem>>
          %dma_wait3A_143 = arith.constant 0 : i32
          %dma_wait3A_144 = tpu.memref_slice %arg8[%add3A_114, %dma_wait3A_143] : memref<40x128xi32, #tpu.memory_space<vmem>> -> memref<1x128xi32, #tpu.memory_space<vmem>>
          %dma_wait3A_145 = tpu.memref_squeeze %dma_wait3A_144 : memref<1x128xi32, #tpu.memory_space<vmem>> -> memref<128xi32, #tpu.memory_space<vmem>>
          %dma_wait3A_146 = arith.constant 0 : i32
          %dma_wait3A_147 = arith.constant 0 : i32
          %dma_wait3A_148 = tpu.memref_slice %arg10[%dma_wait3A_146, %dma_wait3A_147] : memref<10240x128xf32, #tpu.memory_space<vmem_shared>> -> memref<10240x128xf32, #tpu.memory_space<vmem_shared>>
          tpu.wait_indirect_dma semaphore(%run_scoped3A : memref<!tpu.dma_semaphore, #tpu.memory_space<semaphore_mem>>) src(%dma_wait3A_142 : memref<128x128xf32, #tpu.memory_space<vmem>>) dst(%dma_wait3A_148 : memref<10240x128xf32, #tpu.memory_space<vmem_shared>>)
          tpu.yield
        }) : () -> ()
        %add3A_115 = arith.constant 3 : i32
        %add3A_116 = arith.addi %mul3A_77, %add3A_115 : i32
        %min3A_117 = arith.constant 39 : i32
        %min3A_118 = arith.minsi %add3A_116, %min3A_117 : i32
        %dma_start3A_119 = arith.constant 0 : i32
        %dma_start3A_120 = arith.constant 0 : i32
        %dma_start3A_121 = tpu.memref_slice %arg9[%scan3A_11, %dma_start3A_119, %dma_start3A_120] : memref<2x128x128xf32, #tpu.memory_space<vmem>> -> memref<1x128x128xf32, #tpu.memory_space<vmem>>
        %dma_start3A_122 = tpu.memref_squeeze %dma_start3A_121 : memref<1x128x128xf32, #tpu.memory_space<vmem>> -> memref<128x128xf32, #tpu.memory_space<vmem>>
        %dma_start3A_123 = arith.constant 0 : i32
        %dma_start3A_124 = tpu.memref_slice %arg7[%min3A_118, %dma_start3A_123] : memref<40x128xi32, #tpu.memory_space<vmem>> -> memref<1x128xi32, #tpu.memory_space<vmem>>
        %dma_start3A_125 = tpu.memref_squeeze %dma_start3A_124 : memref<1x128xi32, #tpu.memory_space<vmem>> -> memref<128xi32, #tpu.memory_space<vmem>>
        %dma_start3A_126 = arith.constant 0 : i32
        %dma_start3A_127 = arith.constant 0 : i32
        %dma_start3A_128 = tpu.memref_slice %arg2[%dma_start3A_126, %dma_start3A_127] : memref<10240x128xf32, #tpu.memory_space<hbm>> -> memref<10240x128xf32, #tpu.memory_space<hbm>>
        tpu.enqueue_indirect_dma source(%dma_start3A_128 : memref<10240x128xf32, #tpu.memory_space<hbm>>) target(%dma_start3A_122 : memref<128x128xf32, #tpu.memory_space<vmem>>) offsets(%dma_start3A_125 : memref<128xi32, #tpu.memory_space<vmem>>) semaphore(%arg12 : memref<!tpu.dma_semaphore, #tpu.memory_space<semaphore_mem>>)
      }
      %scan3A_53 = arith.constant 20 : i32
      %dma_wait3A = arith.constant 0 : i32
      %dma_wait3A_54 = arith.constant 0 : i32
      %dma_wait3A_55 = arith.constant 0 : i32
      %dma_wait3A_56 = tpu.memref_slice %arg9[%scan3A_10, %dma_wait3A_54, %dma_wait3A_55] : memref<2x128x128xf32, #tpu.memory_space<vmem>> -> memref<1x128x128xf32, #tpu.memory_space<vmem>>
      %dma_wait3A_57 = tpu.memref_squeeze %dma_wait3A_56 : memref<1x128x128xf32, #tpu.memory_space<vmem>> -> memref<128x128xf32, #tpu.memory_space<vmem>>
      %dma_wait3A_58 = arith.constant 0 : i32
      %dma_wait3A_59 = tpu.memref_slice %arg7[%dma_wait3A, %dma_wait3A_58] : memref<40x128xi32, #tpu.memory_space<vmem>> -> memref<1x128xi32, #tpu.memory_space<vmem>>
      %dma_wait3A_60 = tpu.memref_squeeze %dma_wait3A_59 : memref<1x128xi32, #tpu.memory_space<vmem>> -> memref<128xi32, #tpu.memory_space<vmem>>
      %dma_wait3A_61 = arith.constant 0 : i32
      %dma_wait3A_62 = arith.constant 0 : i32
      %dma_wait3A_63 = tpu.memref_slice %arg2[%dma_wait3A_61, %dma_wait3A_62] : memref<10240x128xf32, #tpu.memory_space<hbm>> -> memref<10240x128xf32, #tpu.memory_space<hbm>>
      tpu.wait_indirect_dma semaphore(%arg11 : memref<!tpu.dma_semaphore, #tpu.memory_space<semaphore_mem>>) src(%dma_wait3A_63 : memref<10240x128xf32, #tpu.memory_space<hbm>>) dst(%dma_wait3A_57 : memref<128x128xf32, #tpu.memory_space<vmem>>)
      %dma_wait3A_64 = arith.constant 0 : i32
      %dma_wait3A_65 = arith.constant 0 : i32
      %dma_wait3A_66 = arith.constant 0 : i32
      %dma_wait3A_67 = tpu.memref_slice %arg9[%scan3A_11, %dma_wait3A_65, %dma_wait3A_66] : memref<2x128x128xf32, #tpu.memory_space<vmem>> -> memref<1x128x128xf32, #tpu.memory_space<vmem>>
      %dma_wait3A_68 = tpu.memref_squeeze %dma_wait3A_67 : memref<1x128x128xf32, #tpu.memory_space<vmem>> -> memref<128x128xf32, #tpu.memory_space<vmem>>
      %dma_wait3A_69 = arith.constant 0 : i32
      %dma_wait3A_70 = tpu.memref_slice %arg7[%dma_wait3A_64, %dma_wait3A_69] : memref<40x128xi32, #tpu.memory_space<vmem>> -> memref<1x128xi32, #tpu.memory_space<vmem>>
      %dma_wait3A_71 = tpu.memref_squeeze %dma_wait3A_70 : memref<1x128xi32, #tpu.memory_space<vmem>> -> memref<128xi32, #tpu.memory_space<vmem>>
      %dma_wait3A_72 = arith.constant 0 : i32
      %dma_wait3A_73 = arith.constant 0 : i32
      %dma_wait3A_74 = tpu.memref_slice %arg2[%dma_wait3A_72, %dma_wait3A_73] : memref<10240x128xf32, #tpu.memory_space<hbm>> -> memref<10240x128xf32, #tpu.memory_space<hbm>>
      tpu.wait_indirect_dma semaphore(%arg12 : memref<!tpu.dma_semaphore, #tpu.memory_space<semaphore_mem>>) src(%dma_wait3A_74 : memref<10240x128xf32, #tpu.memory_space<hbm>>) dst(%dma_wait3A_68 : memref<128x128xf32, #tpu.memory_space<vmem>>)
    }
    %scan3A_16 = arith.constant 2 : i32
    %barrier3A = arith.constant 0 : index
    tpu.barrier barrier_id(%barrier3A)
    "tpu.region"() ({
      %run_scoped3A = tpu.sem_alloc : memref<!tpu.dma_semaphore, #tpu.memory_space<semaphore_mem>>
      %dma_start3A = arith.constant 0 : i32
      %dma_start3A_17 = arith.constant 0 : i32
      %dma_start3A_18 = tpu.memref_slice %arg6[%arg0, %dma_start3A, %dma_start3A_17] : memref<2x10240x128xf32, #tpu.memory_space<hbm>> -> memref<1x10240x128xf32, #tpu.memory_space<hbm>>
      %dma_start3A_19 = tpu.memref_squeeze %dma_start3A_18 : memref<1x10240x128xf32, #tpu.memory_space<hbm>> -> memref<10240x128xf32, #tpu.memory_space<hbm>>
      %dma_start3A_20 = arith.constant 0 : i32
      %dma_start3A_21 = tpu.memref_slice %dma_start3A_19[%mul3A_2, %dma_start3A_20] : memref<10240x128xf32, #tpu.memory_space<hbm>> -> memref<640x128xf32, #tpu.memory_space<hbm>>
      %dma_start3A_22 = arith.constant 0 : i32
      %dma_start3A_23 = tpu.memref_slice %arg10[%mul3A_2, %dma_start3A_22] : memref<10240x128xf32, #tpu.memory_space<vmem_shared>> -> memref<640x128xf32, #tpu.memory_space<vmem_shared>>
      tpu.enqueue_dma source(%dma_start3A_23 : memref<640x128xf32, #tpu.memory_space<vmem_shared>>) target(%dma_start3A_21 : memref<640x128xf32, #tpu.memory_space<hbm>>) target_semaphore(%run_scoped3A : memref<!tpu.dma_semaphore, #tpu.memory_space<semaphore_mem>>)
      %dma_wait3A = arith.constant 0 : i32
      %dma_wait3A_24 = arith.constant 0 : i32
      %dma_wait3A_25 = tpu.memref_slice %arg6[%arg0, %dma_wait3A, %dma_wait3A_24] : memref<2x10240x128xf32, #tpu.memory_space<hbm>> -> memref<1x10240x128xf32, #tpu.memory_space<hbm>>
      %dma_wait3A_26 = tpu.memref_squeeze %dma_wait3A_25 : memref<1x10240x128xf32, #tpu.memory_space<hbm>> -> memref<10240x128xf32, #tpu.memory_space<hbm>>
      %dma_wait3A_27 = arith.constant 0 : i32
      %dma_wait3A_28 = tpu.memref_slice %dma_wait3A_26[%mul3A_2, %dma_wait3A_27] : memref<10240x128xf32, #tpu.memory_space<hbm>> -> memref<640x128xf32, #tpu.memory_space<hbm>>
      %dma_wait3A_29 = arith.constant 0 : i32
      %dma_wait3A_30 = tpu.memref_slice %arg10[%mul3A_2, %dma_wait3A_29] : memref<10240x128xf32, #tpu.memory_space<vmem_shared>> -> memref<640x128xf32, #tpu.memory_space<vmem_shared>>
      tpu.wait_dma2 semaphore(%run_scoped3A : memref<!tpu.dma_semaphore, #tpu.memory_space<semaphore_mem>>) src(%dma_wait3A_30 : memref<640x128xf32, #tpu.memory_space<vmem_shared>>) dst(%dma_wait3A_28 : memref<640x128xf32, #tpu.memory_space<hbm>>)
      tpu.yield
    }) : () -> ()
    return
  }
}

#map = affine_map<(d0, d1) -> (0, 0)>
#map1 = affine_map<(d0, d1) -> (0, 0, 0)>
module attributes {stable_mosaic.version = 14 : i64} {
  func.func @_agg_body(%arg0: i32, %arg1: i32, %arg2: memref<10240x128xf32, #tpu.memory_space<hbm>>, %arg3: memref<10240x128xf32, #tpu.memory_space<hbm>>, %arg4: memref<32x80x128xi32, #tpu.memory_space<hbm>>, %arg5: memref<32x80x128xi32, #tpu.memory_space<hbm>>, %arg6: memref<2x10240x128xf32, #tpu.memory_space<hbm>>, %arg7: memref<40x128xi32, #tpu.memory_space<vmem>>, %arg8: memref<40x128xi32, #tpu.memory_space<vmem>>, %arg9: memref<2x128x128xf32, #tpu.memory_space<vmem>>, %arg10: memref<10240x128xf32, #tpu.memory_space<vmem_shared>>, %arg11: memref<!tpu.dma_semaphore, #tpu.memory_space<semaphore_mem>>, %arg12: memref<!tpu.dma_semaphore, #tpu.memory_space<semaphore_mem>>, %arg13: memref<!tpu.dma_semaphore, #tpu.memory_space<semaphore_mem>>) attributes {dimension_semantics = [#tpu.dimension_semantics<core_parallel>, #tpu.dimension_semantics<subcore_parallel>], iteration_bounds = array<i64: 2, 16>, scalar_prefetch = 0 : i64, scratch_operands = 7 : i64, tpu.core_type = #tpu.core_type<sc_vector_subcore>, window_params = [{transform_indices = #map}, {transform_indices = #map}, {transform_indices = #map1}, {transform_indices = #map1}, {transform_indices = #map1}]} {
    %mul3A = arith.constant 2 : i32
    %mul3A_0 = arith.muli %arg1, %mul3A : i32
    %add3A = arith.addi %mul3A_0, %arg0 : i32
    %mul3A_1 = arith.constant 640 : i32
    %mul3A_2 = arith.muli %arg1, %mul3A_1 : i32
    %eq3A = arith.constant 0 : i32
    %eq3A_3 = arith.cmpi eq, %arg0, %eq3A : i32
    %convert_element_type3A = arith.extui %eq3A_3 : i1 to i32
    %cond3A = arith.constant 0 : i32
    %cond3A_4 = arith.cmpi ne, %convert_element_type3A, %cond3A : i32
    scf.if %cond3A_4 {
      %dma_start3A = arith.constant 0 : i32
      %dma_start3A_17 = tpu.memref_slice %arg10[%mul3A_2, %dma_start3A] : memref<10240x128xf32, #tpu.memory_space<vmem_shared>> -> memref<640x128xf32, #tpu.memory_space<vmem_shared>>
      %dma_start3A_18 = arith.constant 0 : i32
      %dma_start3A_19 = tpu.memref_slice %arg2[%mul3A_2, %dma_start3A_18] : memref<10240x128xf32, #tpu.memory_space<hbm>> -> memref<640x128xf32, #tpu.memory_space<hbm>>
      tpu.enqueue_dma source(%dma_start3A_19 : memref<640x128xf32, #tpu.memory_space<hbm>>) target(%dma_start3A_17 : memref<640x128xf32, #tpu.memory_space<vmem_shared>>) target_semaphore(%arg13 : memref<!tpu.dma_semaphore, #tpu.memory_space<semaphore_mem>>)
    } else {
    }
    %eq3A_5 = arith.constant 1 : i32
    %eq3A_6 = arith.cmpi eq, %arg0, %eq3A_5 : i32
    %convert_element_type3A_7 = arith.extui %eq3A_6 : i1 to i32
    %cond3A_8 = arith.constant 0 : i32
    %cond3A_9 = arith.cmpi ne, %convert_element_type3A_7, %cond3A_8 : i32
    scf.if %cond3A_9 {
      %dma_start3A = arith.constant 0 : i32
      %dma_start3A_17 = tpu.memref_slice %arg10[%mul3A_2, %dma_start3A] : memref<10240x128xf32, #tpu.memory_space<vmem_shared>> -> memref<640x128xf32, #tpu.memory_space<vmem_shared>>
      %dma_start3A_18 = arith.constant 0 : i32
      %dma_start3A_19 = tpu.memref_slice %arg3[%mul3A_2, %dma_start3A_18] : memref<10240x128xf32, #tpu.memory_space<hbm>> -> memref<640x128xf32, #tpu.memory_space<hbm>>
      tpu.enqueue_dma source(%dma_start3A_19 : memref<640x128xf32, #tpu.memory_space<hbm>>) target(%dma_start3A_17 : memref<640x128xf32, #tpu.memory_space<vmem_shared>>) target_semaphore(%arg13 : memref<!tpu.dma_semaphore, #tpu.memory_space<semaphore_mem>>)
    } else {
    }
    %scan3A = arith.constant 0 : i32
    %scan3A_10 = arith.constant 0 : i32
    %scan3A_11 = arith.constant 1 : i32
    %scan3A_12 = arith.constant 0 : i32
    %scan3A_13 = arith.constant 2 : i32
    %scan3A_14 = arith.addi %scan3A_12, %scan3A_13 : i32
    %scan3A_15 = arith.constant 1 : i32
    scf.for %scan3A_17 = %scan3A_12 to %scan3A_14 step %scan3A_15  : i32 {
      %mul3A_18 = arith.constant 40 : i32
      %mul3A_19 = arith.muli %scan3A_17, %mul3A_18 : i32
      "tpu.region"() ({
        %run_scoped3A = tpu.sem_alloc : memref<!tpu.dma_semaphore, #tpu.memory_space<semaphore_mem>>
        %dma_start3A_75 = arith.constant 0 : i32
        %dma_start3A_76 = tpu.memref_slice %arg4[%add3A, %mul3A_19, %dma_start3A_75] : memref<32x80x128xi32, #tpu.memory_space<hbm>> -> memref<1x40x128xi32, #tpu.memory_space<hbm>>
        %dma_start3A_77 = tpu.memref_squeeze %dma_start3A_76 : memref<1x40x128xi32, #tpu.memory_space<hbm>> -> memref<40x128xi32, #tpu.memory_space<hbm>>
        %dma_start3A_78 = arith.constant 0 : i32
        %dma_start3A_79 = tpu.memref_slice %arg4[%add3A, %mul3A_19, %dma_start3A_78] : memref<32x80x128xi32, #tpu.memory_space<hbm>> -> memref<1x40x128xi32, #tpu.memory_space<hbm>>
        %dma_start3A_80 = tpu.memref_squeeze %dma_start3A_79 : memref<1x40x128xi32, #tpu.memory_space<hbm>> -> memref<40x128xi32, #tpu.memory_space<hbm>>
        tpu.enqueue_dma source(%dma_start3A_80 : memref<40x128xi32, #tpu.memory_space<hbm>>) target(%arg7 : memref<40x128xi32, #tpu.memory_space<vmem>>) target_semaphore(%run_scoped3A : memref<!tpu.dma_semaphore, #tpu.memory_space<semaphore_mem>>)
        %dma_wait3A_81 = arith.constant 0 : i32
        %dma_wait3A_82 = tpu.memref_slice %arg4[%add3A, %mul3A_19, %dma_wait3A_81] : memref<32x80x128xi32, #tpu.memory_space<hbm>> -> memref<1x40x128xi32, #tpu.memory_space<hbm>>
        %dma_wait3A_83 = tpu.memref_squeeze %dma_wait3A_82 : memref<1x40x128xi32, #tpu.memory_space<hbm>> -> memref<40x128xi32, #tpu.memory_space<hbm>>
        %dma_wait3A_84 = arith.constant 0 : i32
        %dma_wait3A_85 = tpu.memref_slice %arg4[%add3A, %mul3A_19, %dma_wait3A_84] : memref<32x80x128xi32, #tpu.memory_space<hbm>> -> memref<1x40x128xi32, #tpu.memory_space<hbm>>
        %dma_wait3A_86 = tpu.memref_squeeze %dma_wait3A_85 : memref<1x40x128xi32, #tpu.memory_space<hbm>> -> memref<40x128xi32, #tpu.memory_space<hbm>>
        tpu.wait_dma2 semaphore(%run_scoped3A : memref<!tpu.dma_semaphore, #tpu.memory_space<semaphore_mem>>) src(%dma_wait3A_86 : memref<40x128xi32, #tpu.memory_space<hbm>>) dst(%arg7 : memref<40x128xi32, #tpu.memory_space<vmem>>)
        tpu.yield
      }) : () -> ()
      %mul3A_20 = arith.constant 40 : i32
      %mul3A_21 = arith.muli %scan3A_17, %mul3A_20 : i32
      "tpu.region"() ({
        %run_scoped3A = tpu.sem_alloc : memref<!tpu.dma_semaphore, #tpu.memory_space<semaphore_mem>>
        %dma_start3A_75 = arith.constant 0 : i32
        %dma_start3A_76 = tpu.memref_slice %arg5[%add3A, %mul3A_21, %dma_start3A_75] : memref<32x80x128xi32, #tpu.memory_space<hbm>> -> memref<1x40x128xi32, #tpu.memory_space<hbm>>
        %dma_start3A_77 = tpu.memref_squeeze %dma_start3A_76 : memref<1x40x128xi32, #tpu.memory_space<hbm>> -> memref<40x128xi32, #tpu.memory_space<hbm>>
        %dma_start3A_78 = arith.constant 0 : i32
        %dma_start3A_79 = tpu.memref_slice %arg5[%add3A, %mul3A_21, %dma_start3A_78] : memref<32x80x128xi32, #tpu.memory_space<hbm>> -> memref<1x40x128xi32, #tpu.memory_space<hbm>>
        %dma_start3A_80 = tpu.memref_squeeze %dma_start3A_79 : memref<1x40x128xi32, #tpu.memory_space<hbm>> -> memref<40x128xi32, #tpu.memory_space<hbm>>
        tpu.enqueue_dma source(%dma_start3A_80 : memref<40x128xi32, #tpu.memory_space<hbm>>) target(%arg8 : memref<40x128xi32, #tpu.memory_space<vmem>>) target_semaphore(%run_scoped3A : memref<!tpu.dma_semaphore, #tpu.memory_space<semaphore_mem>>)
        %dma_wait3A_81 = arith.constant 0 : i32
        %dma_wait3A_82 = tpu.memref_slice %arg5[%add3A, %mul3A_21, %dma_wait3A_81] : memref<32x80x128xi32, #tpu.memory_space<hbm>> -> memref<1x40x128xi32, #tpu.memory_space<hbm>>
        %dma_wait3A_83 = tpu.memref_squeeze %dma_wait3A_82 : memref<1x40x128xi32, #tpu.memory_space<hbm>> -> memref<40x128xi32, #tpu.memory_space<hbm>>
        %dma_wait3A_84 = arith.constant 0 : i32
        %dma_wait3A_85 = tpu.memref_slice %arg5[%add3A, %mul3A_21, %dma_wait3A_84] : memref<32x80x128xi32, #tpu.memory_space<hbm>> -> memref<1x40x128xi32, #tpu.memory_space<hbm>>
        %dma_wait3A_86 = tpu.memref_squeeze %dma_wait3A_85 : memref<1x40x128xi32, #tpu.memory_space<hbm>> -> memref<40x128xi32, #tpu.memory_space<hbm>>
        tpu.wait_dma2 semaphore(%run_scoped3A : memref<!tpu.dma_semaphore, #tpu.memory_space<semaphore_mem>>) src(%dma_wait3A_86 : memref<40x128xi32, #tpu.memory_space<hbm>>) dst(%arg8 : memref<40x128xi32, #tpu.memory_space<vmem>>)
        tpu.yield
      }) : () -> ()
      %dma_start3A = arith.constant 0 : i32
      %dma_start3A_22 = arith.constant 0 : i32
      %dma_start3A_23 = arith.constant 0 : i32
      %dma_start3A_24 = tpu.memref_slice %arg9[%scan3A_10, %dma_start3A_22, %dma_start3A_23] : memref<2x128x128xf32, #tpu.memory_space<vmem>> -> memref<1x128x128xf32, #tpu.memory_space<vmem>>
      %dma_start3A_25 = tpu.memref_squeeze %dma_start3A_24 : memref<1x128x128xf32, #tpu.memory_space<vmem>> -> memref<128x128xf32, #tpu.memory_space<vmem>>
      %dma_start3A_26 = arith.constant 0 : i32
      %dma_start3A_27 = tpu.memref_slice %arg7[%dma_start3A, %dma_start3A_26] : memref<40x128xi32, #tpu.memory_space<vmem>> -> memref<1x128xi32, #tpu.memory_space<vmem>>
      %dma_start3A_28 = tpu.memref_squeeze %dma_start3A_27 : memref<1x128xi32, #tpu.memory_space<vmem>> -> memref<128xi32, #tpu.memory_space<vmem>>
      %dma_start3A_29 = arith.constant 0 : i32
      %dma_start3A_30 = arith.constant 0 : i32
      %dma_start3A_31 = tpu.memref_slice %arg2[%dma_start3A_29, %dma_start3A_30] : memref<10240x128xf32, #tpu.memory_space<hbm>> -> memref<10240x128xf32, #tpu.memory_space<hbm>>
      tpu.enqueue_indirect_dma source(%dma_start3A_31 : memref<10240x128xf32, #tpu.memory_space<hbm>>) target(%dma_start3A_25 : memref<128x128xf32, #tpu.memory_space<vmem>>) offsets(%dma_start3A_28 : memref<128xi32, #tpu.memory_space<vmem>>) semaphore(%arg11 : memref<!tpu.dma_semaphore, #tpu.memory_space<semaphore_mem>>)
      %dma_start3A_32 = arith.constant 1 : i32
      %dma_start3A_33 = arith.constant 0 : i32
      %dma_start3A_34 = arith.constant 0 : i32
      %dma_start3A_35 = tpu.memref_slice %arg9[%scan3A_11, %dma_start3A_33, %dma_start3A_34] : memref<2x128x128xf32, #tpu.memory_space<vmem>> -> memref<1x128x128xf32, #tpu.memory_space<vmem>>
      %dma_start3A_36 = tpu.memref_squeeze %dma_start3A_35 : memref<1x128x128xf32, #tpu.memory_space<vmem>> -> memref<128x128xf32, #tpu.memory_space<vmem>>
      %dma_start3A_37 = arith.constant 0 : i32
      %dma_start3A_38 = tpu.memref_slice %arg7[%dma_start3A_32, %dma_start3A_37] : memref<40x128xi32, #tpu.memory_space<vmem>> -> memref<1x128xi32, #tpu.memory_space<vmem>>
      %dma_start3A_39 = tpu.memref_squeeze %dma_start3A_38 : memref<1x128xi32, #tpu.memory_space<vmem>> -> memref<128xi32, #tpu.memory_space<vmem>>
      %dma_start3A_40 = arith.constant 0 : i32
      %dma_start3A_41 = arith.constant 0 : i32
      %dma_start3A_42 = tpu.memref_slice %arg2[%dma_start3A_40, %dma_start3A_41] : memref<10240x128xf32, #tpu.memory_space<hbm>> -> memref<10240x128xf32, #tpu.memory_space<hbm>>
      tpu.enqueue_indirect_dma source(%dma_start3A_42 : memref<10240x128xf32, #tpu.memory_space<hbm>>) target(%dma_start3A_36 : memref<128x128xf32, #tpu.memory_space<vmem>>) offsets(%dma_start3A_39 : memref<128xi32, #tpu.memory_space<vmem>>) semaphore(%arg12 : memref<!tpu.dma_semaphore, #tpu.memory_space<semaphore_mem>>)
      %eq3A_43 = arith.constant 0 : i32
      %eq3A_44 = arith.cmpi eq, %scan3A_17, %eq3A_43 : i32
      %convert_element_type3A_45 = arith.extui %eq3A_44 : i1 to i32
      %cond3A_46 = arith.constant 0 : i32
      %cond3A_47 = arith.cmpi ne, %convert_element_type3A_45, %cond3A_46 : i32
      scf.if %cond3A_47 {
        %dma_wait3A_75 = arith.constant 0 : i32
        %dma_wait3A_76 = tpu.memref_slice %arg10[%mul3A_2, %dma_wait3A_75] : memref<10240x128xf32, #tpu.memory_space<vmem_shared>> -> memref<640x128xf32, #tpu.memory_space<vmem_shared>>
        %dma_wait3A_77 = arith.constant 0 : i32
        %dma_wait3A_78 = tpu.memref_slice %arg2[%mul3A_2, %dma_wait3A_77] : memref<10240x128xf32, #tpu.memory_space<hbm>> -> memref<640x128xf32, #tpu.memory_space<hbm>>
        tpu.wait_dma2 semaphore(%arg13 : memref<!tpu.dma_semaphore, #tpu.memory_space<semaphore_mem>>) src(%dma_wait3A_78 : memref<640x128xf32, #tpu.memory_space<hbm>>) dst(%dma_wait3A_76 : memref<640x128xf32, #tpu.memory_space<vmem_shared>>)
        %barrier3A_79 = arith.constant 0 : index
        tpu.barrier barrier_id(%barrier3A_79)
      } else {
      }
      %scan3A_48 = arith.constant 0 : i32
      %scan3A_49 = arith.constant 0 : i32
      %scan3A_50 = arith.constant 20 : i32
      %scan3A_51 = arith.addi %scan3A_49, %scan3A_50 : i32
      %scan3A_52 = arith.constant 1 : i32
      scf.for %scan3A_75 = %scan3A_49 to %scan3A_51 step %scan3A_52  : i32 {
        %mul3A_76 = arith.constant 2 : i32
        %mul3A_77 = arith.muli %mul3A_76, %scan3A_75 : i32
        %dma_wait3A_78 = arith.constant 0 : i32
        %dma_wait3A_79 = arith.constant 0 : i32
        %dma_wait3A_80 = arith.constant 0 : i32
        %dma_wait3A_81 = tpu.memref_slice %arg9[%scan3A_10, %dma_wait3A_79, %dma_wait3A_80] : memref<2x128x128xf32, #tpu.memory_space<vmem>> -> memref<1x128x128xf32, #tpu.memory_space<vmem>>
        %dma_wait3A_82 = tpu.memref_squeeze %dma_wait3A_81 : memref<1x128x128xf32, #tpu.memory_space<vmem>> -> memref<128x128xf32, #tpu.memory_space<vmem>>
        %dma_wait3A_83 = arith.constant 0 : i32
        %dma_wait3A_84 = tpu.memref_slice %arg7[%dma_wait3A_78, %dma_wait3A_83] : memref<40x128xi32, #tpu.memory_space<vmem>> -> memref<1x128xi32, #tpu.memory_space<vmem>>
        %dma_wait3A_85 = tpu.memref_squeeze %dma_wait3A_84 : memref<1x128xi32, #tpu.memory_space<vmem>> -> memref<128xi32, #tpu.memory_space<vmem>>
        %dma_wait3A_86 = arith.constant 0 : i32
        %dma_wait3A_87 = arith.constant 0 : i32
        %dma_wait3A_88 = tpu.memref_slice %arg2[%dma_wait3A_86, %dma_wait3A_87] : memref<10240x128xf32, #tpu.memory_space<hbm>> -> memref<10240x128xf32, #tpu.memory_space<hbm>>
        tpu.wait_indirect_dma semaphore(%arg11 : memref<!tpu.dma_semaphore, #tpu.memory_space<semaphore_mem>>) src(%dma_wait3A_88 : memref<10240x128xf32, #tpu.memory_space<hbm>>) dst(%dma_wait3A_82 : memref<128x128xf32, #tpu.memory_space<vmem>>)
        "tpu.region"() ({
          %run_scoped3A = tpu.sem_alloc : memref<!tpu.dma_semaphore, #tpu.memory_space<semaphore_mem>>
          %dma_start3A_129 = arith.constant 0 : i32
          %dma_start3A_130 = arith.constant 0 : i32
          %dma_start3A_131 = tpu.memref_slice %arg9[%scan3A_10, %dma_start3A_129, %dma_start3A_130] : memref<2x128x128xf32, #tpu.memory_space<vmem>> -> memref<1x128x128xf32, #tpu.memory_space<vmem>>
          %dma_start3A_132 = tpu.memref_squeeze %dma_start3A_131 : memref<1x128x128xf32, #tpu.memory_space<vmem>> -> memref<128x128xf32, #tpu.memory_space<vmem>>
          %dma_start3A_133 = arith.constant 0 : i32
          %dma_start3A_134 = tpu.memref_slice %arg8[%mul3A_77, %dma_start3A_133] : memref<40x128xi32, #tpu.memory_space<vmem>> -> memref<1x128xi32, #tpu.memory_space<vmem>>
          %dma_start3A_135 = tpu.memref_squeeze %dma_start3A_134 : memref<1x128xi32, #tpu.memory_space<vmem>> -> memref<128xi32, #tpu.memory_space<vmem>>
          %dma_start3A_136 = arith.constant 0 : i32
          %dma_start3A_137 = arith.constant 0 : i32
          %dma_start3A_138 = tpu.memref_slice %arg10[%dma_start3A_136, %dma_start3A_137] : memref<10240x128xf32, #tpu.memory_space<vmem_shared>> -> memref<10240x128xf32, #tpu.memory_space<vmem_shared>>
          tpu.enqueue_indirect_dma source(%dma_start3A_132 : memref<128x128xf32, #tpu.memory_space<vmem>>) target(%dma_start3A_138 : memref<10240x128xf32, #tpu.memory_space<vmem_shared>>) offsets(%dma_start3A_135 : memref<128xi32, #tpu.memory_space<vmem>>) semaphore(%run_scoped3A : memref<!tpu.dma_semaphore, #tpu.memory_space<semaphore_mem>>) {add = true}
          %dma_wait3A_139 = arith.constant 0 : i32
          %dma_wait3A_140 = arith.constant 0 : i32
          %dma_wait3A_141 = tpu.memref_slice %arg9[%scan3A_10, %dma_wait3A_139, %dma_wait3A_140] : memref<2x128x128xf32, #tpu.memory_space<vmem>> -> memref<1x128x128xf32, #tpu.memory_space<vmem>>
          %dma_wait3A_142 = tpu.memref_squeeze %dma_wait3A_141 : memref<1x128x128xf32, #tpu.memory_space<vmem>> -> memref<128x128xf32, #tpu.memory_space<vmem>>
          %dma_wait3A_143 = arith.constant 0 : i32
          %dma_wait3A_144 = tpu.memref_slice %arg8[%mul3A_77, %dma_wait3A_143] : memref<40x128xi32, #tpu.memory_space<vmem>> -> memref<1x128xi32, #tpu.memory_space<vmem>>
          %dma_wait3A_145 = tpu.memref_squeeze %dma_wait3A_144 : memref<1x128xi32, #tpu.memory_space<vmem>> -> memref<128xi32, #tpu.memory_space<vmem>>
          %dma_wait3A_146 = arith.constant 0 : i32
          %dma_wait3A_147 = arith.constant 0 : i32
          %dma_wait3A_148 = tpu.memref_slice %arg10[%dma_wait3A_146, %dma_wait3A_147] : memref<10240x128xf32, #tpu.memory_space<vmem_shared>> -> memref<10240x128xf32, #tpu.memory_space<vmem_shared>>
          tpu.wait_indirect_dma semaphore(%run_scoped3A : memref<!tpu.dma_semaphore, #tpu.memory_space<semaphore_mem>>) src(%dma_wait3A_142 : memref<128x128xf32, #tpu.memory_space<vmem>>) dst(%dma_wait3A_148 : memref<10240x128xf32, #tpu.memory_space<vmem_shared>>)
          tpu.yield
        }) : () -> ()
        %add3A_89 = arith.constant 2 : i32
        %add3A_90 = arith.addi %mul3A_77, %add3A_89 : i32
        %min3A = arith.constant 39 : i32
        %min3A_91 = arith.minsi %add3A_90, %min3A : i32
        %dma_start3A_92 = arith.constant 0 : i32
        %dma_start3A_93 = arith.constant 0 : i32
        %dma_start3A_94 = tpu.memref_slice %arg9[%scan3A_10, %dma_start3A_92, %dma_start3A_93] : memref<2x128x128xf32, #tpu.memory_space<vmem>> -> memref<1x128x128xf32, #tpu.memory_space<vmem>>
        %dma_start3A_95 = tpu.memref_squeeze %dma_start3A_94 : memref<1x128x128xf32, #tpu.memory_space<vmem>> -> memref<128x128xf32, #tpu.memory_space<vmem>>
        %dma_start3A_96 = arith.constant 0 : i32
        %dma_start3A_97 = tpu.memref_slice %arg7[%min3A_91, %dma_start3A_96] : memref<40x128xi32, #tpu.memory_space<vmem>> -> memref<1x128xi32, #tpu.memory_space<vmem>>
        %dma_start3A_98 = tpu.memref_squeeze %dma_start3A_97 : memref<1x128xi32, #tpu.memory_space<vmem>> -> memref<128xi32, #tpu.memory_space<vmem>>
        %dma_start3A_99 = arith.constant 0 : i32
        %dma_start3A_100 = arith.constant 0 : i32
        %dma_start3A_101 = tpu.memref_slice %arg2[%dma_start3A_99, %dma_start3A_100] : memref<10240x128xf32, #tpu.memory_space<hbm>> -> memref<10240x128xf32, #tpu.memory_space<hbm>>
        tpu.enqueue_indirect_dma source(%dma_start3A_101 : memref<10240x128xf32, #tpu.memory_space<hbm>>) target(%dma_start3A_95 : memref<128x128xf32, #tpu.memory_space<vmem>>) offsets(%dma_start3A_98 : memref<128xi32, #tpu.memory_space<vmem>>) semaphore(%arg11 : memref<!tpu.dma_semaphore, #tpu.memory_space<semaphore_mem>>)
        %dma_wait3A_102 = arith.constant 0 : i32
        %dma_wait3A_103 = arith.constant 0 : i32
        %dma_wait3A_104 = arith.constant 0 : i32
        %dma_wait3A_105 = tpu.memref_slice %arg9[%scan3A_11, %dma_wait3A_103, %dma_wait3A_104] : memref<2x128x128xf32, #tpu.memory_space<vmem>> -> memref<1x128x128xf32, #tpu.memory_space<vmem>>
        %dma_wait3A_106 = tpu.memref_squeeze %dma_wait3A_105 : memref<1x128x128xf32, #tpu.memory_space<vmem>> -> memref<128x128xf32, #tpu.memory_space<vmem>>
        %dma_wait3A_107 = arith.constant 0 : i32
        %dma_wait3A_108 = tpu.memref_slice %arg7[%dma_wait3A_102, %dma_wait3A_107] : memref<40x128xi32, #tpu.memory_space<vmem>> -> memref<1x128xi32, #tpu.memory_space<vmem>>
        %dma_wait3A_109 = tpu.memref_squeeze %dma_wait3A_108 : memref<1x128xi32, #tpu.memory_space<vmem>> -> memref<128xi32, #tpu.memory_space<vmem>>
        %dma_wait3A_110 = arith.constant 0 : i32
        %dma_wait3A_111 = arith.constant 0 : i32
        %dma_wait3A_112 = tpu.memref_slice %arg2[%dma_wait3A_110, %dma_wait3A_111] : memref<10240x128xf32, #tpu.memory_space<hbm>> -> memref<10240x128xf32, #tpu.memory_space<hbm>>
        tpu.wait_indirect_dma semaphore(%arg12 : memref<!tpu.dma_semaphore, #tpu.memory_space<semaphore_mem>>) src(%dma_wait3A_112 : memref<10240x128xf32, #tpu.memory_space<hbm>>) dst(%dma_wait3A_106 : memref<128x128xf32, #tpu.memory_space<vmem>>)
        %add3A_113 = arith.constant 1 : i32
        %add3A_114 = arith.addi %mul3A_77, %add3A_113 : i32
        "tpu.region"() ({
          %run_scoped3A = tpu.sem_alloc : memref<!tpu.dma_semaphore, #tpu.memory_space<semaphore_mem>>
          %dma_start3A_129 = arith.constant 0 : i32
          %dma_start3A_130 = arith.constant 0 : i32
          %dma_start3A_131 = tpu.memref_slice %arg9[%scan3A_11, %dma_start3A_129, %dma_start3A_130] : memref<2x128x128xf32, #tpu.memory_space<vmem>> -> memref<1x128x128xf32, #tpu.memory_space<vmem>>
          %dma_start3A_132 = tpu.memref_squeeze %dma_start3A_131 : memref<1x128x128xf32, #tpu.memory_space<vmem>> -> memref<128x128xf32, #tpu.memory_space<vmem>>
          %dma_start3A_133 = arith.constant 0 : i32
          %dma_start3A_134 = tpu.memref_slice %arg8[%add3A_114, %dma_start3A_133] : memref<40x128xi32, #tpu.memory_space<vmem>> -> memref<1x128xi32, #tpu.memory_space<vmem>>
          %dma_start3A_135 = tpu.memref_squeeze %dma_start3A_134 : memref<1x128xi32, #tpu.memory_space<vmem>> -> memref<128xi32, #tpu.memory_space<vmem>>
          %dma_start3A_136 = arith.constant 0 : i32
          %dma_start3A_137 = arith.constant 0 : i32
          %dma_start3A_138 = tpu.memref_slice %arg10[%dma_start3A_136, %dma_start3A_137] : memref<10240x128xf32, #tpu.memory_space<vmem_shared>> -> memref<10240x128xf32, #tpu.memory_space<vmem_shared>>
          tpu.enqueue_indirect_dma source(%dma_start3A_132 : memref<128x128xf32, #tpu.memory_space<vmem>>) target(%dma_start3A_138 : memref<10240x128xf32, #tpu.memory_space<vmem_shared>>) offsets(%dma_start3A_135 : memref<128xi32, #tpu.memory_space<vmem>>) semaphore(%run_scoped3A : memref<!tpu.dma_semaphore, #tpu.memory_space<semaphore_mem>>) {add = true}
          %dma_wait3A_139 = arith.constant 0 : i32
          %dma_wait3A_140 = arith.constant 0 : i32
          %dma_wait3A_141 = tpu.memref_slice %arg9[%scan3A_11, %dma_wait3A_139, %dma_wait3A_140] : memref<2x128x128xf32, #tpu.memory_space<vmem>> -> memref<1x128x128xf32, #tpu.memory_space<vmem>>
          %dma_wait3A_142 = tpu.memref_squeeze %dma_wait3A_141 : memref<1x128x128xf32, #tpu.memory_space<vmem>> -> memref<128x128xf32, #tpu.memory_space<vmem>>
          %dma_wait3A_143 = arith.constant 0 : i32
          %dma_wait3A_144 = tpu.memref_slice %arg8[%add3A_114, %dma_wait3A_143] : memref<40x128xi32, #tpu.memory_space<vmem>> -> memref<1x128xi32, #tpu.memory_space<vmem>>
          %dma_wait3A_145 = tpu.memref_squeeze %dma_wait3A_144 : memref<1x128xi32, #tpu.memory_space<vmem>> -> memref<128xi32, #tpu.memory_space<vmem>>
          %dma_wait3A_146 = arith.constant 0 : i32
          %dma_wait3A_147 = arith.constant 0 : i32
          %dma_wait3A_148 = tpu.memref_slice %arg10[%dma_wait3A_146, %dma_wait3A_147] : memref<10240x128xf32, #tpu.memory_space<vmem_shared>> -> memref<10240x128xf32, #tpu.memory_space<vmem_shared>>
          tpu.wait_indirect_dma semaphore(%run_scoped3A : memref<!tpu.dma_semaphore, #tpu.memory_space<semaphore_mem>>) src(%dma_wait3A_142 : memref<128x128xf32, #tpu.memory_space<vmem>>) dst(%dma_wait3A_148 : memref<10240x128xf32, #tpu.memory_space<vmem_shared>>)
          tpu.yield
        }) : () -> ()
        %add3A_115 = arith.constant 3 : i32
        %add3A_116 = arith.addi %mul3A_77, %add3A_115 : i32
        %min3A_117 = arith.constant 39 : i32
        %min3A_118 = arith.minsi %add3A_116, %min3A_117 : i32
        %dma_start3A_119 = arith.constant 0 : i32
        %dma_start3A_120 = arith.constant 0 : i32
        %dma_start3A_121 = tpu.memref_slice %arg9[%scan3A_11, %dma_start3A_119, %dma_start3A_120] : memref<2x128x128xf32, #tpu.memory_space<vmem>> -> memref<1x128x128xf32, #tpu.memory_space<vmem>>
        %dma_start3A_122 = tpu.memref_squeeze %dma_start3A_121 : memref<1x128x128xf32, #tpu.memory_space<vmem>> -> memref<128x128xf32, #tpu.memory_space<vmem>>
        %dma_start3A_123 = arith.constant 0 : i32
        %dma_start3A_124 = tpu.memref_slice %arg7[%min3A_118, %dma_start3A_123] : memref<40x128xi32, #tpu.memory_space<vmem>> -> memref<1x128xi32, #tpu.memory_space<vmem>>
        %dma_start3A_125 = tpu.memref_squeeze %dma_start3A_124 : memref<1x128xi32, #tpu.memory_space<vmem>> -> memref<128xi32, #tpu.memory_space<vmem>>
        %dma_start3A_126 = arith.constant 0 : i32
        %dma_start3A_127 = arith.constant 0 : i32
        %dma_start3A_128 = tpu.memref_slice %arg2[%dma_start3A_126, %dma_start3A_127] : memref<10240x128xf32, #tpu.memory_space<hbm>> -> memref<10240x128xf32, #tpu.memory_space<hbm>>
        tpu.enqueue_indirect_dma source(%dma_start3A_128 : memref<10240x128xf32, #tpu.memory_space<hbm>>) target(%dma_start3A_122 : memref<128x128xf32, #tpu.memory_space<vmem>>) offsets(%dma_start3A_125 : memref<128xi32, #tpu.memory_space<vmem>>) semaphore(%arg12 : memref<!tpu.dma_semaphore, #tpu.memory_space<semaphore_mem>>)
      }
      %scan3A_53 = arith.constant 20 : i32
      %dma_wait3A = arith.constant 0 : i32
      %dma_wait3A_54 = arith.constant 0 : i32
      %dma_wait3A_55 = arith.constant 0 : i32
      %dma_wait3A_56 = tpu.memref_slice %arg9[%scan3A_10, %dma_wait3A_54, %dma_wait3A_55] : memref<2x128x128xf32, #tpu.memory_space<vmem>> -> memref<1x128x128xf32, #tpu.memory_space<vmem>>
      %dma_wait3A_57 = tpu.memref_squeeze %dma_wait3A_56 : memref<1x128x128xf32, #tpu.memory_space<vmem>> -> memref<128x128xf32, #tpu.memory_space<vmem>>
      %dma_wait3A_58 = arith.constant 0 : i32
      %dma_wait3A_59 = tpu.memref_slice %arg7[%dma_wait3A, %dma_wait3A_58] : memref<40x128xi32, #tpu.memory_space<vmem>> -> memref<1x128xi32, #tpu.memory_space<vmem>>
      %dma_wait3A_60 = tpu.memref_squeeze %dma_wait3A_59 : memref<1x128xi32, #tpu.memory_space<vmem>> -> memref<128xi32, #tpu.memory_space<vmem>>
      %dma_wait3A_61 = arith.constant 0 : i32
      %dma_wait3A_62 = arith.constant 0 : i32
      %dma_wait3A_63 = tpu.memref_slice %arg2[%dma_wait3A_61, %dma_wait3A_62] : memref<10240x128xf32, #tpu.memory_space<hbm>> -> memref<10240x128xf32, #tpu.memory_space<hbm>>
      tpu.wait_indirect_dma semaphore(%arg11 : memref<!tpu.dma_semaphore, #tpu.memory_space<semaphore_mem>>) src(%dma_wait3A_63 : memref<10240x128xf32, #tpu.memory_space<hbm>>) dst(%dma_wait3A_57 : memref<128x128xf32, #tpu.memory_space<vmem>>)
      %dma_wait3A_64 = arith.constant 0 : i32
      %dma_wait3A_65 = arith.constant 0 : i32
      %dma_wait3A_66 = arith.constant 0 : i32
      %dma_wait3A_67 = tpu.memref_slice %arg9[%scan3A_11, %dma_wait3A_65, %dma_wait3A_66] : memref<2x128x128xf32, #tpu.memory_space<vmem>> -> memref<1x128x128xf32, #tpu.memory_space<vmem>>
      %dma_wait3A_68 = tpu.memref_squeeze %dma_wait3A_67 : memref<1x128x128xf32, #tpu.memory_space<vmem>> -> memref<128x128xf32, #tpu.memory_space<vmem>>
      %dma_wait3A_69 = arith.constant 0 : i32
      %dma_wait3A_70 = tpu.memref_slice %arg7[%dma_wait3A_64, %dma_wait3A_69] : memref<40x128xi32, #tpu.memory_space<vmem>> -> memref<1x128xi32, #tpu.memory_space<vmem>>
      %dma_wait3A_71 = tpu.memref_squeeze %dma_wait3A_70 : memref<1x128xi32, #tpu.memory_space<vmem>> -> memref<128xi32, #tpu.memory_space<vmem>>
      %dma_wait3A_72 = arith.constant 0 : i32
      %dma_wait3A_73 = arith.constant 0 : i32
      %dma_wait3A_74 = tpu.memref_slice %arg2[%dma_wait3A_72, %dma_wait3A_73] : memref<10240x128xf32, #tpu.memory_space<hbm>> -> memref<10240x128xf32, #tpu.memory_space<hbm>>
      tpu.wait_indirect_dma semaphore(%arg12 : memref<!tpu.dma_semaphore, #tpu.memory_space<semaphore_mem>>) src(%dma_wait3A_74 : memref<10240x128xf32, #tpu.memory_space<hbm>>) dst(%dma_wait3A_68 : memref<128x128xf32, #tpu.memory_space<vmem>>)
    }
    %scan3A_16 = arith.constant 2 : i32
    %barrier3A = arith.constant 0 : index
    tpu.barrier barrier_id(%barrier3A)
    "tpu.region"() ({
      %run_scoped3A = tpu.sem_alloc : memref<!tpu.dma_semaphore, #tpu.memory_space<semaphore_mem>>
      %dma_start3A = arith.constant 0 : i32
      %dma_start3A_17 = arith.constant 0 : i32
      %dma_start3A_18 = tpu.memref_slice %arg6[%arg0, %dma_start3A, %dma_start3A_17] : memref<2x10240x128xf32, #tpu.memory_space<hbm>> -> memref<1x10240x128xf32, #tpu.memory_space<hbm>>
      %dma_start3A_19 = tpu.memref_squeeze %dma_start3A_18 : memref<1x10240x128xf32, #tpu.memory_space<hbm>> -> memref<10240x128xf32, #tpu.memory_space<hbm>>
      %dma_start3A_20 = arith.constant 0 : i32
      %dma_start3A_21 = tpu.memref_slice %dma_start3A_19[%mul3A_2, %dma_start3A_20] : memref<10240x128xf32, #tpu.memory_space<hbm>> -> memref<640x128xf32, #tpu.memory_space<hbm>>
      %dma_start3A_22 = arith.constant 0 : i32
      %dma_start3A_23 = tpu.memref_slice %arg10[%mul3A_2, %dma_start3A_22] : memref<10240x128xf32, #tpu.memory_space<vmem_shared>> -> memref<640x128xf32, #tpu.memory_space<vmem_shared>>
      tpu.enqueue_dma source(%dma_start3A_23 : memref<640x128xf32, #tpu.memory_space<vmem_shared>>) target(%dma_start3A_21 : memref<640x128xf32, #tpu.memory_space<hbm>>) target_semaphore(%run_scoped3A : memref<!tpu.dma_semaphore, #tpu.memory_space<semaphore_mem>>)
      %dma_wait3A = arith.constant 0 : i32
      %dma_wait3A_24 = arith.constant 0 : i32
      %dma_wait3A_25 = tpu.memref_slice %arg6[%arg0, %dma_wait3A, %dma_wait3A_24] : memref<2x10240x128xf32, #tpu.memory_space<hbm>> -> memref<1x10240x128xf32, #tpu.memory_space<hbm>>
      %dma_wait3A_26 = tpu.memref_squeeze %dma_wait3A_25 : memref<1x10240x128xf32, #tpu.memory_space<hbm>> -> memref<10240x128xf32, #tpu.memory_space<hbm>>
      %dma_wait3A_27 = arith.constant 0 : i32
      %dma_wait3A_28 = tpu.memref_slice %dma_wait3A_26[%mul3A_2, %dma_wait3A_27] : memref<10240x128xf32, #tpu.memory_space<hbm>> -> memref<640x128xf32, #tpu.memory_space<hbm>>
      %dma_wait3A_29 = arith.constant 0 : i32
      %dma_wait3A_30 = tpu.memref_slice %arg10[%mul3A_2, %dma_wait3A_29] : memref<10240x128xf32, #tpu.memory_space<vmem_shared>> -> memref<640x128xf32, #tpu.memory_space<vmem_shared>>
      tpu.wait_dma2 semaphore(%run_scoped3A : memref<!tpu.dma_semaphore, #tpu.memory_space<semaphore_mem>>) src(%dma_wait3A_30 : memref<640x128xf32, #tpu.memory_space<vmem_shared>>) dst(%dma_wait3A_28 : memref<640x128xf32, #tpu.memory_space<hbm>>)
      tpu.yield
    }) : () -> ()
    return
  }
}

module attributes {stable_mosaic.version = 14 : i64} {
  func.func @_tc1_body(%arg0: i32, %arg1: memref<2560x128xf32, #tpu.memory_space<vmem>>, %arg2: memref<2x2560xf32, #tpu.memory_space<vmem>>, %arg3: memref<128x128xf32, #tpu.memory_space<vmem>>, %arg4: memref<2560x128xf32, #tpu.memory_space<vmem>>) attributes {dimension_semantics = [#tpu.dimension_semantics<arbitrary>], iteration_bounds = array<i64: 4>, scalar_prefetch = 0 : i64, scratch_operands = 0 : i64, tpu.core_type = #tpu.core_type<tc>, window_params = [{transform_indices = @transform_0, window_bounds = array<i64: 2560, 128>}, {transform_indices = @transform_1, window_bounds = array<i64: 2, 2560>}, {pipeline_mode = #tpu.pipeline_mode<synchronous>, transform_indices = @transform_2, window_bounds = array<i64: 128, 128>}, {transform_indices = @transform_3, window_bounds = array<i64: 2560, 128>}]} {
    %get3A = arith.constant 0 : index
    %get3A_0 = arith.constant 0 : index
    %get3A_1 = vector.load %arg1[%get3A, %get3A_0] : memref<2560x128xf32, #tpu.memory_space<vmem>>, vector<2560x128xf32>
    %get3A_2 = arith.constant 0 : index
    %get3A_3 = arith.constant 0 : index
    %get3A_4 = vector.load %arg2[%get3A_2, %get3A_3] : memref<2x2560xf32, #tpu.memory_space<vmem>>, vector<1x2560xf32>
    %get3A_5 = vector.shape_cast %get3A_4 : vector<1x2560xf32> to vector<2560xf32>
    %get3A_6 = arith.constant 1 : index
    %get3A_7 = arith.constant 0 : index
    %get3A_8 = vector.load %arg2[%get3A_6, %get3A_7] : memref<2x2560xf32, #tpu.memory_space<vmem>>, vector<1x2560xf32>
    %get3A_9 = vector.shape_cast %get3A_8 : vector<1x2560xf32> to vector<2560xf32>
    %add3A = arith.addf %get3A_5, %get3A_9 : vector<2560xf32>
    %add3A_10 = arith.constant 1.000000e+00 : f32
    %add3A_11 = vector.broadcast %add3A_10 : f32 to vector<2560xf32>
    %add3A_12 = arith.addf %add3A, %add3A_11 : vector<2560xf32>
    %rsqrt3A = math.rsqrt %add3A_12 : vector<2560xf32>
    %broadcast_in_dim3A = vector.shape_cast %rsqrt3A : vector<2560xf32> to vector<2560x1xf32>
    %mul3A = vector.broadcast %broadcast_in_dim3A : vector<2560x1xf32> to vector<2560x128xf32>
    %mul3A_13 = arith.mulf %get3A_1, %mul3A : vector<2560x128xf32>
    %get3A_14 = arith.constant 0 : index
    %get3A_15 = arith.constant 0 : index
    %get3A_16 = vector.load %arg3[%get3A_14, %get3A_15] : memref<128x128xf32, #tpu.memory_space<vmem>>, vector<128x128xf32>
    %dot_general3A = arith.constant dense<0.000000e+00> : vector<2560x128xf32>
    %dot_general3A_17 = tpu.matmul %mul3A_13, %get3A_16, %dot_general3A {dimension_numbers = #tpu.dot_dimension_numbers<[1], [0], [0], [1], [0, 0, 1, 1], [], []>, transpose_lhs_hint = false} : vector<2560x128xf32>, vector<128x128xf32>, vector<2560x128xf32> -> vector<2560x128xf32>
    %swap3A = arith.constant 0 : index
    %swap3A_18 = arith.constant 0 : index
    %swap3A_19 = vector.load %arg4[%swap3A, %swap3A_18] : memref<2560x128xf32, #tpu.memory_space<vmem>>, vector<2560x128xf32>
    tpu.vector_store %arg4[%swap3A, %swap3A_18], %dot_general3A_17 {strides = array<i32>} : memref<2560x128xf32, #tpu.memory_space<vmem>>, vector<2560x128xf32>,
    return
  }
  func.func @transform_0(%arg0: i32) -> (i32, i32) {
    %c0_i32 = arith.constant 0 : i32
    %c0_i32_0 = arith.constant 0 : i32
    return %arg0, %c0_i32 : i32, i32
  }
  func.func @transform_1(%arg0: i32) -> (i32, i32) {
    %c0_i32 = arith.constant 0 : i32
    %c0_i32_0 = arith.constant 0 : i32
    return %c0_i32, %arg0 : i32, i32
  }
  func.func @transform_2(%arg0: i32) -> (i32, i32) {
    %c0_i32 = arith.constant 0 : i32
    %c0_i32_0 = arith.constant 0 : i32
    %c0_i32_1 = arith.constant 0 : i32
    return %c0_i32, %c0_i32_0 : i32, i32
  }
  func.func @transform_3(%arg0: i32) -> (i32, i32) {
    %c0_i32 = arith.constant 0 : i32
    %c0_i32_0 = arith.constant 0 : i32
    return %arg0, %c0_i32 : i32, i32
  }
}

module attributes {stable_mosaic.version = 14 : i64} {
  func.func @_tc2_body(%arg0: i32, %arg1: memref<2x2560x128xf32, #tpu.memory_space<vmem>>, %arg2: memref<2x2560xf32, #tpu.memory_space<vmem>>, %arg3: memref<1x128xf32, #tpu.memory_space<vmem>>, %arg4: memref<128x128xf32, #tpu.memory_space<vmem>>, %arg5: memref<2560x128xf32, #tpu.memory_space<vmem>>) attributes {dimension_semantics = [#tpu.dimension_semantics<arbitrary>], iteration_bounds = array<i64: 4>, scalar_prefetch = 0 : i64, scratch_operands = 0 : i64, tpu.core_type = #tpu.core_type<tc>, window_params = [{transform_indices = @transform_0, window_bounds = array<i64: 2, 2560, 128>}, {transform_indices = @transform_1, window_bounds = array<i64: 2, 2560>}, {pipeline_mode = #tpu.pipeline_mode<synchronous>, transform_indices = @transform_2, window_bounds = array<i64: 1, 128>}, {pipeline_mode = #tpu.pipeline_mode<synchronous>, transform_indices = @transform_3, window_bounds = array<i64: 128, 128>}, {transform_indices = @transform_4, window_bounds = array<i64: 2560, 128>}]} {
    %get3A = arith.constant 0 : index
    %get3A_0 = arith.constant 0 : index
    %get3A_1 = vector.load %arg2[%get3A, %get3A_0] : memref<2x2560xf32, #tpu.memory_space<vmem>>, vector<1x2560xf32>
    %get3A_2 = vector.shape_cast %get3A_1 : vector<1x2560xf32> to vector<2560xf32>
    %get3A_3 = arith.constant 1 : index
    %get3A_4 = arith.constant 0 : index
    %get3A_5 = vector.load %arg2[%get3A_3, %get3A_4] : memref<2x2560xf32, #tpu.memory_space<vmem>>, vector<1x2560xf32>
    %get3A_6 = vector.shape_cast %get3A_5 : vector<1x2560xf32> to vector<2560xf32>
    %add3A = arith.addf %get3A_2, %get3A_6 : vector<2560xf32>
    %add3A_7 = arith.constant 1.000000e+00 : f32
    %add3A_8 = vector.broadcast %add3A_7 : f32 to vector<2560xf32>
    %add3A_9 = arith.addf %add3A, %add3A_8 : vector<2560xf32>
    %rsqrt3A = math.rsqrt %add3A_9 : vector<2560xf32>
    %broadcast_in_dim3A = vector.shape_cast %rsqrt3A : vector<2560xf32> to vector<2560x1xf32>
    %get3A_10 = arith.constant 0 : index
    %get3A_11 = arith.constant 0 : index
    %get3A_12 = arith.constant 0 : index
    %get3A_13 = vector.load %arg1[%get3A_10, %get3A_11, %get3A_12] : memref<2x2560x128xf32, #tpu.memory_space<vmem>>, vector<1x2560x128xf32>
    %get3A_14 = vector.shape_cast %get3A_13 : vector<1x2560x128xf32> to vector<2560x128xf32>
    %get3A_15 = arith.constant 1 : index
    %get3A_16 = arith.constant 0 : index
    %get3A_17 = arith.constant 0 : index
    %get3A_18 = vector.load %arg1[%get3A_15, %get3A_16, %get3A_17] : memref<2x2560x128xf32, #tpu.memory_space<vmem>>, vector<1x2560x128xf32>
    %get3A_19 = vector.shape_cast %get3A_18 : vector<1x2560x128xf32> to vector<2560x128xf32>
    %add3A_20 = arith.addf %get3A_14, %get3A_19 : vector<2560x128xf32>
    %mul3A = vector.broadcast %broadcast_in_dim3A : vector<2560x1xf32> to vector<2560x128xf32>
    %mul3A_21 = arith.mulf %add3A_20, %mul3A : vector<2560x128xf32>
    %get3A_22 = arith.constant 0 : index
    %get3A_23 = arith.constant 0 : index
    %get3A_24 = vector.load %arg3[%get3A_22, %get3A_23] : memref<1x128xf32, #tpu.memory_space<vmem>>, vector<1x128xf32>
    %add3A_25 = vector.broadcast %get3A_24 : vector<1x128xf32> to vector<2560x128xf32>
    %add3A_26 = arith.addf %mul3A_21, %add3A_25 : vector<2560x128xf32>
    %mul3A_27 = arith.constant 5.000000e-01 : f32
    %mul3A_28 = vector.broadcast %mul3A_27 : f32 to vector<2560x128xf32>
    %mul3A_29 = arith.mulf %mul3A_28, %add3A_26 : vector<2560x128xf32>
    %mul3A_30 = arith.constant 0.707106769 : f32
    %mul3A_31 = vector.broadcast %mul3A_30 : f32 to vector<2560x128xf32>
    %mul3A_32 = arith.mulf %add3A_26, %mul3A_31 : vector<2560x128xf32>
    %erf3A = math.erf %mul3A_32 : vector<2560x128xf32>
    %add3A_33 = arith.constant 1.000000e+00 : f32
    %add3A_34 = vector.broadcast %add3A_33 : f32 to vector<2560x128xf32>
    %add3A_35 = arith.addf %add3A_34, %erf3A : vector<2560x128xf32>
    %mul3A_36 = arith.mulf %mul3A_29, %add3A_35 : vector<2560x128xf32>
    %get3A_37 = arith.constant 0 : index
    %get3A_38 = arith.constant 0 : index
    %get3A_39 = vector.load %arg4[%get3A_37, %get3A_38] : memref<128x128xf32, #tpu.memory_space<vmem>>, vector<128x128xf32>
    %dot_general3A = arith.constant dense<0.000000e+00> : vector<2560x128xf32>
    %dot_general3A_40 = tpu.matmul %mul3A_36, %get3A_39, %dot_general3A {dimension_numbers = #tpu.dot_dimension_numbers<[1], [0], [0], [1], [0, 0, 1, 1], [], []>, transpose_lhs_hint = false} : vector<2560x128xf32>, vector<128x128xf32>, vector<2560x128xf32> -> vector<2560x128xf32>
    %mul3A_41 = vector.broadcast %broadcast_in_dim3A : vector<2560x1xf32> to vector<2560x128xf32>
    %mul3A_42 = arith.mulf %dot_general3A_40, %mul3A_41 : vector<2560x128xf32>
    %swap3A = arith.constant 0 : index
    %swap3A_43 = arith.constant 0 : index
    %swap3A_44 = vector.load %arg5[%swap3A, %swap3A_43] : memref<2560x128xf32, #tpu.memory_space<vmem>>, vector<2560x128xf32>
    tpu.vector_store %arg5[%swap3A, %swap3A_43], %mul3A_42 {strides = array<i32>} : memref<2560x128xf32, #tpu.memory_space<vmem>>, vector<2560x128xf32>,
    return
  }
  func.func @transform_0(%arg0: i32) -> (i32, i32, i32) {
    %c0_i32 = arith.constant 0 : i32
    %c0_i32_0 = arith.constant 0 : i32
    %c0_i32_1 = arith.constant 0 : i32
    return %c0_i32, %arg0, %c0_i32_0 : i32, i32, i32
  }
  func.func @transform_1(%arg0: i32) -> (i32, i32) {
    %c0_i32 = arith.constant 0 : i32
    %c0_i32_0 = arith.constant 0 : i32
    return %c0_i32, %arg0 : i32, i32
  }
  func.func @transform_2(%arg0: i32) -> (i32, i32) {
    %c0_i32 = arith.constant 0 : i32
    %c0_i32_0 = arith.constant 0 : i32
    %c0_i32_1 = arith.constant 0 : i32
    return %c0_i32, %c0_i32_0 : i32, i32
  }
  func.func @transform_3(%arg0: i32) -> (i32, i32) {
    %c0_i32 = arith.constant 0 : i32
    %c0_i32_0 = arith.constant 0 : i32
    %c0_i32_1 = arith.constant 0 : i32
    return %c0_i32, %c0_i32_0 : i32, i32
  }
  func.func @transform_4(%arg0: i32) -> (i32, i32) {
    %c0_i32 = arith.constant 0 : i32
    %c0_i32_0 = arith.constant 0 : i32
    return %arg0, %c0_i32 : i32, i32
  }
}

module attributes {stable_mosaic.version = 14 : i64} {
  func.func @_tc3_body(%arg0: memref<2x10240x128xf32, #tpu.memory_space<vmem>>, %arg1: memref<2x10240xf32, #tpu.memory_space<vmem>>, %arg2: memref<128xf32, #tpu.memory_space<vmem>>, %arg3: memref<10000x1xi32, #tpu.memory_space<vmem>>, %arg4: memref<128x128xf32, #tpu.memory_space<vmem>>, %arg5: memref<128xf32, #tpu.memory_space<vmem>>, %arg6: memref<128x64xf32, #tpu.memory_space<vmem>>, %arg7: memref<64xf32, #tpu.memory_space<vmem>>, %arg8: memref<64x64xf32, #tpu.memory_space<vmem>>) attributes {dimension_semantics = [], scalar_prefetch = 0 : i64, scratch_operands = 0 : i64, tpu.core_type = #tpu.core_type<tc>} {
    %get3A = arith.constant 0 : index
    %get3A_0 = arith.constant 0 : index
    %get3A_1 = vector.load %arg1[%get3A, %get3A_0] : memref<2x10240xf32, #tpu.memory_space<vmem>>, vector<1x10000xf32>
    %get3A_2 = vector.shape_cast %get3A_1 : vector<1x10000xf32> to vector<10000xf32>
    %get3A_3 = arith.constant 1 : index
    %get3A_4 = arith.constant 0 : index
    %get3A_5 = vector.load %arg1[%get3A_3, %get3A_4] : memref<2x10240xf32, #tpu.memory_space<vmem>>, vector<1x10000xf32>
    %get3A_6 = vector.shape_cast %get3A_5 : vector<1x10000xf32> to vector<10000xf32>
    %add3A = arith.addf %get3A_2, %get3A_6 : vector<10000xf32>
    %add3A_7 = arith.constant 1.000000e+00 : f32
    %add3A_8 = vector.broadcast %add3A_7 : f32 to vector<10000xf32>
    %add3A_9 = arith.addf %add3A, %add3A_8 : vector<10000xf32>
    %rsqrt3A = math.rsqrt %add3A_9 : vector<10000xf32>
    %broadcast_in_dim3A = vector.shape_cast %rsqrt3A : vector<10000xf32> to vector<10000x1xf32>
    %get3A_10 = arith.constant 0 : index
    %get3A_11 = arith.constant 0 : index
    %get3A_12 = arith.constant 0 : index
    %get3A_13 = vector.load %arg0[%get3A_10, %get3A_11, %get3A_12] : memref<2x10240x128xf32, #tpu.memory_space<vmem>>, vector<1x10000x128xf32>
    %get3A_14 = vector.shape_cast %get3A_13 : vector<1x10000x128xf32> to vector<10000x128xf32>
    %get3A_15 = arith.constant 1 : index
    %get3A_16 = arith.constant 0 : index
    %get3A_17 = arith.constant 0 : index
    %get3A_18 = vector.load %arg0[%get3A_15, %get3A_16, %get3A_17] : memref<2x10240x128xf32, #tpu.memory_space<vmem>>, vector<1x10000x128xf32>
    %get3A_19 = vector.shape_cast %get3A_18 : vector<1x10000x128xf32> to vector<10000x128xf32>
    %add3A_20 = arith.addf %get3A_14, %get3A_19 : vector<10000x128xf32>
    %mul3A = vector.broadcast %broadcast_in_dim3A : vector<10000x1xf32> to vector<10000x128xf32>
    %mul3A_21 = arith.mulf %add3A_20, %mul3A : vector<10000x128xf32>
    %get3A_22 = arith.constant 0 : index
    %get3A_23 = vector.load %arg2[%get3A_22] : memref<128xf32, #tpu.memory_space<vmem>>, vector<128xf32>
    %broadcast_in_dim3A_24 = vector.shape_cast %get3A_23 : vector<128xf32> to vector<1x128xf32>
    %add3A_25 = vector.broadcast %broadcast_in_dim3A_24 : vector<1x128xf32> to vector<10000x128xf32>
    %add3A_26 = arith.addf %mul3A_21, %add3A_25 : vector<10000x128xf32>
    %mul3A_27 = arith.constant 5.000000e-01 : f32
    %mul3A_28 = vector.broadcast %mul3A_27 : f32 to vector<10000x128xf32>
    %mul3A_29 = arith.mulf %mul3A_28, %add3A_26 : vector<10000x128xf32>
    %mul3A_30 = arith.constant 0.707106769 : f32
    %mul3A_31 = vector.broadcast %mul3A_30 : f32 to vector<10000x128xf32>
    %mul3A_32 = arith.mulf %add3A_26, %mul3A_31 : vector<10000x128xf32>
    %erf3A = math.erf %mul3A_32 : vector<10000x128xf32>
    %add3A_33 = arith.constant 1.000000e+00 : f32
    %add3A_34 = vector.broadcast %add3A_33 : f32 to vector<10000x128xf32>
    %add3A_35 = arith.addf %add3A_34, %erf3A : vector<10000x128xf32>
    %mul3A_36 = arith.mulf %mul3A_29, %add3A_35 : vector<10000x128xf32>
    %iota3A = tpu.iota {dimensions = array<i32: 1>} : vector<1x64xi32>
    %get3A_37 = arith.constant 0 : index
    %get3A_38 = arith.constant 0 : index
    %get3A_39 = vector.load %arg3[%get3A_37, %get3A_38] : memref<10000x1xi32, #tpu.memory_space<vmem>>, vector<10000x1xi32>
    %eq3A = vector.broadcast %get3A_39 : vector<10000x1xi32> to vector<10000x64xi32>
    %eq3A_40 = vector.broadcast %iota3A : vector<1x64xi32> to vector<10000x64xi32>
    %eq3A_41 = arith.cmpi eq, %eq3A, %eq3A_40 : vector<10000x64xi32>
    %convert_element_type3A = arith.extui %eq3A_41 : vector<10000x64xi1> to vector<10000x64xi32>
    %convert_element_type3A_42 = arith.sitofp %convert_element_type3A : vector<10000x64xi32> to vector<10000x64xf32>
    %dot_general3A = arith.constant dense<0.000000e+00> : vector<64x128xf32>
    %dot_general3A_43 = tpu.matmul %convert_element_type3A_42, %mul3A_36, %dot_general3A {dimension_numbers = #tpu.dot_dimension_numbers<[0], [0], [1], [1], [0, 1, 1, 1], [], []>, transpose_lhs_hint = false} : vector<10000x64xf32>, vector<10000x128xf32>, vector<64x128xf32> -> vector<64x128xf32>
    %reduce_sum3A = arith.constant dense<0.000000e+00> : vector<64xf32>
    %reduce_sum3A_44 = vector.multi_reduction <add>, %convert_element_type3A_42, %reduce_sum3A [0] : vector<10000x64xf32> to vector<64xf32>
    %max3A = arith.constant 1.000000e+00 : f32
    %max3A_45 = vector.broadcast %max3A : f32 to vector<64xf32>
    %max3A_46 = arith.maximumf %reduce_sum3A_44, %max3A_45 : vector<64xf32>
    %broadcast_in_dim3A_47 = vector.shape_cast %max3A_46 : vector<64xf32> to vector<64x1xf32>
    %div3A = vector.broadcast %broadcast_in_dim3A_47 : vector<64x1xf32> to vector<64x128xf32>
    %div3A_48 = arith.divf %dot_general3A_43, %div3A : vector<64x128xf32>
    %get3A_49 = arith.constant 0 : index
    %get3A_50 = arith.constant 0 : index
    %get3A_51 = vector.load %arg4[%get3A_49, %get3A_50] : memref<128x128xf32, #tpu.memory_space<vmem>>, vector<128x128xf32>
    %dot_general3A_52 = arith.constant dense<0.000000e+00> : vector<64x128xf32>
    %dot_general3A_53 = tpu.matmul %div3A_48, %get3A_51, %dot_general3A_52 {dimension_numbers = #tpu.dot_dimension_numbers<[1], [0], [0], [1], [0, 0, 1, 1], [], []>, transpose_lhs_hint = false} : vector<64x128xf32>, vector<128x128xf32>, vector<64x128xf32> -> vector<64x128xf32>
    %get3A_54 = arith.constant 0 : index
    %get3A_55 = vector.load %arg5[%get3A_54] : memref<128xf32, #tpu.memory_space<vmem>>, vector<128xf32>
    %broadcast_in_dim3A_56 = vector.shape_cast %get3A_55 : vector<128xf32> to vector<1x128xf32>
    %add3A_57 = vector.broadcast %broadcast_in_dim3A_56 : vector<1x128xf32> to vector<64x128xf32>
    %add3A_58 = arith.addf %dot_general3A_53, %add3A_57 : vector<64x128xf32>
    %max3A_59 = arith.constant 0.000000e+00 : f32
    %max3A_60 = vector.broadcast %max3A_59 : f32 to vector<64x128xf32>
    %max3A_61 = arith.maximumf %add3A_58, %max3A_60 : vector<64x128xf32>
    %get3A_62 = arith.constant 0 : index
    %get3A_63 = arith.constant 0 : index
    %get3A_64 = vector.load %arg6[%get3A_62, %get3A_63] : memref<128x64xf32, #tpu.memory_space<vmem>>, vector<128x64xf32>
    %dot_general3A_65 = arith.constant dense<0.000000e+00> : vector<64x64xf32>
    %dot_general3A_66 = tpu.matmul %max3A_61, %get3A_64, %dot_general3A_65 {dimension_numbers = #tpu.dot_dimension_numbers<[1], [0], [0], [1], [0, 0, 1, 1], [], []>, transpose_lhs_hint = false} : vector<64x128xf32>, vector<128x64xf32>, vector<64x64xf32> -> vector<64x64xf32>
    %get3A_67 = arith.constant 0 : index
    %get3A_68 = vector.load %arg7[%get3A_67] : memref<64xf32, #tpu.memory_space<vmem>>, vector<64xf32>
    %broadcast_in_dim3A_69 = vector.shape_cast %get3A_68 : vector<64xf32> to vector<1x64xf32>
    %add3A_70 = vector.broadcast %broadcast_in_dim3A_69 : vector<1x64xf32> to vector<64x64xf32>
    %add3A_71 = arith.addf %dot_general3A_66, %add3A_70 : vector<64x64xf32>
    %swap3A = arith.constant 0 : index
    %swap3A_72 = arith.constant 0 : index
    %swap3A_73 = vector.load %arg8[%swap3A, %swap3A_72] : memref<64x64xf32, #tpu.memory_space<vmem>>, vector<64x64xf32>
    tpu.vector_store %arg8[%swap3A, %swap3A_72], %add3A_71 {strides = array<i32>} : memref<64x64xf32, #tpu.memory_space<vmem>>, vector<64x64xf32>,
    return
  }
}

</mosaic_0001>

<sc_bundles>
// kernel: kernel.10.cloned.1.call-start
scs
__scs_entry_jumppad:
0x0: {  	(pc) =	sbr.rel $0x88, $3  }
0x1: {  	(tag) =	ssettag $0x0;
	lr =	simm.s32 $0x1  }
0x2: {  	[smem:$0x3F94] =	sst lr;
	_ =	strace $0xD0000000  }
0x3: {  	_ = 	snop  }
0x4: {  	_ = 	snop  }
0x5: {  	_ = 	snop  }
0x6: {  	_ = 	snop  }
0x7: {  	_ = 	snop  }
__scs_overlays_trampoline_lowered:
0x8: {  	[smem:$0x3FA3] =	sst s0  }
0x9: {  	[smem:$0x3FA4] =	sst s1  }
0xa: {  	[smem:$0x3FA5] =	sst s2  }
0xb: {  	[smem:$0x3FA6] =	sst s3  }
0xc: {  	[smem:$0x3FA7] =	sst s4  }
0xd: {  	[smem:$0x3FA8] =	sst s5  }
0xe: {  	[smem:$0x3FA9] =	sst s6  }
0xf: {  	[smem:$0x3FAA] =	sst s7  }
0x10: {  	[smem:$0x3FAB] =	sst s8  }
0x11: {  	[smem:$0x3FAC] =	sst s9;
	s0 =	simm.s32 @!p0 $0x0  }
0x12: {  	s1 =	sld [smem:$0x3F92];
	s0 =	simm.s32 @p0 $0x1  }
0x13: {  	[smem:$0x3FAD] =	sst s0;
	s0 =	simm.s32 @!p1 $0x0  }
0x14: {  	s2 =	sld [smem:$0x3F91];
	s0 =	simm.s32 @p1 $0x1  }
0x15: {  	[smem:$0x3FAE] =	sst s0;
	s0 =	simm.s32 @!p2 $0x0  }
0x16: {  	s3 =	sld [smem:$0x3FDB];
	s0 =	simm.s32 @p2 $0x1  }
0x17: {  	s4 =	simm.s32 $0x1BF5;
	[smem:$0x3FB0] =	sst s0  }
0x18: {  	s0 =	sld [smem:$0x3F93];
	_ =	swait.ge [sflag:s4], $0x0  }
0x19: {  	s7 =	sld [smem:$0x3F94]  }
0x1a: {  	s8 =	sadd.s32 $0xFFFFE003, lr  }
0x1b: {  	s9 =	sadd.s32 $0xFFFFFEF7, lr;
	s5 =	simm.s32 $0xFFFFFFFF;
	p2 =	slt.u32 s8, $0xFFFFF086  }
0x1c: {  	p1 =	slt.u32 s9, $0xF7A;
	s5 =	simm.s32 @!p2 $0x0  }
0x1d: {  	s5 =	simm.s32 @p1 $0x1;
	p0 =	seq.s32 s7, s2  }
0x1e: {  	s7 =	smul.u32 @!p0 $0xF7A, s2;
	p2 =	seq.s32 @!p0 s5, $0x0  }
0x1f: {  	s9 =	smul.u32 $0xF7A, s1;
	s8 =	simm.s32 @!p0 $0x1BF5;
	p2 =	por !p2, p0  }
0x20: {  	[sflag:s8] =	ssyncset.s32 @!p0 $0xFFFFF086;
	s6 =	sadd.s32 @!p0 s3, s7;
	s7 =	simm.s32 @!p0 $0x108  }
0x21: {  	s3 =	sadd.s32 s3, s9;
	s6 =	sadd.s32 @!p0 $0x88, s6;
	s7 =	simm.s32 @p2 $0x1082  }
0x22: {  	[simem:s7], [sflag:s8] =	dma.local @!p0 [hbm:s6], $0xF7A  }
0x23: {  	s9 =	sor.u32 $0xD0000000, s2;
	s6 =	simm.s32 $0x108;
	_ =	swait.ge @!p0 [sflag:s8], $0x0  }
0x24: {  	s3 =	sadd.s32 $0x88, s3;
	s6 =	simm.s32 @!p1 $0x1082;
	[sflag:s4] =	ssyncset.s32 $0xFFFFF086  }
0x25: {  	[simem:s6], [sflag:s4] =	dma.local [hbm:s3], $0xF7A  }
0x26: {  	[smem:$0x3F94] =	sst s1;
	(tag) =	ssettag s2;
	_ =	strace s9  }
0x27: {  	s1 =	sld [smem:$0x3FA4]  }
0x28: {  	s2 =	sld [smem:$0x3FA5]  }
0x29: {  	s4 =	sld [smem:$0x3FA7]  }
0x2a: {  	p0 =	seq.s32 s5, $0x0;
	s5 =	sld [smem:$0x3FA8]  }
0x2b: {  	s6 =	sld [smem:$0x3FA9]  }
0x2c: {  	s7 =	sld [smem:$0x3FAA]  }
0x2d: {  	s3 =	simm.s32 $0x108;
	s8 =	sld [smem:$0x3FAB]  }
0x2e: {  	s3 =	simm.s32 @!p0 $0x1082;
	s9 =	sld [smem:$0x3FAC]  }
0x2f: {  	lr =	sadd.s32 s0, s3;
	s0 =	sld [smem:$0x3FA3]  }
0x30: {  	s3 =	sld [smem:$0x3FA6]  }
0x31: {  	[smem:$0x3FAF] =	sst s10  }
0x32: {  	s10 =	sld [smem:$0x3FAD];
	_ =	sdelay $0x3  }
0x33: {  	p0 =	seq.s32 s10, $0x1;
	s10 =	sld [smem:$0x3FAF];
	_ =	sdelay $0x3  }
0x34: {  	[smem:$0x3FAF] =	sst s10  }
0x35: {  	s10 =	sld [smem:$0x3FAE];
	_ =	sdelay $0x3  }
0x36: {  	p1 =	seq.s32 s10, $0x1;
	s10 =	sld [smem:$0x3FAF];
	_ =	sdelay $0x3  }
0x37: {  	[smem:$0x3FAF] =	sst s10  }
0x38: {  	s10 =	sld [smem:$0x3FB0]  }
0x39: {  	_ = 	snop;
	(pc) =	sbr.ind lr, $3  }
0x3a: {  	_ = 	snop  }
0x3b: {  	_ = 	snop  }
0x3c: {  	p2 =	seq.s32 s10, $0x1;
	s10 =	sld [smem:$0x3FAF]  }
0x3d: {  	_ =	shalt  }
0x3e: {  	_ =	shalt  }
0x3f: {  	_ =	shalt  }
0x40: {  	_ =	shalt  }
0x41: {  	_ =	shalt  }
0x42: {  	_ =	shalt  }
0x43: {  	_ =	shalt  }
0x44: {  	_ =	shalt  }
0x45: {  	_ =	shalt  }
0x46: {  	_ =	shalt  }
0x47: {  	_ =	shalt  }
0x48: {  	_ =	shalt  }
0x49: {  	_ =	shalt  }
0x4a: {  	_ =	shalt  }
0x4b: {  	_ =	shalt  }
0x4c: {  	_ =	shalt  }
0x4d: {  	_ =	shalt  }
0x4e: {  	_ =	shalt  }
0x4f: {  	_ =	shalt  }
0x50: {  	_ =	shalt  }
0x51: {  	_ =	shalt  }
0x52: {  	_ =	shalt  }
0x53: {  	_ =	shalt  }
0x54: {  	_ =	shalt  }
0x55: {  	_ =	shalt  }
0x56: {  	_ =	shalt  }
0x57: {  	_ =	shalt  }
0x58: {  	_ =	shalt  }
0x59: {  	_ =	shalt  }
0x5a: {  	_ =	shalt  }
0x5b: {  	_ =	shalt  }
0x5c: {  	_ =	shalt  }
0x5d: {  	_ =	shalt  }
0x5e: {  	_ =	shalt  }
0x5f: {  	_ =	shalt  }
0x60: {  	_ =	shalt  }
0x61: {  	_ =	shalt  }
0x62: {  	_ =	shalt  }
0x63: {  	_ =	shalt  }
0x64: {  	_ =	shalt  }
0x65: {  	_ =	shalt  }
0x66: {  	_ =	shalt  }
0x67: {  	_ =	shalt  }
0x68: {  	_ =	shalt  }
0x69: {  	_ =	shalt  }
0x6a: {  	_ =	shalt  }
0x6b: {  	_ =	shalt  }
0x6c: {  	_ =	shalt  }
0x6d: {  	_ =	shalt  }
0x6e: {  	_ =	shalt  }
0x6f: {  	_ =	shalt  }
0x70: {  	_ =	shalt  }
0x71: {  	_ =	shalt  }
0x72: {  	_ =	shalt  }
0x73: {  	_ =	shalt  }
0x74: {  	_ =	shalt  }
0x75: {  	_ =	shalt  }
0x76: {  	_ =	shalt  }
0x77: {  	_ =	shalt  }
0x78: {  	_ =	shalt  }
0x79: {  	_ =	shalt  }
0x7a: {  	_ =	shalt  }
0x7b: {  	_ =	shalt  }
0x7c: {  	_ =	shalt  }
0x7d: {  	_ =	shalt  }
0x7e: {  	_ =	shalt  }
0x7f: {  	_ =	shalt  }
0x80: {  	_ =	shalt  }
0x81: {  	_ =	shalt  }
0x82: {  	_ =	shalt  }
0x83: {  	_ =	shalt  }
0x84: {  	_ =	shalt  }
0x85: {  	_ =	shalt  }
0x86: {  	_ =	shalt  }
0x87: {  	_ =	shalt  }
.Lfunc_end0:
.L_simem_size_0:
called_computation_lowered:
.L_overlay_start_0:
0x88: {  	s2 =	sld [smem:$0x3FD9]  }
0x89: {  	s3 =	sld [smem:$0x3FFE];
	_ =	sdelay $0x1  }
0x8a: {  	s1 =	srdreg.scid  }
0x8b: {  	s0 =	sand.u32 $0x1, s1  }
0x8c: {  	s16 =	sshll.u32 s0, $0xA;
	s2 =	sadd.s32 s3, s2  }
0x8d: {  	s2 =	sadd.s32 s2, s16  }
0x8e: {  	[smem:$0x3FBB] =	sst s2  }
0x8f: {  	_ = 	snop  }
0x90: {  	(tm) =	ssettm $0x1  }
0x91: {  	s17 =	sld [smem:$0x3FFB];
	_ =	sdelay $0x3  }
0x92: {  	_ =	strace s17  }
0x93: {  	s2 =	sld [smem:$0x3FFC];
	_ =	sdelay $0x3  }
0x94: {  	_ =	strace s2  }
0x95: {  	s2 =	sld [smem:$0x3FFD];
	_ =	sdelay $0x3  }
0x96: {  	_ =	strace s2  }
0x97: {  	_ =	strace $0x8FFFFFFF  }
0x98: {  	s18 =	sld [smem:$0x3FDB];
	_ =	sdelay $0x1  }
0x99: {  	s19 =	simm.s32 $_scs_section_size  }
0x9a: {  	s4 =	simm.s32 $_size__tile_overlayer_lowered;
	s5 =	simm.s32 $_tile_overlayer_lowered  }
0x9b: {  	s22 =	simm.s32 $0x1BFF;
	s21 =	sshll.u32 s5, $0x1;
	s2 =	sadd.s32 s19, s18  }
0x9c: {  	s6 =	simm.s32 $0x0;
	s20 =	sshll.u32 s4, $0x1;
	s4 =	sadd.s32 s21, s2  }
0x9d: {  	[timem:s6], [sflag:s22] =	dma.local [hbm:s4], s20  }
0x9e: {  	_ =	swait.ge [sflag:s22], s20  }
0x9f: {  	s3 =	ssub.s32 $0x0, s20;
	[sflag:s22] =	ssyncset.done $0x0  }
0xa0: {  	[sflag:s22] =	ssyncadd.s32 s3;
	_ =	sdelay $0x1  }
0xa1: {  	s23 =	simm.s32 $0x1B8B  }
0xa2: {  	_ =	swait.ge [sflag:s23], $0x1  }
0xa3: {  	[sflag:s23] =	ssyncset.done $0x0  }
0xa4: {  	s25 =	simm.s32 $0x1B8E;
	s24 =	sld [smem:$0x3FFE];
	[sflag:s23] =	ssyncadd.s32 $0xFFFFFFFF  }
0xa5: {  	s26 =	simm.s32 $execute0_lowered;
	[smem:$0x3FD2] =	sst s25  }
0xa6: {  	s4 =	sshll.u32 s26, $0x1;
	_ =	strace $0x80000046;
	[dreg:$0x1] =	wrdreg $0xFFFFFFFF  }
0xa7: {  	s28 =	simm.s32 $_size_execute0_lowered;
	s2 =	sadd.s32 s2, s4;
	[dreg:$0x0] =	wrdreg $0x0  }
0xa8: {  	s4 =	sshll.u32 s28, $0x1;
	[dreg:$0x2] =	wrdreg s2  }
0xa9: {  	[dreg:$0x3] =	wrdreg s4  }
0xaa: {  	[dreg:$0x4] =	wrdreg $0xC0  }
0xab: {  	_ =	task [dreg:s6], $0x5FFFF  }
0xac: {  	[dreg:$0x1] =	wrdreg $0xFFFFFFFF  }
0xad: {  	[dreg:$0x0] =	wrdreg $0x60  }
0xae: {  	[dreg:$0x2] =	wrdreg s24  }
0xaf: {  	[dreg:$0x3] =	wrdreg $0x55000  }
0xb0: {  	[dreg:$0x4] =	wrdreg $0x9  }
0xb1: {  	_ =	task.clear_ibuf [dreg:s6], $0x5FFFF;
	_ =	strace $0x90000046  }
0xb2: {  	s29 =	simm.s32 $0x9;
	_ =	strace $0x80000048  }
0xb3: {  	_ =	swait.ge [sflag:s29], $0x1  }
0xb4: {  	[sflag:s29] =	ssyncadd.s32 $0xFFFFFFFF  }
0xb5: {  	_ =	strace $0x90000048  }
0xb6: {  	_ =	sfence  }
0xb7: {  	s30 =	sld [smem:$0x0];
	_ =	sdelay $0x2  }
0xb8: {  	s31 =	sshll.u32 s1, $0xD;
	s1 =	sshrl.u32 s1, $0x2  }
0xb9: {  	s3 =	sand.u32 $0x4000, s31;
	s1 =	sadd.s32 s1, s30  }
0xba: {  	s0 =	sor.u32 s3, s0;
	s1 =	sshll.u32 s1, $0x11  }
0xbb: {  	s0 =	sor.u32 s1, s0  }
0xbc: {  	s0 =	sadd.s32 $0x8F2B, s0  }
0xbd: {  	[sflag:s0] =	ssyncadd.remote.s32 $0x1  }
0xbe: {  	_ =	sfence.sel $0xFFFF  }
0xbf: {  	[dreg:$0x0] =	wrdreg $0xFFFFFFFF;
	(pc) =	sbr.abs _section_cstart, $3  }
0xc0: {  	[dreg:$0x1] =	wrdreg $0xFFFFFFFF  }
0xc1: {  	_ =	task.clear_ibuf [dreg:s6], $0x2FFFF;
	_ =	strace $0x9FFFFFFF  }
0xc2: {  	(tm) =	ssettm $0x7FFFFFFF  }
0xc3: {  	_ =	shalt  }
tec
execute0_lowered:
.L_overlay_start_1:
0x0: {  	(tag) =	ssettag $0x1  }
0x1: {  	s1 =	srdreg.scid;
	s5 =	rddreg [dreg:$0x0]  }
0x2: {  	s0 =	stileid.u32;
	s2 =	rddreg [dreg:$0x1];
	s3 =	simm.s32 $0x0  }
0x3: {  	s11 =	simm.s32 $0x400;
	s12 =	simm.s32 $0x5280;
	s14 =	simm.s32 $0x5000  }
0x4: {  	s17 =	simm.s32 $0x0;
	s4 =	sand.u32 $0x1, s1;
	s1 =	rddreg [dreg:$0x2]  }
0x5: {  	s29 =	sshll.u32 s0, $0x1;
	[smem:$0x7FF] =	sst s3;
	s13 =	smul.u32 $0x5000, s0  }
0x6: {  	s7 =	sshrl.u32 s0, $0x3;
	s10 =	sshll.u32 s0, $0x7;
	s16 =	smul.u32 $0xA0, s0  }
0x7: {  	s6 =	sor.u32 s4, s29;
	_ =	strace $0x80000047;
	s8 =	sshll.u32 s4, $0x4  }
0x8: {  	s9 =	ssub.s32 $0x2, s4;
	s7 =	smul.u32 $0x50000, s7;
	s4 =	sadd.s32 $0x17600, s5  }
0x9: {  	s31 =	sand.u32 $0x380, s10;
	s10 =	simm.s32 $0x80;
	s6 =	smul.u32 $0x500, s6  }
0xa: {  	s8 =	sadd.s32 s8, s5;
	s30 =	sshrl.u32 s9, $0x1;
	s13 =	sshrl.u32 s13, $0x2  }
0xb: {  	s9 =	ssub.s32 s9, s30;
	s7 =	sshrl.u32 s7, $0x2;
	s15 =	sadd.s32 $0x17C00, s8  }
0xc: {  	s8 =	simm.s32 $0x1;
	s6 =	sadd.s32 s6, s5;
	s7 =	sadd.s32 s7, s2  }
0xd: {  	s15 =	sadd.s32 s16, s15;
	s16 =	simm.s32 $0x100;
	s5 =	sadd.s32 $0x3600, s6  }
0xe: {  	v0 =	vimm.f32 $1.000000000e+00;
	s6 =	sadd.s32 s31, s7;
	s7 =	smax.u32 s9, $0x1;
	s9 =	simm.s32 $0x2800  }
.LBB2_1:
0xf: {  	[tilespmem:s3], [sflag:$0x1] =	stream.linear.gather [hbm4b:s5+s3], $0x2800, $0x38;
	[tilespmem:$0x7D00] =	vst v63  }
0x10: {  	_ =	swait.ge [sflag:s8], $0x2800  }
0x11: {  	[sflag:s8] =	ssyncset.done $0x0  }
0x12: {  	[sflag:s8] =	ssyncadd.s32 $0xFFFFD800  }
0x13: {  	[tilespmem:s9], [sflag:$0x1] =	stream.linear.gather [hbm4b:s4+s3], $0x2800, $0x38;
	[tilespmem:$0x7D00] =	vst v63  }
0x14: {  	_ =	swait.ge [sflag:s8], $0x2800  }
0x15: {  	[sflag:s8] =	ssyncset.done $0x0  }
0x16: {  	s18 =	simm.s32 $0x0;
	[sflag:s8] =	ssyncadd.s32 $0xFFFFD800  }
.LBB2_2:
0x17: {  	s19 =	sshra.s32 s18, $0x2  }
0x18: {  	v1 =	vld [tilespmem:s19+$0x0];
	_ =	sdelay $0x7  }
0x19: {  	[tilespmem:v1+s9+$0x0] =	vst.idx.add.f32.msk $0xffff, v0  }
0x1a: {  	v1 =	vld [tilespmem:s19+$0x10];
	_ =	sdelay $0x7  }
0x1b: {  	[tilespmem:v1+s9+$0x0] =	vst.idx.add.f32.msk $0xffff, v0  }
0x1c: {  	v1 =	vld [tilespmem:s19+$0x20];
	_ =	sdelay $0x7  }
0x1d: {  	[tilespmem:v1+s9+$0x0] =	vst.idx.add.f32.msk $0xffff, v0  }
0x1e: {  	v1 =	vld [tilespmem:s19+$0x30];
	_ =	sdelay $0x7  }
0x1f: {  	[tilespmem:v1+s9+$0x0] =	vst.idx.add.f32.msk $0xffff, v0  }
0x20: {  	v1 =	vld [tilespmem:s19+$0x40];
	_ =	sdelay $0x7  }
0x21: {  	[tilespmem:v1+s9+$0x0] =	vst.idx.add.f32.msk $0xffff, v0  }
0x22: {  	v1 =	vld [tilespmem:s19+$0x50];
	_ =	sdelay $0x7  }
0x23: {  	[tilespmem:v1+s9+$0x0] =	vst.idx.add.f32.msk $0xffff, v0  }
0x24: {  	v1 =	vld [tilespmem:s19+$0x60];
	_ =	sdelay $0x7  }
0x25: {  	[tilespmem:v1+s9+$0x0] =	vst.idx.add.f32.msk $0xffff, v0  }
0x26: {  	v1 =	vld [tilespmem:s19+$0x70];
	_ =	sdelay $0x2  }
0x27: {  	p0 =	sne.s32 s18, $0x9E00  }
.Ltmp0:
0x28: {  	_ = 	snop;
	(pc) =	sbr.rel @p0 .LBB2_2-.Ltmp0, $2  }
0x29: {  	_ =	sdelay $0x2  }
0x2a: {  	s18 =	sadd.s32 $0x200, s18;
	[tilespmem:v1+s9+$0x0] =	vst.idx.add.f32.msk $0xffff, v0  }
0x2b: {  	[spmem:s6] =	stream.strided.scatter [tilespmem:s9], [sflag:$0x1], $0x2800, s11, s10, $0x38;
	[tilespmem:$0x7D00] =	vst v63  }
0x2c: {  	_ =	swait.ge [sflag:s8], $0x2800  }
0x2d: {  	[sflag:s8] =	ssyncset.done $0x0  }
0x2e: {  	s18 =	simm.s32 $0x0;
	[sflag:s8] =	ssyncadd.s32 $0xFFFFD800  }
0x2f: {  	[tilespmem:s12], [sflag:$0x1] =	stream.linear.gather [hbm4b:s4+s18], $0x280, $0x38;
	[tilespmem:$0x7D00] =	vst v63  }
0x30: {  	_ =	swait.ge [sflag:s8], $0x280  }
0x31: {  	[sflag:s8] =	ssyncset.done $0x0  }
0x32: {  	[sflag:s8] =	ssyncadd.s32 $0xFFFFFD80  }
0x33: {  	s19 =	simm.s32 $0x0;
	[bflag:$0x0] =	sbarrier.arrive $0xFFFF  }
.LBB2_4:
0x34: {  	s20 =	sshrl.u32 s19, $0x3  }
0x35: {  	s20 =	smul.u32 $0x50000, s20;
	_ =	sdelay $0x1  }
0x36: {  	s20 =	sshra.s32 s20, $0x2  }
0x37: {  	s21 =	sand.u32 $0x380, s18;
	s20 =	sadd.s32 s20, s2  }
0x38: {  	s20 =	sadd.s32 s21, s20  }
0x39: {  	s20 =	sadd.s32 s13, s20  }
0x3a: {  	[tilespmem:s14], [sflag:$0x1] =	stream.strided.gather [spmem:s20], $0x280, s11, s10, $0x38;
	[tilespmem:$0x7D00] =	vst v63  }
0x3b: {  	_ =	swait.ge [sflag:s8], $0x280  }
0x3c: {  	[sflag:s8] =	ssyncset.done $0x0  }
0x3d: {  	[sflag:s8] =	ssyncadd.s32 $0xFFFFFD80  }
0x3e: {  	v1 =	vld [tilespmem:$0x5280]  }
0x3f: {  	v2 =	vld [tilespmem:$0x5000]  }
0x40: {  	v3 =	vld [tilespmem:$0x5290]  }
0x41: {  	v4 =	vld [tilespmem:$0x5010]  }
0x42: {  	v5 =	vld [tilespmem:$0x52A0]  }
0x43: {  	v6 =	vld [tilespmem:$0x5020]  }
0x44: {  	v7 =	vld [tilespmem:$0x52B0]  }
0x45: {  	v8 =	vld [tilespmem:$0x5030]  }
0x46: {  	v9 =	vld [tilespmem:$0x52C0]  }
0x47: {  	v10 =	vld [tilespmem:$0x5040]  }
0x48: {  	v11 =	vld [tilespmem:$0x52D0]  }
0x49: {  	v12 =	vld [tilespmem:$0x5050]  }
0x4a: {  	v13 =	vld [tilespmem:$0x52E0]  }
0x4b: {  	v14 =	vld [tilespmem:$0x5060]  }
0x4c: {  	v15 =	vld [tilespmem:$0x52F0]  }
0x4d: {  	v16 =	vld [tilespmem:$0x5070]  }
0x4e: {  	v17 =	vld [tilespmem:$0x5300]  }
0x4f: {  	v18 =	vld [tilespmem:$0x5080]  }
0x50: {  	v19 =	vld [tilespmem:$0x5310]  }
0x51: {  	v20 =	vld [tilespmem:$0x5090]  }
0x52: {  	v21 =	vld [tilespmem:$0x5320]  }
0x53: {  	v22 =	vld [tilespmem:$0x50A0]  }
0x54: {  	v23 =	vld [tilespmem:$0x5330]  }
0x55: {  	v24 =	vld [tilespmem:$0x50B0]  }
0x56: {  	v25 =	vld [tilespmem:$0x5340]  }
0x57: {  	v26 =	vld [tilespmem:$0x50C0]  }
0x58: {  	v27 =	vld [tilespmem:$0x5350]  }
0x59: {  	v28 =	vld [tilespmem:$0x50D0]  }
0x5a: {  	v29 =	vld [tilespmem:$0x5360]  }
0x5b: {  	v30 =	vld [tilespmem:$0x50E0]  }
0x5c: {  	v31 =	vld [tilespmem:$0x5370]  }
0x5d: {  	v32 =	vld [tilespmem:$0x50F0]  }
0x5e: {  	v33 =	vld [tilespmem:$0x5380]  }
0x5f: {  	v34 =	vld [tilespmem:$0x5100]  }
0x60: {  	v35 =	vld [tilespmem:$0x5390]  }
0x61: {  	v36 =	vld [tilespmem:$0x5110]  }
0x62: {  	v37 =	vld [tilespmem:$0x53A0]  }
0x63: {  	v38 =	vld [tilespmem:$0x5120]  }
0x64: {  	v39 =	vld [tilespmem:$0x53B0]  }
0x65: {  	v40 =	vld [tilespmem:$0x5130]  }
0x66: {  	v41 =	vld [tilespmem:$0x53C0]  }
0x67: {  	v42 =	vld [tilespmem:$0x5140]  }
0x68: {  	v43 =	vld [tilespmem:$0x53D0]  }
0x69: {  	v44 =	vld [tilespmem:$0x5150]  }
0x6a: {  	v45 =	vld [tilespmem:$0x53E0]  }
0x6b: {  	v53 =	vld [tilespmem:$0x5170];
	v1 =	vadd.f32 v2, v1  }
0x6c: {  	v54 =	vld [tilespmem:$0x5400];
	v3 =	vadd.f32 v4, v3  }
0x6d: {  	v55 =	vld [tilespmem:$0x5180];
	[tilespmem:$0x5280] =	vst v1;
	v1 =	vadd.f32 v6, v5  }
0x6e: {  	v56 =	vld [tilespmem:$0x5410];
	[tilespmem:$0x5290] =	vst v3;
	v3 =	vadd.f32 v8, v7  }
0x6f: {  	v57 =	vld [tilespmem:$0x5190];
	[tilespmem:$0x52A0] =	vst v1;
	v1 =	vadd.f32 v10, v9  }
0x70: {  	v58 =	vld [tilespmem:$0x5420];
	[tilespmem:$0x52B0] =	vst v3;
	v3 =	vadd.f32 v12, v11  }
0x71: {  	v59 =	vld [tilespmem:$0x51A0];
	[tilespmem:$0x52C0] =	vst v1;
	v1 =	vadd.f32 v14, v13  }
0x72: {  	v60 =	vld [tilespmem:$0x5430];
	[tilespmem:$0x52D0] =	vst v3;
	v3 =	vadd.f32 v16, v15  }
0x73: {  	v61 =	vld [tilespmem:$0x51B0];
	[tilespmem:$0x52E0] =	vst v1;
	v1 =	vadd.f32 v18, v17  }
0x74: {  	v62 =	vld [tilespmem:$0x5440];
	[tilespmem:$0x52F0] =	vst v3;
	v3 =	vadd.f32 v20, v19  }
0x75: {  	v63 =	vld [tilespmem:$0x51C0];
	[tilespmem:$0x5300] =	vst v1;
	v1 =	vadd.f32 v22, v21  }
0x76: {  	v46 =	vld [tilespmem:$0x5460];
	[tilespmem:$0x5310] =	vst v3;
	v3 =	vadd.f32 v24, v23  }
0x77: {  	v47 =	vld [tilespmem:$0x51E0];
	[tilespmem:$0x5320] =	vst v1;
	v1 =	vadd.f32 v26, v25  }
0x78: {  	v48 =	vld [tilespmem:$0x5470];
	[tilespmem:$0x5330] =	vst v3;
	v3 =	vadd.f32 v28, v27  }
0x79: {  	v49 =	vld [tilespmem:$0x51F0];
	[tilespmem:$0x5340] =	vst v1;
	v1 =	vadd.f32 v30, v29  }
0x7a: {  	v50 =	vld [tilespmem:$0x5480];
	[tilespmem:$0x5350] =	vst v3;
	v3 =	vadd.f32 v32, v31  }
0x7b: {  	v51 =	vld [tilespmem:$0x5200];
	[tilespmem:$0x5360] =	vst v1;
	v1 =	vadd.f32 v34, v33  }
0x7c: {  	v2 =	vld [tilespmem:$0x5160];
	[tilespmem:$0x5370] =	vst v3;
	v3 =	vadd.f32 v36, v35  }
0x7d: {  	v4 =	vld [tilespmem:$0x53F0];
	[tilespmem:$0x5380] =	vst v1;
	v1 =	vadd.f32 v38, v37  }
0x7e: {  	v52 =	vld [tilespmem:$0x5490];
	[tilespmem:$0x5390] =	vst v3;
	v3 =	vadd.f32 v40, v39  }
0x7f: {  	v28 =	vld [tilespmem:$0x5450];
	[tilespmem:$0x53A0] =	vst v1;
	v1 =	vadd.f32 v42, v41  }
0x80: {  	v30 =	vld [tilespmem:$0x51D0];
	[tilespmem:$0x53B0] =	vst v3;
	v3 =	vadd.f32 v44, v43  }
0x81: {  	[tilespmem:$0x53C0] =	vst v1;
	v1 =	vadd.f32 v2, v45;
	v2 =	vld [tilespmem:$0x5210]  }
0x82: {  	[tilespmem:$0x53D0] =	vst v3;
	v3 =	vadd.f32 v53, v4;
	v53 =	vld [tilespmem:$0x54A0]  }
0x83: {  	[tilespmem:$0x53E0] =	vst v1;
	v1 =	vadd.f32 v55, v54;
	v54 =	vld [tilespmem:$0x5220]  }
0x84: {  	[tilespmem:$0x53F0] =	vst v3;
	v3 =	vadd.f32 v57, v56;
	v55 =	vld [tilespmem:$0x54B0]  }
0x85: {  	v56 =	vld [tilespmem:$0x5230];
	[tilespmem:$0x5400] =	vst v1;
	v1 =	vadd.f32 v59, v58  }
0x86: {  	v57 =	vld [tilespmem:$0x54C0];
	[tilespmem:$0x5410] =	vst v3;
	v3 =	vadd.f32 v61, v60  }
0x87: {  	v58 =	vld [tilespmem:$0x5240];
	[tilespmem:$0x5420] =	vst v1;
	v1 =	vadd.f32 v63, v62  }
0x88: {  	v59 =	vld [tilespmem:$0x54D0];
	[tilespmem:$0x5430] =	vst v3;
	v3 =	vadd.f32 v30, v28  }
0x89: {  	v60 =	vld [tilespmem:$0x5250];
	[tilespmem:$0x5440] =	vst v1;
	v1 =	vadd.f32 v47, v46  }
0x8a: {  	v61 =	vld [tilespmem:$0x54E0];
	[tilespmem:$0x5450] =	vst v3;
	v3 =	vadd.f32 v49, v48  }
0x8b: {  	v2 =	vadd.f32 v2, v52;
	v63 =	vld [tilespmem:$0x5270];
	[tilespmem:$0x5460] =	vst v1  }
0x8c: {  	v1 =	vadd.f32 v51, v50;
	[tilespmem:$0x5470] =	vst v3;
	v3 =	vld [tilespmem:$0x54F0]  }
0x8d: {  	v62 =	vld [tilespmem:$0x5260];
	[tilespmem:$0x5490] =	vst v2;
	v2 =	vadd.f32 v56, v55  }
0x8e: {  	[tilespmem:$0x5480] =	vst v1;
	v1 =	vadd.f32 v54, v53  }
0x8f: {  	p0 =	sne.s32 s19, $0xF;
	[tilespmem:$0x54B0] =	vst v2;
	v2 =	vadd.f32 v60, v59  }
.Ltmp1:
0x90: {  	[tilespmem:$0x54A0] =	vst v1;
	v1 =	vadd.f32 v58, v57;
	(pc) =	sbr.rel @p0 .LBB2_4-.Ltmp1, $4  }
0x91: {  	[tilespmem:$0x54D0] =	vst v2;
	v2 =	vadd.f32 v63, v3  }
0x92: {  	[tilespmem:$0x54C0] =	vst v1;
	v1 =	vadd.f32 v62, v61  }
0x93: {  	[tilespmem:$0x54F0] =	vst v2  }
0x94: {  	s18 =	sadd.s32 $0x80, s18;
	s19 =	sadd.s32 $0x1, s19;
	[tilespmem:$0x54E0] =	vst v1  }
0x95: {  	s17 =	sadd.s32 $0x1, s17  }
0x96: {  	p0 =	sne.s32 s17, s7  }
.Ltmp2:
0x97: {  	_ = 	snop;
	(pc) =	sbr.rel @p0 .LBB2_1-.Ltmp2, $4  }
0x98: {  	[hbm4b:s15+s10] =	stream.strided.scatter [tilespmem:s12], [sflag:$0x1], $0x280, s16, s10, $0x38;
	[tilespmem:$0x7D00] =	vst v63  }
0x99: {  	_ =	swait.ge [sflag:s8], $0x280  }
0x9a: {  	[sflag:s8] =	ssyncset.done $0x0  }
0x9b: {  	[sflag:s8] =	ssyncadd.s32 $0xFFFFFD80  }
0x9c: {  	_ =	sfence.sel $0x180000  }
0x9d: {  	[bflag:$0x0] =	sbarrier.arrive $0xFFFF  }
0x9e: {  	p0 =	sne.s32 s0, $0x0;
	_ =	strace $0x90000047  }
0x9f: {  	s0 =	sadd.s32 @!p0 $0x100000, s1;
	[bflag:$0x2] =	sbarrier.arrive $0xFFFF  }
0xa0: {  	[sflag:s0] =	ssyncadd.tile.s32 @!p0 $0x1;
	_ =	shalt  }
.Lfunc_end2:
_tile_overlayer_lowered:
.L_overlay_start_2:
0xa1: {  	(tag) =	ssettag $0x2  }
0xa2: {  	s0 =	rddreg [dreg:$0x0];
	s2 =	stileid.u32  }
0xa3: {  	s1 =	rddreg [dreg:$0x1];
	p0 =	sne.s32 s2, $0x0  }
0xa4: {  	s3 =	rddreg [dreg:$0x2];
	[bflag:$0x3] =	sbarrier.arrive $0xFFFF;
	s2 =	simm.s32 @!p0 $0x1C01  }
0xa5: {  	[timem:s3], [sflag:s2] =	dma.local @!p0 [hbm:s0], s1  }
0xa6: {  	s0 =	simm.s32 @!p0 $0x1  }
0xa7: {  	_ =	swait.ge @!p0 [sflag:s0], s1  }
0xa8: {  	s1 =	ssub.s32 @!p0 $0x0, s1;
	[sflag:s0] =	ssyncset.done @!p0 $0x0  }
0xa9: {  	[sflag:s0] =	ssyncadd.s32 @!p0 s1  }
0xaa: {  	[bflag:$0x3] =	sbarrier.arrive $0xFFFF  }
0xab: {  	_ =	shalt  }

// kernel: kernel.13.cloned.1.call-start
scs
__scs_entry_jumppad:
0x0: {  	(pc) =	sbr.rel $0x88, $3  }
0x1: {  	(tag) =	ssettag $0x0;
	lr =	simm.s32 $0x1  }
0x2: {  	[smem:$0x3F94] =	sst lr;
	_ =	strace $0xD0000000  }
0x3: {  	_ = 	snop  }
0x4: {  	_ = 	snop  }
0x5: {  	_ = 	snop  }
0x6: {  	_ = 	snop  }
0x7: {  	_ = 	snop  }
__scs_overlays_trampoline_lowered:
0x8: {  	[smem:$0x3FA3] =	sst s0  }
0x9: {  	[smem:$0x3FA4] =	sst s1  }
0xa: {  	[smem:$0x3FA5] =	sst s2  }
0xb: {  	[smem:$0x3FA6] =	sst s3  }
0xc: {  	[smem:$0x3FA7] =	sst s4  }
0xd: {  	[smem:$0x3FA8] =	sst s5  }
0xe: {  	[smem:$0x3FA9] =	sst s6  }
0xf: {  	[smem:$0x3FAA] =	sst s7  }
0x10: {  	[smem:$0x3FAB] =	sst s8  }
0x11: {  	[smem:$0x3FAC] =	sst s9;
	s0 =	simm.s32 @!p0 $0x0  }
0x12: {  	s1 =	sld [smem:$0x3F92];
	s0 =	simm.s32 @p0 $0x1  }
0x13: {  	[smem:$0x3FAD] =	sst s0;
	s0 =	simm.s32 @!p1 $0x0  }
0x14: {  	s2 =	sld [smem:$0x3F91];
	s0 =	simm.s32 @p1 $0x1  }
0x15: {  	[smem:$0x3FAE] =	sst s0;
	s0 =	simm.s32 @!p2 $0x0  }
0x16: {  	s3 =	sld [smem:$0x3FDB];
	s0 =	simm.s32 @p2 $0x1  }
0x17: {  	s4 =	simm.s32 $0x1BF5;
	[smem:$0x3FB0] =	sst s0  }
0x18: {  	s0 =	sld [smem:$0x3F93];
	_ =	swait.ge [sflag:s4], $0x0  }
0x19: {  	s7 =	sld [smem:$0x3F94]  }
0x1a: {  	s8 =	sadd.s32 $0xFFFFE003, lr  }
0x1b: {  	s9 =	sadd.s32 $0xFFFFFEF7, lr;
	s5 =	simm.s32 $0xFFFFFFFF;
	p2 =	slt.u32 s8, $0xFFFFF086  }
0x1c: {  	p1 =	slt.u32 s9, $0xF7A;
	s5 =	simm.s32 @!p2 $0x0  }
0x1d: {  	s5 =	simm.s32 @p1 $0x1;
	p0 =	seq.s32 s7, s2  }
0x1e: {  	s7 =	smul.u32 @!p0 $0xF7A, s2;
	p2 =	seq.s32 @!p0 s5, $0x0  }
0x1f: {  	s9 =	smul.u32 $0xF7A, s1;
	s8 =	simm.s32 @!p0 $0x1BF5;
	p2 =	por !p2, p0  }
0x20: {  	[sflag:s8] =	ssyncset.s32 @!p0 $0xFFFFF086;
	s6 =	sadd.s32 @!p0 s3, s7;
	s7 =	simm.s32 @!p0 $0x108  }
0x21: {  	s3 =	sadd.s32 s3, s9;
	s6 =	sadd.s32 @!p0 $0x88, s6;
	s7 =	simm.s32 @p2 $0x1082  }
0x22: {  	[simem:s7], [sflag:s8] =	dma.local @!p0 [hbm:s6], $0xF7A  }
0x23: {  	s9 =	sor.u32 $0xD0000000, s2;
	s6 =	simm.s32 $0x108;
	_ =	swait.ge @!p0 [sflag:s8], $0x0  }
0x24: {  	s3 =	sadd.s32 $0x88, s3;
	s6 =	simm.s32 @!p1 $0x1082;
	[sflag:s4] =	ssyncset.s32 $0xFFFFF086  }
0x25: {  	[simem:s6], [sflag:s4] =	dma.local [hbm:s3], $0xF7A  }
0x26: {  	[smem:$0x3F94] =	sst s1;
	(tag) =	ssettag s2;
	_ =	strace s9  }
0x27: {  	s1 =	sld [smem:$0x3FA4]  }
0x28: {  	s2 =	sld [smem:$0x3FA5]  }
0x29: {  	s4 =	sld [smem:$0x3FA7]  }
0x2a: {  	p0 =	seq.s32 s5, $0x0;
	s5 =	sld [smem:$0x3FA8]  }
0x2b: {  	s6 =	sld [smem:$0x3FA9]  }
0x2c: {  	s7 =	sld [smem:$0x3FAA]  }
0x2d: {  	s3 =	simm.s32 $0x108;
	s8 =	sld [smem:$0x3FAB]  }
0x2e: {  	s3 =	simm.s32 @!p0 $0x1082;
	s9 =	sld [smem:$0x3FAC]  }
0x2f: {  	lr =	sadd.s32 s0, s3;
	s0 =	sld [smem:$0x3FA3]  }
0x30: {  	s3 =	sld [smem:$0x3FA6]  }
0x31: {  	[smem:$0x3FAF] =	sst s10  }
0x32: {  	s10 =	sld [smem:$0x3FAD];
	_ =	sdelay $0x3  }
0x33: {  	p0 =	seq.s32 s10, $0x1;
	s10 =	sld [smem:$0x3FAF];
	_ =	sdelay $0x3  }
0x34: {  	[smem:$0x3FAF] =	sst s10  }
0x35: {  	s10 =	sld [smem:$0x3FAE];
	_ =	sdelay $0x3  }
0x36: {  	p1 =	seq.s32 s10, $0x1;
	s10 =	sld [smem:$0x3FAF];
	_ =	sdelay $0x3  }
0x37: {  	[smem:$0x3FAF] =	sst s10  }
0x38: {  	s10 =	sld [smem:$0x3FB0]  }
0x39: {  	_ = 	snop;
	(pc) =	sbr.ind lr, $3  }
0x3a: {  	_ = 	snop  }
0x3b: {  	_ = 	snop  }
0x3c: {  	p2 =	seq.s32 s10, $0x1;
	s10 =	sld [smem:$0x3FAF]  }
0x3d: {  	_ =	shalt  }
0x3e: {  	_ =	shalt  }
0x3f: {  	_ =	shalt  }
0x40: {  	_ =	shalt  }
0x41: {  	_ =	shalt  }
0x42: {  	_ =	shalt  }
0x43: {  	_ =	shalt  }
0x44: {  	_ =	shalt  }
0x45: {  	_ =	shalt  }
0x46: {  	_ =	shalt  }
0x47: {  	_ =	shalt  }
0x48: {  	_ =	shalt  }
0x49: {  	_ =	shalt  }
0x4a: {  	_ =	shalt  }
0x4b: {  	_ =	shalt  }
0x4c: {  	_ =	shalt  }
0x4d: {  	_ =	shalt  }
0x4e: {  	_ =	shalt  }
0x4f: {  	_ =	shalt  }
0x50: {  	_ =	shalt  }
0x51: {  	_ =	shalt  }
0x52: {  	_ =	shalt  }
0x53: {  	_ =	shalt  }
0x54: {  	_ =	shalt  }
0x55: {  	_ =	shalt  }
0x56: {  	_ =	shalt  }
0x57: {  	_ =	shalt  }
0x58: {  	_ =	shalt  }
0x59: {  	_ =	shalt  }
0x5a: {  	_ =	shalt  }
0x5b: {  	_ =	shalt  }
0x5c: {  	_ =	shalt  }
0x5d: {  	_ =	shalt  }
0x5e: {  	_ =	shalt  }
0x5f: {  	_ =	shalt  }
0x60: {  	_ =	shalt  }
0x61: {  	_ =	shalt  }
0x62: {  	_ =	shalt  }
0x63: {  	_ =	shalt  }
0x64: {  	_ =	shalt  }
0x65: {  	_ =	shalt  }
0x66: {  	_ =	shalt  }
0x67: {  	_ =	shalt  }
0x68: {  	_ =	shalt  }
0x69: {  	_ =	shalt  }
0x6a: {  	_ =	shalt  }
0x6b: {  	_ =	shalt  }
0x6c: {  	_ =	shalt  }
0x6d: {  	_ =	shalt  }
0x6e: {  	_ =	shalt  }
0x6f: {  	_ =	shalt  }
0x70: {  	_ =	shalt  }
0x71: {  	_ =	shalt  }
0x72: {  	_ =	shalt  }
0x73: {  	_ =	shalt  }
0x74: {  	_ =	shalt  }
0x75: {  	_ =	shalt  }
0x76: {  	_ =	shalt  }
0x77: {  	_ =	shalt  }
0x78: {  	_ =	shalt  }
0x79: {  	_ =	shalt  }
0x7a: {  	_ =	shalt  }
0x7b: {  	_ =	shalt  }
0x7c: {  	_ =	shalt  }
0x7d: {  	_ =	shalt  }
0x7e: {  	_ =	shalt  }
0x7f: {  	_ =	shalt  }
0x80: {  	_ =	shalt  }
0x81: {  	_ =	shalt  }
0x82: {  	_ =	shalt  }
0x83: {  	_ =	shalt  }
0x84: {  	_ =	shalt  }
0x85: {  	_ =	shalt  }
0x86: {  	_ =	shalt  }
0x87: {  	_ =	shalt  }
.Lfunc_end0:
.L_simem_size_0:
called_computation.1_lowered:
.L_overlay_start_0:
0x88: {  	s2 =	sld [smem:$0x3FD9]  }
0x89: {  	s3 =	sld [smem:$0x3FFE];
	_ =	sdelay $0x1  }
0x8a: {  	s1 =	srdreg.scid  }
0x8b: {  	s0 =	sand.u32 $0x1, s1  }
0x8c: {  	s16 =	sshll.u32 s0, $0xA;
	s2 =	sadd.s32 s3, s2  }
0x8d: {  	s2 =	sadd.s32 s2, s16  }
0x8e: {  	[smem:$0x3FBB] =	sst s2  }
0x8f: {  	_ = 	snop  }
0x90: {  	(tm) =	ssettm $0x1  }
0x91: {  	s17 =	sld [smem:$0x3FFB];
	_ =	sdelay $0x3  }
0x92: {  	_ =	strace s17  }
0x93: {  	s2 =	sld [smem:$0x3FFC];
	_ =	sdelay $0x3  }
0x94: {  	_ =	strace s2  }
0x95: {  	s2 =	sld [smem:$0x3FFD];
	_ =	sdelay $0x3  }
0x96: {  	_ =	strace s2  }
0x97: {  	_ =	strace $0x8FFFFFFF  }
0x98: {  	s18 =	sld [smem:$0x3FDB];
	_ =	sdelay $0x1  }
0x99: {  	s19 =	simm.s32 $_scs_section_size  }
0x9a: {  	s4 =	simm.s32 $_size__tile_overlayer_lowered;
	s5 =	simm.s32 $_tile_overlayer_lowered  }
0x9b: {  	s22 =	simm.s32 $0x1BFF;
	s21 =	sshll.u32 s5, $0x1;
	s2 =	sadd.s32 s19, s18  }
0x9c: {  	s6 =	simm.s32 $0x0;
	s20 =	sshll.u32 s4, $0x1;
	s4 =	sadd.s32 s21, s2  }
0x9d: {  	[timem:s6], [sflag:s22] =	dma.local [hbm:s4], s20  }
0x9e: {  	_ =	swait.ge [sflag:s22], s20  }
0x9f: {  	s3 =	ssub.s32 $0x0, s20;
	[sflag:s22] =	ssyncset.done $0x0  }
0xa0: {  	[sflag:s22] =	ssyncadd.s32 s3;
	_ =	sdelay $0x1  }
0xa1: {  	s23 =	simm.s32 $0x1B8B  }
0xa2: {  	_ =	swait.ge [sflag:s23], $0x1  }
0xa3: {  	[sflag:s23] =	ssyncset.done $0x0  }
0xa4: {  	s25 =	simm.s32 $0x1B8E;
	s24 =	sld [smem:$0x3FFE];
	[sflag:s23] =	ssyncadd.s32 $0xFFFFFFFF  }
0xa5: {  	s26 =	simm.s32 $execute0_lowered;
	[smem:$0x3FD2] =	sst s25  }
0xa6: {  	s4 =	sshll.u32 s26, $0x1;
	_ =	strace $0x80000049;
	[dreg:$0x1] =	wrdreg $0xFFFFFFFF  }
0xa7: {  	s28 =	simm.s32 $_size_execute0_lowered;
	s2 =	sadd.s32 s2, s4;
	[dreg:$0x0] =	wrdreg $0x0  }
0xa8: {  	s4 =	sshll.u32 s28, $0x1;
	[dreg:$0x2] =	wrdreg s2  }
0xa9: {  	[dreg:$0x3] =	wrdreg s4  }
0xaa: {  	[dreg:$0x4] =	wrdreg $0xC0  }
0xab: {  	_ =	task [dreg:s6], $0x5FFFF  }
0xac: {  	[dreg:$0x1] =	wrdreg $0xFFFFFFFF  }
0xad: {  	[dreg:$0x0] =	wrdreg $0x60  }
0xae: {  	[dreg:$0x2] =	wrdreg s24  }
0xaf: {  	[dreg:$0x3] =	wrdreg $0xA8000  }
0xb0: {  	[dreg:$0x4] =	wrdreg $0x9  }
0xb1: {  	_ =	task.clear_ibuf [dreg:s6], $0x5FFFF;
	_ =	strace $0x90000049  }
0xb2: {  	s29 =	simm.s32 $0x9;
	_ =	strace $0x8000004B  }
0xb3: {  	_ =	swait.ge [sflag:s29], $0x1  }
0xb4: {  	[sflag:s29] =	ssyncadd.s32 $0xFFFFFFFF  }
0xb5: {  	_ =	strace $0x9000004B  }
0xb6: {  	_ =	sfence  }
0xb7: {  	s30 =	sld [smem:$0x0];
	_ =	sdelay $0x2  }
0xb8: {  	s31 =	sshll.u32 s1, $0xD;
	s1 =	sshrl.u32 s1, $0x2  }
0xb9: {  	s3 =	sand.u32 $0x4000, s31;
	s1 =	sadd.s32 s1, s30  }
0xba: {  	s0 =	sor.u32 s3, s0;
	s1 =	sshll.u32 s1, $0x11  }
0xbb: {  	s0 =	sor.u32 s1, s0  }
0xbc: {  	s0 =	sadd.s32 $0x8F2B, s0  }
0xbd: {  	[sflag:s0] =	ssyncadd.remote.s32 $0x1  }
0xbe: {  	_ =	sfence.sel $0xFFFF  }
0xbf: {  	[dreg:$0x0] =	wrdreg $0xFFFFFFFF;
	(pc) =	sbr.abs _section_cstart, $3  }
0xc0: {  	[dreg:$0x1] =	wrdreg $0xFFFFFFFF  }
0xc1: {  	_ =	task.clear_ibuf [dreg:s6], $0x2FFFF;
	_ =	strace $0x9FFFFFFF  }
0xc2: {  	(tm) =	ssettm $0x7FFFFFFF  }
0xc3: {  	_ =	shalt  }
tec
execute0_lowered:
.L_overlay_start_1:
0x0: {  	(tag) =	ssettag $0x1  }
0x1: {  	s7 =	rddreg [dreg:$0x0]  }
0x2: {  	s1 =	rddreg [dreg:$0x1]  }
0x3: {  	s0 =	rddreg [dreg:$0x2];
	s2 =	simm.s32 $0x0  }
0x4: {  	s4 =	srdreg.scid;
	s15 =	simm.s32 $0x80;
	s16 =	simm.s32 $0x2800  }
0x5: {  	s17 =	simm.s32 $0x6800;
	s18 =	simm.s32 $0x1;
	s19 =	simm.s32 $0x2  }
0x6: {  	s20 =	simm.s32 $0x2600;
	s21 =	simm.s32 $0x1300;
	s22 =	simm.s32 $0x2680  }
0x7: {  	s23 =	simm.s32 $0x1380;
	s26 =	simm.s32 $0x2780;
	s28 =	simm.s32 $0x0  }
0x8: {  	[smem:$0x7FF] =	sst s2;
	s3 =	sadd.s32 $0x17600, s7;
	s9 =	sadd.s32 $0x3F600, s7  }
0x9: {  	s5 =	sadd.s32 $0xD600, s7;
	s6 =	sadd.s32 $0x3600, s7;
	s8 =	sand.u32 $0x1, s4  }
0xa: {  	s4 =	stileid.u32;
	_ =	strace $0x8000004A;
	s10 =	smul.u32 $0x28000, s8  }
0xb: {  	s11 =	ssub.s32 $0x2, s8;
	s13 =	sshll.u32 s4, $0x1;
	s14 =	smul.u32 $0x50000, s4  }
0xc: {  	p0 =	seq.s32 s8, $0x1;
	s24 =	smul.u32 $0x2800, s4;
	s12 =	sshrl.u32 s11, $0x1  }
0xd: {  	s29 =	sor.u32 s8, s13;
	s13 =	simm.s32 $0x4;
	s10 =	sadd.s32 s10, s7  }
0xe: {  	s11 =	ssub.s32 s11, s12;
	s30 =	sshrl.u32 s14, $0x2;
	s7 =	smul.u32 $0x2800, s29  }
0xf: {  	s14 =	simm.s32 $0x1400;
	s25 =	sadd.s32 $0x67600, s10;
	s10 =	smov.u32 s3  }
0x10: {  	s31 =	sadd.s32 s30, s1;
	s8 =	smax.u32 s11, $0x1;
	s10 =	smov.u32 @p0 s9  }
0x11: {  	s9 =	sshll.u32 s4, $0x6;
	s12 =	sshrl.u32 s31, $0x3;
	s10 =	sadd.s32 s10, s24  }
0x12: {  	s11 =	sor.u32 $0x1C03, s9;
	s24 =	sadd.s32 s24, s25;
	s25 =	simm.s32 $0x2700  }
.LBB2_1:
0x13: {  	[spmem:s12], [sflag:s11] =	dma.local [hbm:s10], $0x2800  }
0x14: {  	p1 =	por $0x1, $0x1;
	s29 =	simm.s32 $0x0  }
.LBB2_2:
0x15: {  	s29 =	sadd.s32 s7, s29  }
0x16: {  	s29 =	sshrl.u32 s29, $0x3  }
0x17: {  	s30 =	sadd.s32 s5, s29  }
0x18: {  	[tilespmem:s2], [sflag:$0x4] =	stream.linear.gather [hbm4b:s30+s2], $0x1400, $0x38;
	[tilespmem:$0x1E800] =	vst v63  }
0x19: {  	_ =	swait.ge [sflag:s13], $0x1400  }
0x1a: {  	[sflag:s13] =	ssyncset.done $0x0  }
0x1b: {  	s29 =	sadd.s32 s6, s29;
	[sflag:s13] =	ssyncadd.s32 $0xFFFFEC00  }
0x1c: {  	[tilespmem:s14], [sflag:$0x4] =	stream.linear.gather [hbm4b:s29+s2], $0x1400, $0x38;
	[tilespmem:$0x1E800] =	vst v63  }
0x1d: {  	_ =	swait.ge [sflag:s13], $0x1400  }
0x1e: {  	[sflag:s13] =	ssyncset.done $0x0  }
0x1f: {  	[sflag:s13] =	ssyncadd.s32 $0xFFFFEC00  }
0x20: {  	[tilespmem:s16], [sflag:$0x1] =	stream.indirect.gather [hbm4b:s3+s15], $0x80, s2, s15, $0xb8;
	[tilespmem:$0x1E800] =	vst v63  }
0x21: {  	s29 =	simm.s32 @p1 $0x3  }
0x22: {  	[tilespmem:s17], [sflag:$0x2] =	stream.indirect.gather [hbm4b:s3+s15], $0x80, s15, s15, $0xb8;
	[tilespmem:$0x1E800] =	vst v63  }
0x23: {  	_ =	swait.ge @p1 [sflag:s29], $0x2800  }
0x24: {  	[sflag:s29] =	ssyncset.done @p1 $0x0  }
0x25: {  	[sflag:s29] =	ssyncadd.s32 @p1 $0xFFFFD800  }
0x26: {  	[bflag:$0x0] =	sbarrier.arrive @p1 $0xFFFF  }
0x27: {  	_ =	swait.ge [sflag:s18], $0x4000  }
0x28: {  	[sflag:s18] =	ssyncset.done $0x0  }
0x29: {  	s29 =	simm.s32 $0x1400;
	[sflag:s18] =	ssyncadd.s32 $0xFFFFC000  }
0x2a: {  	[spmem:s1] =	stream.indirect.scatter.add.f32 [tilespmem:s16], [sflag:$0x4], $0x80, s29, s15, $0xb8;
	[tilespmem:$0x1E800] =	vst v63  }
0x2b: {  	_ =	swait.ge [sflag:s13], $0x4000  }
0x2c: {  	[sflag:s13] =	ssyncset.done $0x0  }
0x2d: {  	s29 =	simm.s32 $0x100;
	[sflag:s13] =	ssyncadd.s32 $0xFFFFC000  }
0x2e: {  	[tilespmem:s16], [sflag:$0x1] =	stream.indirect.gather [hbm4b:s3+s15], $0x80, s29, s15, $0xb8;
	[tilespmem:$0x1E800] =	vst v63  }
0x2f: {  	_ =	swait.ge [sflag:s19], $0x4000  }
0x30: {  	[sflag:s19] =	ssyncset.done $0x0  }
0x31: {  	s29 =	simm.s32 $0x1480;
	[sflag:s19] =	ssyncadd.s32 $0xFFFFC000  }
0x32: {  	[spmem:s1] =	stream.indirect.scatter.add.f32 [tilespmem:s17], [sflag:$0x4], $0x80, s29, s15, $0xb8;
	[tilespmem:$0x1E800] =	vst v63  }
0x33: {  	_ =	swait.ge [sflag:s13], $0x4000  }
0x34: {  	p0 =	por p1, p1;
	[sflag:s13] =	ssyncset.done $0x0  }
0x35: {  	s30 =	simm.s32 $0x180;
	s29 =	simm.s32 $0x400;
	[sflag:s13] =	ssyncadd.s32 $0xFFFFC000  }
.LBB2_3:
0x36: {  	[tilespmem:s17], [sflag:$0x2] =	stream.indirect.gather [hbm4b:s3+s15], $0x80, s30, s15, $0xb8;
	[tilespmem:$0x1E800] =	vst v63  }
0x37: {  	s30 =	smov.u32 s29  }
0x38: {  	p1 =	sne.s32 s29, $0x4400;
	s29 =	sadd.s32 $0x400, s29;
	_ =	swait.ge [sflag:s18], $0x4000  }
0x39: {  	s30 =	sshra.s32 s30, $0x2;
	[sflag:s18] =	ssyncset.done $0x0  }
0x3a: {  	s31 =	sadd.s32 $0x1400, s30;
	[sflag:s18] =	ssyncadd.s32 $0xFFFFC000  }
0x3b: {  	[spmem:s1] =	stream.indirect.scatter.add.f32 [tilespmem:s16], [sflag:$0x4], $0x80, s31, s15, $0xb8;
	[tilespmem:$0x1E800] =	vst v63  }
0x3c: {  	_ =	swait.ge [sflag:s13], $0x4000  }
0x3d: {  	[sflag:s13] =	ssyncset.done $0x0  }
0x3e: {  	s31 =	sadd.s32 $0x100, s30;
	[sflag:s13] =	ssyncadd.s32 $0xFFFFC000  }
0x3f: {  	[tilespmem:s16], [sflag:$0x1] =	stream.indirect.gather [hbm4b:s3+s15], $0x80, s31, s15, $0xb8;
	[tilespmem:$0x1E800] =	vst v63  }
0x40: {  	_ =	swait.ge [sflag:s19], $0x4000  }
0x41: {  	[sflag:s19] =	ssyncset.done $0x0  }
.Ltmp0:
0x42: {  	s31 =	sadd.s32 $0x1480, s30;
	[sflag:s19] =	ssyncadd.s32 $0xFFFFC000;
	(pc) =	sbr.rel @p1 .LBB2_3-.Ltmp0, $4  }
0x43: {  	[spmem:s1] =	stream.indirect.scatter.add.f32 [tilespmem:s17], [sflag:$0x4], $0x80, s31, s15, $0xb8;
	[tilespmem:$0x1E800] =	vst v63  }
0x44: {  	_ =	swait.ge [sflag:s13], $0x4000  }
0x45: {  	[sflag:s13] =	ssyncset.done $0x0  }
0x46: {  	s30 =	sadd.s32 $0x180, s30;
	[sflag:s13] =	ssyncadd.s32 $0xFFFFC000  }
0x47: {  	[tilespmem:s17], [sflag:$0x2] =	stream.indirect.gather [hbm4b:s3+s15], $0x80, s30, s15, $0xb8;
	[tilespmem:$0x1E800] =	vst v63  }
0x48: {  	_ =	swait.ge [sflag:s18], $0x4000  }
0x49: {  	[sflag:s18] =	ssyncset.done $0x0  }
0x4a: {  	[sflag:s18] =	ssyncadd.s32 $0xFFFFC000  }
0x4b: {  	[spmem:s1] =	stream.indirect.scatter.add.f32 [tilespmem:s16], [sflag:$0x4], $0x80, s20, s15, $0xb8;
	[tilespmem:$0x1E800] =	vst v63  }
0x4c: {  	_ =	swait.ge [sflag:s13], $0x4000  }
0x4d: {  	[sflag:s13] =	ssyncset.done $0x0  }
0x4e: {  	[sflag:s13] =	ssyncadd.s32 $0xFFFFC000  }
0x4f: {  	[tilespmem:s16], [sflag:$0x1] =	stream.indirect.gather [hbm4b:s3+s15], $0x80, s21, s15, $0xb8;
	[tilespmem:$0x1E800] =	vst v63  }
0x50: {  	_ =	swait.ge [sflag:s19], $0x4000  }
0x51: {  	[sflag:s19] =	ssyncset.done $0x0  }
0x52: {  	[sflag:s19] =	ssyncadd.s32 $0xFFFFC000  }
0x53: {  	[spmem:s1] =	stream.indirect.scatter.add.f32 [tilespmem:s17], [sflag:$0x4], $0x80, s22, s15, $0xb8;
	[tilespmem:$0x1E800] =	vst v63  }
0x54: {  	_ =	swait.ge [sflag:s13], $0x4000  }
0x55: {  	[sflag:s13] =	ssyncset.done $0x0  }
0x56: {  	[sflag:s13] =	ssyncadd.s32 $0xFFFFC000  }
0x57: {  	[tilespmem:s17], [sflag:$0x2] =	stream.indirect.gather [hbm4b:s3+s15], $0x80, s23, s15, $0xb8;
	[tilespmem:$0x1E800] =	vst v63  }
0x58: {  	_ =	swait.ge [sflag:s18], $0x4000  }
0x59: {  	[sflag:s18] =	ssyncset.done $0x0  }
0x5a: {  	[sflag:s18] =	ssyncadd.s32 $0xFFFFC000  }
0x5b: {  	[spmem:s1] =	stream.indirect.scatter.add.f32 [tilespmem:s16], [sflag:$0x4], $0x80, s25, s15, $0xb8;
	[tilespmem:$0x1E800] =	vst v63  }
0x5c: {  	_ =	swait.ge [sflag:s13], $0x4000  }
0x5d: {  	[sflag:s13] =	ssyncset.done $0x0  }
0x5e: {  	[sflag:s13] =	ssyncadd.s32 $0xFFFFC000  }
0x5f: {  	[tilespmem:s16], [sflag:$0x1] =	stream.indirect.gather [hbm4b:s3+s15], $0x80, s23, s15, $0xb8;
	[tilespmem:$0x1E800] =	vst v63  }
0x60: {  	_ =	swait.ge [sflag:s19], $0x4000  }
0x61: {  	[sflag:s19] =	ssyncset.done $0x0  }
0x62: {  	[sflag:s19] =	ssyncadd.s32 $0xFFFFC000  }
0x63: {  	[spmem:s1] =	stream.indirect.scatter.add.f32 [tilespmem:s17], [sflag:$0x4], $0x80, s26, s15, $0xb8;
	[tilespmem:$0x1E800] =	vst v63  }
0x64: {  	_ =	swait.ge [sflag:s13], $0x4000  }
0x65: {  	[sflag:s13] =	ssyncset.done $0x0  }
0x66: {  	[sflag:s13] =	ssyncadd.s32 $0xFFFFC000  }
0x67: {  	[tilespmem:s17], [sflag:$0x2] =	stream.indirect.gather [hbm4b:s3+s15], $0x80, s23, s15, $0xb8;
	[tilespmem:$0x1E800] =	vst v63  }
0x68: {  	_ =	swait.ge [sflag:s18], $0x4000  }
.Ltmp1:
0x69: {  	[sflag:s18] =	ssyncset.done $0x0;
	(pc) =	sbr.rel @p0 .LBB2_2-.Ltmp1, $4  }
0x6a: {  	[sflag:s18] =	ssyncadd.s32 $0xFFFFC000  }
0x6b: {  	_ =	swait.ge [sflag:s19], $0x4000  }
0x6c: {  	[sflag:s19] =	ssyncset.done $0x0  }
0x6d: {  	s29 =	simm.s32 $0x1400;
	p1 =	por $0x0, $0x0;
	[sflag:s19] =	ssyncadd.s32 $0xFFFFC000  }
0x6e: {  	s28 =	sadd.s32 $0x1, s28  }
0x6f: {  	p0 =	sne.s32 s28, s8  }
.Ltmp2:
0x70: {  	[bflag:$0x0] =	sbarrier.arrive $0xFFFF;
	s29 =	sor.u32 $0x1C04, s9;
	(pc) =	sbr.rel @p0 .LBB2_1-.Ltmp2, $4  }
0x71: {  	[hbm:s24], [sflag:s29] =	dma.local [spmem:s12], $0x2800  }
0x72: {  	_ =	swait.ge [sflag:s13], $0x2800  }
0x73: {  	[sflag:s13] =	ssyncset.done $0x0  }
0x74: {  	[sflag:s13] =	ssyncadd.s32 $0xFFFFD800  }
0x75: {  	_ =	sfence.sel $0x180000  }
0x76: {  	[bflag:$0x0] =	sbarrier.arrive $0xFFFF  }
0x77: {  	p0 =	sne.s32 s4, $0x0;
	_ =	strace $0x9000004A  }
0x78: {  	s0 =	sadd.s32 @!p0 $0x100000, s0;
	[bflag:$0x2] =	sbarrier.arrive $0xFFFF  }
0x79: {  	[sflag:s0] =	ssyncadd.tile.s32 @!p0 $0x1;
	_ =	shalt  }
.Lfunc_end2:
_tile_overlayer_lowered:
.L_overlay_start_2:
0x7a: {  	(tag) =	ssettag $0x2  }
0x7b: {  	s0 =	rddreg [dreg:$0x0];
	s2 =	stileid.u32  }
0x7c: {  	s1 =	rddreg [dreg:$0x1];
	p0 =	sne.s32 s2, $0x0  }
0x7d: {  	s3 =	rddreg [dreg:$0x2];
	[bflag:$0x3] =	sbarrier.arrive $0xFFFF;
	s2 =	simm.s32 @!p0 $0x1C04  }
0x7e: {  	[timem:s3], [sflag:s2] =	dma.local @!p0 [hbm:s0], s1  }
0x7f: {  	s0 =	simm.s32 @!p0 $0x4  }
0x80: {  	_ =	swait.ge @!p0 [sflag:s0], s1  }
0x81: {  	s1 =	ssub.s32 @!p0 $0x0, s1;
	[sflag:s0] =	ssyncset.done @!p0 $0x0  }
0x82: {  	[sflag:s0] =	ssyncadd.s32 @!p0 s1  }
0x83: {  	[bflag:$0x3] =	sbarrier.arrive $0xFFFF  }
0x84: {  	_ =	shalt  }

// kernel: kernel.16.cloned.1.call-start
scs
__scs_entry_jumppad:
0x0: {  	(pc) =	sbr.rel $0x88, $3  }
0x1: {  	(tag) =	ssettag $0x0;
	lr =	simm.s32 $0x1  }
0x2: {  	[smem:$0x3F94] =	sst lr;
	_ =	strace $0xD0000000  }
0x3: {  	_ = 	snop  }
0x4: {  	_ = 	snop  }
0x5: {  	_ = 	snop  }
0x6: {  	_ = 	snop  }
0x7: {  	_ = 	snop  }
__scs_overlays_trampoline_lowered:
0x8: {  	[smem:$0x3FA3] =	sst s0  }
0x9: {  	[smem:$0x3FA4] =	sst s1  }
0xa: {  	[smem:$0x3FA5] =	sst s2  }
0xb: {  	[smem:$0x3FA6] =	sst s3  }
0xc: {  	[smem:$0x3FA7] =	sst s4  }
0xd: {  	[smem:$0x3FA8] =	sst s5  }
0xe: {  	[smem:$0x3FA9] =	sst s6  }
0xf: {  	[smem:$0x3FAA] =	sst s7  }
0x10: {  	[smem:$0x3FAB] =	sst s8  }
0x11: {  	[smem:$0x3FAC] =	sst s9;
	s0 =	simm.s32 @!p0 $0x0  }
0x12: {  	s1 =	sld [smem:$0x3F92];
	s0 =	simm.s32 @p0 $0x1  }
0x13: {  	[smem:$0x3FAD] =	sst s0;
	s0 =	simm.s32 @!p1 $0x0  }
0x14: {  	s2 =	sld [smem:$0x3F91];
	s0 =	simm.s32 @p1 $0x1  }
0x15: {  	[smem:$0x3FAE] =	sst s0;
	s0 =	simm.s32 @!p2 $0x0  }
0x16: {  	s3 =	sld [smem:$0x3FDB];
	s0 =	simm.s32 @p2 $0x1  }
0x17: {  	s4 =	simm.s32 $0x1BF5;
	[smem:$0x3FB0] =	sst s0  }
0x18: {  	s0 =	sld [smem:$0x3F93];
	_ =	swait.ge [sflag:s4], $0x0  }
0x19: {  	s7 =	sld [smem:$0x3F94]  }
0x1a: {  	s8 =	sadd.s32 $0xFFFFE003, lr  }
0x1b: {  	s9 =	sadd.s32 $0xFFFFFEF7, lr;
	s5 =	simm.s32 $0xFFFFFFFF;
	p2 =	slt.u32 s8, $0xFFFFF086  }
0x1c: {  	p1 =	slt.u32 s9, $0xF7A;
	s5 =	simm.s32 @!p2 $0x0  }
0x1d: {  	s5 =	simm.s32 @p1 $0x1;
	p0 =	seq.s32 s7, s2  }
0x1e: {  	s7 =	smul.u32 @!p0 $0xF7A, s2;
	p2 =	seq.s32 @!p0 s5, $0x0  }
0x1f: {  	s9 =	smul.u32 $0xF7A, s1;
	s8 =	simm.s32 @!p0 $0x1BF5;
	p2 =	por !p2, p0  }
0x20: {  	[sflag:s8] =	ssyncset.s32 @!p0 $0xFFFFF086;
	s6 =	sadd.s32 @!p0 s3, s7;
	s7 =	simm.s32 @!p0 $0x108  }
0x21: {  	s3 =	sadd.s32 s3, s9;
	s6 =	sadd.s32 @!p0 $0x88, s6;
	s7 =	simm.s32 @p2 $0x1082  }
0x22: {  	[simem:s7], [sflag:s8] =	dma.local @!p0 [hbm:s6], $0xF7A  }
0x23: {  	s9 =	sor.u32 $0xD0000000, s2;
	s6 =	simm.s32 $0x108;
	_ =	swait.ge @!p0 [sflag:s8], $0x0  }
0x24: {  	s3 =	sadd.s32 $0x88, s3;
	s6 =	simm.s32 @!p1 $0x1082;
	[sflag:s4] =	ssyncset.s32 $0xFFFFF086  }
0x25: {  	[simem:s6], [sflag:s4] =	dma.local [hbm:s3], $0xF7A  }
0x26: {  	[smem:$0x3F94] =	sst s1;
	(tag) =	ssettag s2;
	_ =	strace s9  }
0x27: {  	s1 =	sld [smem:$0x3FA4]  }
0x28: {  	s2 =	sld [smem:$0x3FA5]  }
0x29: {  	s4 =	sld [smem:$0x3FA7]  }
0x2a: {  	p0 =	seq.s32 s5, $0x0;
	s5 =	sld [smem:$0x3FA8]  }
0x2b: {  	s6 =	sld [smem:$0x3FA9]  }
0x2c: {  	s7 =	sld [smem:$0x3FAA]  }
0x2d: {  	s3 =	simm.s32 $0x108;
	s8 =	sld [smem:$0x3FAB]  }
0x2e: {  	s3 =	simm.s32 @!p0 $0x1082;
	s9 =	sld [smem:$0x3FAC]  }
0x2f: {  	lr =	sadd.s32 s0, s3;
	s0 =	sld [smem:$0x3FA3]  }
0x30: {  	s3 =	sld [smem:$0x3FA6]  }
0x31: {  	[smem:$0x3FAF] =	sst s10  }
0x32: {  	s10 =	sld [smem:$0x3FAD];
	_ =	sdelay $0x3  }
0x33: {  	p0 =	seq.s32 s10, $0x1;
	s10 =	sld [smem:$0x3FAF];
	_ =	sdelay $0x3  }
0x34: {  	[smem:$0x3FAF] =	sst s10  }
0x35: {  	s10 =	sld [smem:$0x3FAE];
	_ =	sdelay $0x3  }
0x36: {  	p1 =	seq.s32 s10, $0x1;
	s10 =	sld [smem:$0x3FAF];
	_ =	sdelay $0x3  }
0x37: {  	[smem:$0x3FAF] =	sst s10  }
0x38: {  	s10 =	sld [smem:$0x3FB0]  }
0x39: {  	_ = 	snop;
	(pc) =	sbr.ind lr, $3  }
0x3a: {  	_ = 	snop  }
0x3b: {  	_ = 	snop  }
0x3c: {  	p2 =	seq.s32 s10, $0x1;
	s10 =	sld [smem:$0x3FAF]  }
0x3d: {  	_ =	shalt  }
0x3e: {  	_ =	shalt  }
0x3f: {  	_ =	shalt  }
0x40: {  	_ =	shalt  }
0x41: {  	_ =	shalt  }
0x42: {  	_ =	shalt  }
0x43: {  	_ =	shalt  }
0x44: {  	_ =	shalt  }
0x45: {  	_ =	shalt  }
0x46: {  	_ =	shalt  }
0x47: {  	_ =	shalt  }
0x48: {  	_ =	shalt  }
0x49: {  	_ =	shalt  }
0x4a: {  	_ =	shalt  }
0x4b: {  	_ =	shalt  }
0x4c: {  	_ =	shalt  }
0x4d: {  	_ =	shalt  }
0x4e: {  	_ =	shalt  }
0x4f: {  	_ =	shalt  }
0x50: {  	_ =	shalt  }
0x51: {  	_ =	shalt  }
0x52: {  	_ =	shalt  }
0x53: {  	_ =	shalt  }
0x54: {  	_ =	shalt  }
0x55: {  	_ =	shalt  }
0x56: {  	_ =	shalt  }
0x57: {  	_ =	shalt  }
0x58: {  	_ =	shalt  }
0x59: {  	_ =	shalt  }
0x5a: {  	_ =	shalt  }
0x5b: {  	_ =	shalt  }
0x5c: {  	_ =	shalt  }
0x5d: {  	_ =	shalt  }
0x5e: {  	_ =	shalt  }
0x5f: {  	_ =	shalt  }
0x60: {  	_ =	shalt  }
0x61: {  	_ =	shalt  }
0x62: {  	_ =	shalt  }
0x63: {  	_ =	shalt  }
0x64: {  	_ =	shalt  }
0x65: {  	_ =	shalt  }
0x66: {  	_ =	shalt  }
0x67: {  	_ =	shalt  }
0x68: {  	_ =	shalt  }
0x69: {  	_ =	shalt  }
0x6a: {  	_ =	shalt  }
0x6b: {  	_ =	shalt  }
0x6c: {  	_ =	shalt  }
0x6d: {  	_ =	shalt  }
0x6e: {  	_ =	shalt  }
0x6f: {  	_ =	shalt  }
0x70: {  	_ =	shalt  }
0x71: {  	_ =	shalt  }
0x72: {  	_ =	shalt  }
0x73: {  	_ =	shalt  }
0x74: {  	_ =	shalt  }
0x75: {  	_ =	shalt  }
0x76: {  	_ =	shalt  }
0x77: {  	_ =	shalt  }
0x78: {  	_ =	shalt  }
0x79: {  	_ =	shalt  }
0x7a: {  	_ =	shalt  }
0x7b: {  	_ =	shalt  }
0x7c: {  	_ =	shalt  }
0x7d: {  	_ =	shalt  }
0x7e: {  	_ =	shalt  }
0x7f: {  	_ =	shalt  }
0x80: {  	_ =	shalt  }
0x81: {  	_ =	shalt  }
0x82: {  	_ =	shalt  }
0x83: {  	_ =	shalt  }
0x84: {  	_ =	shalt  }
0x85: {  	_ =	shalt  }
0x86: {  	_ =	shalt  }
0x87: {  	_ =	shalt  }
.Lfunc_end0:
.L_simem_size_0:
called_computation.2_lowered:
.L_overlay_start_0:
0x88: {  	s2 =	sld [smem:$0x3FD9]  }
0x89: {  	s3 =	sld [smem:$0x3FFE];
	_ =	sdelay $0x1  }
0x8a: {  	s1 =	srdreg.scid  }
0x8b: {  	s0 =	sand.u32 $0x1, s1  }
0x8c: {  	s16 =	sshll.u32 s0, $0xA;
	s2 =	sadd.s32 s3, s2  }
0x8d: {  	s2 =	sadd.s32 s2, s16  }
0x8e: {  	[smem:$0x3FBB] =	sst s2  }
0x8f: {  	_ = 	snop  }
0x90: {  	(tm) =	ssettm $0x1  }
0x91: {  	s17 =	sld [smem:$0x3FFB];
	_ =	sdelay $0x3  }
0x92: {  	_ =	strace s17  }
0x93: {  	s2 =	sld [smem:$0x3FFC];
	_ =	sdelay $0x3  }
0x94: {  	_ =	strace s2  }
0x95: {  	s2 =	sld [smem:$0x3FFD];
	_ =	sdelay $0x3  }
0x96: {  	_ =	strace s2  }
0x97: {  	_ =	strace $0x8FFFFFFF  }
0x98: {  	s18 =	sld [smem:$0x3FDB];
	_ =	sdelay $0x1  }
0x99: {  	s19 =	simm.s32 $_scs_section_size  }
0x9a: {  	s4 =	simm.s32 $_size__tile_overlayer_lowered;
	s5 =	simm.s32 $_tile_overlayer_lowered  }
0x9b: {  	s22 =	simm.s32 $0x1BFF;
	s21 =	sshll.u32 s5, $0x1;
	s2 =	sadd.s32 s19, s18  }
0x9c: {  	s6 =	simm.s32 $0x0;
	s20 =	sshll.u32 s4, $0x1;
	s4 =	sadd.s32 s21, s2  }
0x9d: {  	[timem:s6], [sflag:s22] =	dma.local [hbm:s4], s20  }
0x9e: {  	_ =	swait.ge [sflag:s22], s20  }
0x9f: {  	s3 =	ssub.s32 $0x0, s20;
	[sflag:s22] =	ssyncset.done $0x0  }
0xa0: {  	[sflag:s22] =	ssyncadd.s32 s3;
	_ =	sdelay $0x1  }
0xa1: {  	s23 =	simm.s32 $0x1B8B  }
0xa2: {  	_ =	swait.ge [sflag:s23], $0x1  }
0xa3: {  	[sflag:s23] =	ssyncset.done $0x0  }
0xa4: {  	s25 =	simm.s32 $0x1B8E;
	s24 =	sld [smem:$0x3FFE];
	[sflag:s23] =	ssyncadd.s32 $0xFFFFFFFF  }
0xa5: {  	s26 =	simm.s32 $execute0_lowered;
	[smem:$0x3FD2] =	sst s25  }
0xa6: {  	s4 =	sshll.u32 s26, $0x1;
	_ =	strace $0x8000004C;
	[dreg:$0x1] =	wrdreg $0xFFFFFFFF  }
0xa7: {  	s28 =	simm.s32 $_size_execute0_lowered;
	s2 =	sadd.s32 s2, s4;
	[dreg:$0x0] =	wrdreg $0x0  }
0xa8: {  	s4 =	sshll.u32 s28, $0x1;
	[dreg:$0x2] =	wrdreg s2  }
0xa9: {  	[dreg:$0x3] =	wrdreg s4  }
0xaa: {  	[dreg:$0x4] =	wrdreg $0xC0  }
0xab: {  	_ =	task [dreg:s6], $0x5FFFF  }
0xac: {  	[dreg:$0x1] =	wrdreg $0xFFFFFFFF  }
0xad: {  	[dreg:$0x0] =	wrdreg $0x60  }
0xae: {  	[dreg:$0x2] =	wrdreg s24  }
0xaf: {  	[dreg:$0x3] =	wrdreg $0xA8000  }
0xb0: {  	[dreg:$0x4] =	wrdreg $0x9  }
0xb1: {  	_ =	task.clear_ibuf [dreg:s6], $0x5FFFF;
	_ =	strace $0x9000004C  }
0xb2: {  	s29 =	simm.s32 $0x9;
	_ =	strace $0x8000004E  }
0xb3: {  	_ =	swait.ge [sflag:s29], $0x1  }
0xb4: {  	[sflag:s29] =	ssyncadd.s32 $0xFFFFFFFF  }
0xb5: {  	_ =	strace $0x9000004E  }
0xb6: {  	_ =	sfence  }
0xb7: {  	s30 =	sld [smem:$0x0];
	_ =	sdelay $0x2  }
0xb8: {  	s31 =	sshll.u32 s1, $0xD;
	s1 =	sshrl.u32 s1, $0x2  }
0xb9: {  	s3 =	sand.u32 $0x4000, s31;
	s1 =	sadd.s32 s1, s30  }
0xba: {  	s0 =	sor.u32 s3, s0;
	s1 =	sshll.u32 s1, $0x11  }
0xbb: {  	s0 =	sor.u32 s1, s0  }
0xbc: {  	s0 =	sadd.s32 $0x8F2B, s0  }
0xbd: {  	[sflag:s0] =	ssyncadd.remote.s32 $0x1  }
0xbe: {  	_ =	sfence.sel $0xFFFF  }
0xbf: {  	[dreg:$0x0] =	wrdreg $0xFFFFFFFF;
	(pc) =	sbr.abs _section_cstart, $3  }
0xc0: {  	[dreg:$0x1] =	wrdreg $0xFFFFFFFF  }
0xc1: {  	_ =	task.clear_ibuf [dreg:s6], $0x2FFFF;
	_ =	strace $0x9FFFFFFF  }
0xc2: {  	(tm) =	ssettm $0x7FFFFFFF  }
0xc3: {  	_ =	shalt  }
tec
execute0_lowered:
.L_overlay_start_1:
0x0: {  	(tag) =	ssettag $0x1  }
0x1: {  	s7 =	rddreg [dreg:$0x0]  }
0x2: {  	s1 =	rddreg [dreg:$0x1]  }
0x3: {  	s0 =	rddreg [dreg:$0x2];
	s2 =	simm.s32 $0x0  }
0x4: {  	s4 =	srdreg.scid;
	s15 =	simm.s32 $0x80;
	s16 =	simm.s32 $0x2800  }
0x5: {  	s17 =	simm.s32 $0x6800;
	s18 =	simm.s32 $0x1;
	s19 =	simm.s32 $0x2  }
0x6: {  	s20 =	simm.s32 $0x2600;
	s21 =	simm.s32 $0x1300;
	s22 =	simm.s32 $0x2680  }
0x7: {  	s23 =	simm.s32 $0x1380;
	s26 =	simm.s32 $0x2780;
	s28 =	simm.s32 $0x0  }
0x8: {  	[smem:$0x7FF] =	sst s2;
	s3 =	sadd.s32 $0x17600, s7;
	s9 =	sadd.s32 $0x3F600, s7  }
0x9: {  	s5 =	sadd.s32 $0xD600, s7;
	s6 =	sadd.s32 $0x3600, s7;
	s8 =	sand.u32 $0x1, s4  }
0xa: {  	s4 =	stileid.u32;
	_ =	strace $0x8000004D;
	s10 =	smul.u32 $0x28000, s8  }
0xb: {  	s11 =	ssub.s32 $0x2, s8;
	s13 =	sshll.u32 s4, $0x1;
	s14 =	smul.u32 $0x50000, s4  }
0xc: {  	p0 =	seq.s32 s8, $0x1;
	s24 =	smul.u32 $0x2800, s4;
	s12 =	sshrl.u32 s11, $0x1  }
0xd: {  	s29 =	sor.u32 s8, s13;
	s13 =	simm.s32 $0x4;
	s10 =	sadd.s32 s10, s7  }
0xe: {  	s11 =	ssub.s32 s11, s12;
	s30 =	sshrl.u32 s14, $0x2;
	s7 =	smul.u32 $0x2800, s29  }
0xf: {  	s14 =	simm.s32 $0x1400;
	s25 =	sadd.s32 $0x67600, s10;
	s10 =	smov.u32 s3  }
0x10: {  	s31 =	sadd.s32 s30, s1;
	s8 =	smax.u32 s11, $0x1;
	s10 =	smov.u32 @p0 s9  }
0x11: {  	s9 =	sshll.u32 s4, $0x6;
	s12 =	sshrl.u32 s31, $0x3;
	s10 =	sadd.s32 s10, s24  }
0x12: {  	s11 =	sor.u32 $0x1C03, s9;
	s24 =	sadd.s32 s24, s25;
	s25 =	simm.s32 $0x2700  }
.LBB2_1:
0x13: {  	[spmem:s12], [sflag:s11] =	dma.local [hbm:s10], $0x2800  }
0x14: {  	p1 =	por $0x1, $0x1;
	s29 =	simm.s32 $0x0  }
.LBB2_2:
0x15: {  	s29 =	sadd.s32 s7, s29  }
0x16: {  	s29 =	sshrl.u32 s29, $0x3  }
0x17: {  	s30 =	sadd.s32 s5, s29  }
0x18: {  	[tilespmem:s2], [sflag:$0x4] =	stream.linear.gather [hbm4b:s30+s2], $0x1400, $0x38;
	[tilespmem:$0x1E800] =	vst v63  }
0x19: {  	_ =	swait.ge [sflag:s13], $0x1400  }
0x1a: {  	[sflag:s13] =	ssyncset.done $0x0  }
0x1b: {  	s29 =	sadd.s32 s6, s29;
	[sflag:s13] =	ssyncadd.s32 $0xFFFFEC00  }
0x1c: {  	[tilespmem:s14], [sflag:$0x4] =	stream.linear.gather [hbm4b:s29+s2], $0x1400, $0x38;
	[tilespmem:$0x1E800] =	vst v63  }
0x1d: {  	_ =	swait.ge [sflag:s13], $0x1400  }
0x1e: {  	[sflag:s13] =	ssyncset.done $0x0  }
0x1f: {  	[sflag:s13] =	ssyncadd.s32 $0xFFFFEC00  }
0x20: {  	[tilespmem:s16], [sflag:$0x1] =	stream.indirect.gather [hbm4b:s3+s15], $0x80, s2, s15, $0xb8;
	[tilespmem:$0x1E800] =	vst v63  }
0x21: {  	s29 =	simm.s32 @p1 $0x3  }
0x22: {  	[tilespmem:s17], [sflag:$0x2] =	stream.indirect.gather [hbm4b:s3+s15], $0x80, s15, s15, $0xb8;
	[tilespmem:$0x1E800] =	vst v63  }
0x23: {  	_ =	swait.ge @p1 [sflag:s29], $0x2800  }
0x24: {  	[sflag:s29] =	ssyncset.done @p1 $0x0  }
0x25: {  	[sflag:s29] =	ssyncadd.s32 @p1 $0xFFFFD800  }
0x26: {  	[bflag:$0x0] =	sbarrier.arrive @p1 $0xFFFF  }
0x27: {  	_ =	swait.ge [sflag:s18], $0x4000  }
0x28: {  	[sflag:s18] =	ssyncset.done $0x0  }
0x29: {  	s29 =	simm.s32 $0x1400;
	[sflag:s18] =	ssyncadd.s32 $0xFFFFC000  }
0x2a: {  	[spmem:s1] =	stream.indirect.scatter.add.f32 [tilespmem:s16], [sflag:$0x4], $0x80, s29, s15, $0xb8;
	[tilespmem:$0x1E800] =	vst v63  }
0x2b: {  	_ =	swait.ge [sflag:s13], $0x4000  }
0x2c: {  	[sflag:s13] =	ssyncset.done $0x0  }
0x2d: {  	s29 =	simm.s32 $0x100;
	[sflag:s13] =	ssyncadd.s32 $0xFFFFC000  }
0x2e: {  	[tilespmem:s16], [sflag:$0x1] =	stream.indirect.gather [hbm4b:s3+s15], $0x80, s29, s15, $0xb8;
	[tilespmem:$0x1E800] =	vst v63  }
0x2f: {  	_ =	swait.ge [sflag:s19], $0x4000  }
0x30: {  	[sflag:s19] =	ssyncset.done $0x0  }
0x31: {  	s29 =	simm.s32 $0x1480;
	[sflag:s19] =	ssyncadd.s32 $0xFFFFC000  }
0x32: {  	[spmem:s1] =	stream.indirect.scatter.add.f32 [tilespmem:s17], [sflag:$0x4], $0x80, s29, s15, $0xb8;
	[tilespmem:$0x1E800] =	vst v63  }
0x33: {  	_ =	swait.ge [sflag:s13], $0x4000  }
0x34: {  	p0 =	por p1, p1;
	[sflag:s13] =	ssyncset.done $0x0  }
0x35: {  	s30 =	simm.s32 $0x180;
	s29 =	simm.s32 $0x400;
	[sflag:s13] =	ssyncadd.s32 $0xFFFFC000  }
.LBB2_3:
0x36: {  	[tilespmem:s17], [sflag:$0x2] =	stream.indirect.gather [hbm4b:s3+s15], $0x80, s30, s15, $0xb8;
	[tilespmem:$0x1E800] =	vst v63  }
0x37: {  	s30 =	smov.u32 s29  }
0x38: {  	p1 =	sne.s32 s29, $0x4400;
	s29 =	sadd.s32 $0x400, s29;
	_ =	swait.ge [sflag:s18], $0x4000  }
0x39: {  	s30 =	sshra.s32 s30, $0x2;
	[sflag:s18] =	ssyncset.done $0x0  }
0x3a: {  	s31 =	sadd.s32 $0x1400, s30;
	[sflag:s18] =	ssyncadd.s32 $0xFFFFC000  }
0x3b: {  	[spmem:s1] =	stream.indirect.scatter.add.f32 [tilespmem:s16], [sflag:$0x4], $0x80, s31, s15, $0xb8;
	[tilespmem:$0x1E800] =	vst v63  }
0x3c: {  	_ =	swait.ge [sflag:s13], $0x4000  }
0x3d: {  	[sflag:s13] =	ssyncset.done $0x0  }
0x3e: {  	s31 =	sadd.s32 $0x100, s30;
	[sflag:s13] =	ssyncadd.s32 $0xFFFFC000  }
0x3f: {  	[tilespmem:s16], [sflag:$0x1] =	stream.indirect.gather [hbm4b:s3+s15], $0x80, s31, s15, $0xb8;
	[tilespmem:$0x1E800] =	vst v63  }
0x40: {  	_ =	swait.ge [sflag:s19], $0x4000  }
0x41: {  	[sflag:s19] =	ssyncset.done $0x0  }
.Ltmp0:
0x42: {  	s31 =	sadd.s32 $0x1480, s30;
	[sflag:s19] =	ssyncadd.s32 $0xFFFFC000;
	(pc) =	sbr.rel @p1 .LBB2_3-.Ltmp0, $4  }
0x43: {  	[spmem:s1] =	stream.indirect.scatter.add.f32 [tilespmem:s17], [sflag:$0x4], $0x80, s31, s15, $0xb8;
	[tilespmem:$0x1E800] =	vst v63  }
0x44: {  	_ =	swait.ge [sflag:s13], $0x4000  }
0x45: {  	[sflag:s13] =	ssyncset.done $0x0  }
0x46: {  	s30 =	sadd.s32 $0x180, s30;
	[sflag:s13] =	ssyncadd.s32 $0xFFFFC000  }
0x47: {  	[tilespmem:s17], [sflag:$0x2] =	stream.indirect.gather [hbm4b:s3+s15], $0x80, s30, s15, $0xb8;
	[tilespmem:$0x1E800] =	vst v63  }
0x48: {  	_ =	swait.ge [sflag:s18], $0x4000  }
0x49: {  	[sflag:s18] =	ssyncset.done $0x0  }
0x4a: {  	[sflag:s18] =	ssyncadd.s32 $0xFFFFC000  }
0x4b: {  	[spmem:s1] =	stream.indirect.scatter.add.f32 [tilespmem:s16], [sflag:$0x4], $0x80, s20, s15, $0xb8;
	[tilespmem:$0x1E800] =	vst v63  }
0x4c: {  	_ =	swait.ge [sflag:s13], $0x4000  }
0x4d: {  	[sflag:s13] =	ssyncset.done $0x0  }
0x4e: {  	[sflag:s13] =	ssyncadd.s32 $0xFFFFC000  }
0x4f: {  	[tilespmem:s16], [sflag:$0x1] =	stream.indirect.gather [hbm4b:s3+s15], $0x80, s21, s15, $0xb8;
	[tilespmem:$0x1E800] =	vst v63  }
0x50: {  	_ =	swait.ge [sflag:s19], $0x4000  }
0x51: {  	[sflag:s19] =	ssyncset.done $0x0  }
0x52: {  	[sflag:s19] =	ssyncadd.s32 $0xFFFFC000  }
0x53: {  	[spmem:s1] =	stream.indirect.scatter.add.f32 [tilespmem:s17], [sflag:$0x4], $0x80, s22, s15, $0xb8;
	[tilespmem:$0x1E800] =	vst v63  }
0x54: {  	_ =	swait.ge [sflag:s13], $0x4000  }
0x55: {  	[sflag:s13] =	ssyncset.done $0x0  }
0x56: {  	[sflag:s13] =	ssyncadd.s32 $0xFFFFC000  }
0x57: {  	[tilespmem:s17], [sflag:$0x2] =	stream.indirect.gather [hbm4b:s3+s15], $0x80, s23, s15, $0xb8;
	[tilespmem:$0x1E800] =	vst v63  }
0x58: {  	_ =	swait.ge [sflag:s18], $0x4000  }
0x59: {  	[sflag:s18] =	ssyncset.done $0x0  }
0x5a: {  	[sflag:s18] =	ssyncadd.s32 $0xFFFFC000  }
0x5b: {  	[spmem:s1] =	stream.indirect.scatter.add.f32 [tilespmem:s16], [sflag:$0x4], $0x80, s25, s15, $0xb8;
	[tilespmem:$0x1E800] =	vst v63  }
0x5c: {  	_ =	swait.ge [sflag:s13], $0x4000  }
0x5d: {  	[sflag:s13] =	ssyncset.done $0x0  }
0x5e: {  	[sflag:s13] =	ssyncadd.s32 $0xFFFFC000  }
0x5f: {  	[tilespmem:s16], [sflag:$0x1] =	stream.indirect.gather [hbm4b:s3+s15], $0x80, s23, s15, $0xb8;
	[tilespmem:$0x1E800] =	vst v63  }
0x60: {  	_ =	swait.ge [sflag:s19], $0x4000  }
0x61: {  	[sflag:s19] =	ssyncset.done $0x0  }
0x62: {  	[sflag:s19] =	ssyncadd.s32 $0xFFFFC000  }
0x63: {  	[spmem:s1] =	stream.indirect.scatter.add.f32 [tilespmem:s17], [sflag:$0x4], $0x80, s26, s15, $0xb8;
	[tilespmem:$0x1E800] =	vst v63  }
0x64: {  	_ =	swait.ge [sflag:s13], $0x4000  }
0x65: {  	[sflag:s13] =	ssyncset.done $0x0  }
0x66: {  	[sflag:s13] =	ssyncadd.s32 $0xFFFFC000  }
0x67: {  	[tilespmem:s17], [sflag:$0x2] =	stream.indirect.gather [hbm4b:s3+s15], $0x80, s23, s15, $0xb8;
	[tilespmem:$0x1E800] =	vst v63  }
0x68: {  	_ =	swait.ge [sflag:s18], $0x4000  }
.Ltmp1:
0x69: {  	[sflag:s18] =	ssyncset.done $0x0;
	(pc) =	sbr.rel @p0 .LBB2_2-.Ltmp1, $4  }
0x6a: {  	[sflag:s18] =	ssyncadd.s32 $0xFFFFC000  }
0x6b: {  	_ =	swait.ge [sflag:s19], $0x4000  }
0x6c: {  	[sflag:s19] =	ssyncset.done $0x0  }
0x6d: {  	s29 =	simm.s32 $0x1400;
	p1 =	por $0x0, $0x0;
	[sflag:s19] =	ssyncadd.s32 $0xFFFFC000  }
0x6e: {  	s28 =	sadd.s32 $0x1, s28  }
0x6f: {  	p0 =	sne.s32 s28, s8  }
.Ltmp2:
0x70: {  	[bflag:$0x0] =	sbarrier.arrive $0xFFFF;
	s29 =	sor.u32 $0x1C04, s9;
	(pc) =	sbr.rel @p0 .LBB2_1-.Ltmp2, $4  }
0x71: {  	[hbm:s24], [sflag:s29] =	dma.local [spmem:s12], $0x2800  }
0x72: {  	_ =	swait.ge [sflag:s13], $0x2800  }
0x73: {  	[sflag:s13] =	ssyncset.done $0x0  }
0x74: {  	[sflag:s13] =	ssyncadd.s32 $0xFFFFD800  }
0x75: {  	_ =	sfence.sel $0x180000  }
0x76: {  	[bflag:$0x0] =	sbarrier.arrive $0xFFFF  }
0x77: {  	p0 =	sne.s32 s4, $0x0;
	_ =	strace $0x9000004D  }
0x78: {  	s0 =	sadd.s32 @!p0 $0x100000, s0;
	[bflag:$0x2] =	sbarrier.arrive $0xFFFF  }
0x79: {  	[sflag:s0] =	ssyncadd.tile.s32 @!p0 $0x1;
	_ =	shalt  }
.Lfunc_end2:
_tile_overlayer_lowered:
.L_overlay_start_2:
0x7a: {  	(tag) =	ssettag $0x2  }
0x7b: {  	s0 =	rddreg [dreg:$0x0];
	s2 =	stileid.u32  }
0x7c: {  	s1 =	rddreg [dreg:$0x1];
	p0 =	sne.s32 s2, $0x0  }
0x7d: {  	s3 =	rddreg [dreg:$0x2];
	[bflag:$0x3] =	sbarrier.arrive $0xFFFF;
	s2 =	simm.s32 @!p0 $0x1C04  }
0x7e: {  	[timem:s3], [sflag:s2] =	dma.local @!p0 [hbm:s0], s1  }
0x7f: {  	s0 =	simm.s32 @!p0 $0x4  }
0x80: {  	_ =	swait.ge @!p0 [sflag:s0], s1  }
0x81: {  	s1 =	ssub.s32 @!p0 $0x0, s1;
	[sflag:s0] =	ssyncset.done @!p0 $0x0  }
0x82: {  	[sflag:s0] =	ssyncadd.s32 @!p0 s1  }
0x83: {  	[bflag:$0x3] =	sbarrier.arrive $0xFFFF  }
0x84: {  	_ =	shalt  }

// kernel: kernel.19.cloned.1.call-start
scs
__scs_entry_jumppad:
0x0: {  	(pc) =	sbr.rel $0x88, $3  }
0x1: {  	(tag) =	ssettag $0x0;
	lr =	simm.s32 $0x1  }
0x2: {  	[smem:$0x3F94] =	sst lr;
	_ =	strace $0xD0000000  }
0x3: {  	_ = 	snop  }
0x4: {  	_ = 	snop  }
0x5: {  	_ = 	snop  }
0x6: {  	_ = 	snop  }
0x7: {  	_ = 	snop  }
__scs_overlays_trampoline_lowered:
0x8: {  	[smem:$0x3FA3] =	sst s0  }
0x9: {  	[smem:$0x3FA4] =	sst s1  }
0xa: {  	[smem:$0x3FA5] =	sst s2  }
0xb: {  	[smem:$0x3FA6] =	sst s3  }
0xc: {  	[smem:$0x3FA7] =	sst s4  }
0xd: {  	[smem:$0x3FA8] =	sst s5  }
0xe: {  	[smem:$0x3FA9] =	sst s6  }
0xf: {  	[smem:$0x3FAA] =	sst s7  }
0x10: {  	[smem:$0x3FAB] =	sst s8  }
0x11: {  	[smem:$0x3FAC] =	sst s9;
	s0 =	simm.s32 @!p0 $0x0  }
0x12: {  	s1 =	sld [smem:$0x3F92];
	s0 =	simm.s32 @p0 $0x1  }
0x13: {  	[smem:$0x3FAD] =	sst s0;
	s0 =	simm.s32 @!p1 $0x0  }
0x14: {  	s2 =	sld [smem:$0x3F91];
	s0 =	simm.s32 @p1 $0x1  }
0x15: {  	[smem:$0x3FAE] =	sst s0;
	s0 =	simm.s32 @!p2 $0x0  }
0x16: {  	s3 =	sld [smem:$0x3FDB];
	s0 =	simm.s32 @p2 $0x1  }
0x17: {  	s4 =	simm.s32 $0x1BF5;
	[smem:$0x3FB0] =	sst s0  }
0x18: {  	s0 =	sld [smem:$0x3F93];
	_ =	swait.ge [sflag:s4], $0x0  }
0x19: {  	s7 =	sld [smem:$0x3F94]  }
0x1a: {  	s8 =	sadd.s32 $0xFFFFE003, lr  }
0x1b: {  	s9 =	sadd.s32 $0xFFFFFEF7, lr;
	s5 =	simm.s32 $0xFFFFFFFF;
	p2 =	slt.u32 s8, $0xFFFFF086  }
0x1c: {  	p1 =	slt.u32 s9, $0xF7A;
	s5 =	simm.s32 @!p2 $0x0  }
0x1d: {  	s5 =	simm.s32 @p1 $0x1;
	p0 =	seq.s32 s7, s2  }
0x1e: {  	s7 =	smul.u32 @!p0 $0xF7A, s2;
	p2 =	seq.s32 @!p0 s5, $0x0  }
0x1f: {  	s9 =	smul.u32 $0xF7A, s1;
	s8 =	simm.s32 @!p0 $0x1BF5;
	p2 =	por !p2, p0  }
0x20: {  	[sflag:s8] =	ssyncset.s32 @!p0 $0xFFFFF086;
	s6 =	sadd.s32 @!p0 s3, s7;
	s7 =	simm.s32 @!p0 $0x108  }
0x21: {  	s3 =	sadd.s32 s3, s9;
	s6 =	sadd.s32 @!p0 $0x88, s6;
	s7 =	simm.s32 @p2 $0x1082  }
0x22: {  	[simem:s7], [sflag:s8] =	dma.local @!p0 [hbm:s6], $0xF7A  }
0x23: {  	s9 =	sor.u32 $0xD0000000, s2;
	s6 =	simm.s32 $0x108;
	_ =	swait.ge @!p0 [sflag:s8], $0x0  }
0x24: {  	s3 =	sadd.s32 $0x88, s3;
	s6 =	simm.s32 @!p1 $0x1082;
	[sflag:s4] =	ssyncset.s32 $0xFFFFF086  }
0x25: {  	[simem:s6], [sflag:s4] =	dma.local [hbm:s3], $0xF7A  }
0x26: {  	[smem:$0x3F94] =	sst s1;
	(tag) =	ssettag s2;
	_ =	strace s9  }
0x27: {  	s1 =	sld [smem:$0x3FA4]  }
0x28: {  	s2 =	sld [smem:$0x3FA5]  }
0x29: {  	s4 =	sld [smem:$0x3FA7]  }
0x2a: {  	p0 =	seq.s32 s5, $0x0;
	s5 =	sld [smem:$0x3FA8]  }
0x2b: {  	s6 =	sld [smem:$0x3FA9]  }
0x2c: {  	s7 =	sld [smem:$0x3FAA]  }
0x2d: {  	s3 =	simm.s32 $0x108;
	s8 =	sld [smem:$0x3FAB]  }
0x2e: {  	s3 =	simm.s32 @!p0 $0x1082;
	s9 =	sld [smem:$0x3FAC]  }
0x2f: {  	lr =	sadd.s32 s0, s3;
	s0 =	sld [smem:$0x3FA3]  }
0x30: {  	s3 =	sld [smem:$0x3FA6]  }
0x31: {  	[smem:$0x3FAF] =	sst s10  }
0x32: {  	s10 =	sld [smem:$0x3FAD];
	_ =	sdelay $0x3  }
0x33: {  	p0 =	seq.s32 s10, $0x1;
	s10 =	sld [smem:$0x3FAF];
	_ =	sdelay $0x3  }
0x34: {  	[smem:$0x3FAF] =	sst s10  }
0x35: {  	s10 =	sld [smem:$0x3FAE];
	_ =	sdelay $0x3  }
0x36: {  	p1 =	seq.s32 s10, $0x1;
	s10 =	sld [smem:$0x3FAF];
	_ =	sdelay $0x3  }
0x37: {  	[smem:$0x3FAF] =	sst s10  }
0x38: {  	s10 =	sld [smem:$0x3FB0]  }
0x39: {  	_ = 	snop;
	(pc) =	sbr.ind lr, $3  }
0x3a: {  	_ = 	snop  }
0x3b: {  	_ = 	snop  }
0x3c: {  	p2 =	seq.s32 s10, $0x1;
	s10 =	sld [smem:$0x3FAF]  }
0x3d: {  	_ =	shalt  }
0x3e: {  	_ =	shalt  }
0x3f: {  	_ =	shalt  }
0x40: {  	_ =	shalt  }
0x41: {  	_ =	shalt  }
0x42: {  	_ =	shalt  }
0x43: {  	_ =	shalt  }
0x44: {  	_ =	shalt  }
0x45: {  	_ =	shalt  }
0x46: {  	_ =	shalt  }
0x47: {  	_ =	shalt  }
0x48: {  	_ =	shalt  }
0x49: {  	_ =	shalt  }
0x4a: {  	_ =	shalt  }
0x4b: {  	_ =	shalt  }
0x4c: {  	_ =	shalt  }
0x4d: {  	_ =	shalt  }
0x4e: {  	_ =	shalt  }
0x4f: {  	_ =	shalt  }
0x50: {  	_ =	shalt  }
0x51: {  	_ =	shalt  }
0x52: {  	_ =	shalt  }
0x53: {  	_ =	shalt  }
0x54: {  	_ =	shalt  }
0x55: {  	_ =	shalt  }
0x56: {  	_ =	shalt  }
0x57: {  	_ =	shalt  }
0x58: {  	_ =	shalt  }
0x59: {  	_ =	shalt  }
0x5a: {  	_ =	shalt  }
0x5b: {  	_ =	shalt  }
0x5c: {  	_ =	shalt  }
0x5d: {  	_ =	shalt  }
0x5e: {  	_ =	shalt  }
0x5f: {  	_ =	shalt  }
0x60: {  	_ =	shalt  }
0x61: {  	_ =	shalt  }
0x62: {  	_ =	shalt  }
0x63: {  	_ =	shalt  }
0x64: {  	_ =	shalt  }
0x65: {  	_ =	shalt  }
0x66: {  	_ =	shalt  }
0x67: {  	_ =	shalt  }
0x68: {  	_ =	shalt  }
0x69: {  	_ =	shalt  }
0x6a: {  	_ =	shalt  }
0x6b: {  	_ =	shalt  }
0x6c: {  	_ =	shalt  }
0x6d: {  	_ =	shalt  }
0x6e: {  	_ =	shalt  }
0x6f: {  	_ =	shalt  }
0x70: {  	_ =	shalt  }
0x71: {  	_ =	shalt  }
0x72: {  	_ =	shalt  }
0x73: {  	_ =	shalt  }
0x74: {  	_ =	shalt  }
0x75: {  	_ =	shalt  }
0x76: {  	_ =	shalt  }
0x77: {  	_ =	shalt  }
0x78: {  	_ =	shalt  }
0x79: {  	_ =	shalt  }
0x7a: {  	_ =	shalt  }
0x7b: {  	_ =	shalt  }
0x7c: {  	_ =	shalt  }
0x7d: {  	_ =	shalt  }
0x7e: {  	_ =	shalt  }
0x7f: {  	_ =	shalt  }
0x80: {  	_ =	shalt  }
0x81: {  	_ =	shalt  }
0x82: {  	_ =	shalt  }
0x83: {  	_ =	shalt  }
0x84: {  	_ =	shalt  }
0x85: {  	_ =	shalt  }
0x86: {  	_ =	shalt  }
0x87: {  	_ =	shalt  }
.Lfunc_end0:
.L_simem_size_0:
called_computation.3_lowered:
.L_overlay_start_0:
0x88: {  	s2 =	sld [smem:$0x3FD9]  }
0x89: {  	s3 =	sld [smem:$0x3FFE];
	_ =	sdelay $0x1  }
0x8a: {  	s1 =	srdreg.scid  }
0x8b: {  	s0 =	sand.u32 $0x1, s1  }
0x8c: {  	s16 =	sshll.u32 s0, $0xA;
	s2 =	sadd.s32 s3, s2  }
0x8d: {  	s2 =	sadd.s32 s2, s16  }
0x8e: {  	[smem:$0x3FBB] =	sst s2  }
0x8f: {  	_ = 	snop  }
0x90: {  	(tm) =	ssettm $0x1  }
0x91: {  	s17 =	sld [smem:$0x3FFB];
	_ =	sdelay $0x3  }
0x92: {  	_ =	strace s17  }
0x93: {  	s2 =	sld [smem:$0x3FFC];
	_ =	sdelay $0x3  }
0x94: {  	_ =	strace s2  }
0x95: {  	s2 =	sld [smem:$0x3FFD];
	_ =	sdelay $0x3  }
0x96: {  	_ =	strace s2  }
0x97: {  	_ =	strace $0x8FFFFFFF  }
0x98: {  	s18 =	sld [smem:$0x3FDB];
	_ =	sdelay $0x1  }
0x99: {  	s19 =	simm.s32 $_scs_section_size  }
0x9a: {  	s4 =	simm.s32 $_size__tile_overlayer_lowered;
	s5 =	simm.s32 $_tile_overlayer_lowered  }
0x9b: {  	s22 =	simm.s32 $0x1BFF;
	s21 =	sshll.u32 s5, $0x1;
	s2 =	sadd.s32 s19, s18  }
0x9c: {  	s6 =	simm.s32 $0x0;
	s20 =	sshll.u32 s4, $0x1;
	s4 =	sadd.s32 s21, s2  }
0x9d: {  	[timem:s6], [sflag:s22] =	dma.local [hbm:s4], s20  }
0x9e: {  	_ =	swait.ge [sflag:s22], s20  }
0x9f: {  	s3 =	ssub.s32 $0x0, s20;
	[sflag:s22] =	ssyncset.done $0x0  }
0xa0: {  	[sflag:s22] =	ssyncadd.s32 s3;
	_ =	sdelay $0x1  }
0xa1: {  	s23 =	simm.s32 $0x1B8B  }
0xa2: {  	_ =	swait.ge [sflag:s23], $0x1  }
0xa3: {  	[sflag:s23] =	ssyncset.done $0x0  }
0xa4: {  	s25 =	simm.s32 $0x1B8E;
	s24 =	sld [smem:$0x3FFE];
	[sflag:s23] =	ssyncadd.s32 $0xFFFFFFFF  }
0xa5: {  	s26 =	simm.s32 $execute0_lowered;
	[smem:$0x3FD2] =	sst s25  }
0xa6: {  	s4 =	sshll.u32 s26, $0x1;
	_ =	strace $0x8000004F;
	[dreg:$0x1] =	wrdreg $0xFFFFFFFF  }
0xa7: {  	s28 =	simm.s32 $_size_execute0_lowered;
	s2 =	sadd.s32 s2, s4;
	[dreg:$0x0] =	wrdreg $0x0  }
0xa8: {  	s4 =	sshll.u32 s28, $0x1;
	[dreg:$0x2] =	wrdreg s2  }
0xa9: {  	[dreg:$0x3] =	wrdreg s4  }
0xaa: {  	[dreg:$0x4] =	wrdreg $0xC0  }
0xab: {  	_ =	task [dreg:s6], $0x5FFFF  }
0xac: {  	[dreg:$0x1] =	wrdreg $0xFFFFFFFF  }
0xad: {  	[dreg:$0x0] =	wrdreg $0x60  }
0xae: {  	[dreg:$0x2] =	wrdreg s24  }
0xaf: {  	[dreg:$0x3] =	wrdreg $0xA8000  }
0xb0: {  	[dreg:$0x4] =	wrdreg $0x9  }
0xb1: {  	_ =	task.clear_ibuf [dreg:s6], $0x5FFFF;
	_ =	strace $0x9000004F  }
0xb2: {  	s29 =	simm.s32 $0x9;
	_ =	strace $0x80000051  }
0xb3: {  	_ =	swait.ge [sflag:s29], $0x1  }
0xb4: {  	[sflag:s29] =	ssyncadd.s32 $0xFFFFFFFF  }
0xb5: {  	_ =	strace $0x90000051  }
0xb6: {  	_ =	sfence  }
0xb7: {  	s30 =	sld [smem:$0x0];
	_ =	sdelay $0x2  }
0xb8: {  	s31 =	sshll.u32 s1, $0xD;
	s1 =	sshrl.u32 s1, $0x2  }
0xb9: {  	s3 =	sand.u32 $0x4000, s31;
	s1 =	sadd.s32 s1, s30  }
0xba: {  	s0 =	sor.u32 s3, s0;
	s1 =	sshll.u32 s1, $0x11  }
0xbb: {  	s0 =	sor.u32 s1, s0  }
0xbc: {  	s0 =	sadd.s32 $0x8F2B, s0  }
0xbd: {  	[sflag:s0] =	ssyncadd.remote.s32 $0x1  }
0xbe: {  	_ =	sfence.sel $0xFFFF  }
0xbf: {  	[dreg:$0x0] =	wrdreg $0xFFFFFFFF;
	(pc) =	sbr.abs _section_cstart, $3  }
0xc0: {  	[dreg:$0x1] =	wrdreg $0xFFFFFFFF  }
0xc1: {  	_ =	task.clear_ibuf [dreg:s6], $0x2FFFF;
	_ =	strace $0x9FFFFFFF  }
0xc2: {  	(tm) =	ssettm $0x7FFFFFFF  }
0xc3: {  	_ =	shalt  }
tec
execute0_lowered:
.L_overlay_start_1:
0x0: {  	(tag) =	ssettag $0x1  }
0x1: {  	s7 =	rddreg [dreg:$0x0]  }
0x2: {  	s1 =	rddreg [dreg:$0x1]  }
0x3: {  	s0 =	rddreg [dreg:$0x2];
	s2 =	simm.s32 $0x0  }
0x4: {  	s4 =	srdreg.scid;
	s15 =	simm.s32 $0x80;
	s16 =	simm.s32 $0x2800  }
0x5: {  	s17 =	simm.s32 $0x6800;
	s18 =	simm.s32 $0x1;
	s19 =	simm.s32 $0x2  }
0x6: {  	s20 =	simm.s32 $0x2600;
	s21 =	simm.s32 $0x1300;
	s22 =	simm.s32 $0x2680  }
0x7: {  	s23 =	simm.s32 $0x1380;
	s26 =	simm.s32 $0x2780;
	s28 =	simm.s32 $0x0  }
0x8: {  	[smem:$0x7FF] =	sst s2;
	s3 =	sadd.s32 $0x17600, s7;
	s9 =	sadd.s32 $0x3F600, s7  }
0x9: {  	s5 =	sadd.s32 $0xD600, s7;
	s6 =	sadd.s32 $0x3600, s7;
	s8 =	sand.u32 $0x1, s4  }
0xa: {  	s4 =	stileid.u32;
	_ =	strace $0x80000050;
	s10 =	smul.u32 $0x28000, s8  }
0xb: {  	s11 =	ssub.s32 $0x2, s8;
	s13 =	sshll.u32 s4, $0x1;
	s14 =	smul.u32 $0x50000, s4  }
0xc: {  	p0 =	seq.s32 s8, $0x1;
	s24 =	smul.u32 $0x2800, s4;
	s12 =	sshrl.u32 s11, $0x1  }
0xd: {  	s29 =	sor.u32 s8, s13;
	s13 =	simm.s32 $0x4;
	s10 =	sadd.s32 s10, s7  }
0xe: {  	s11 =	ssub.s32 s11, s12;
	s30 =	sshrl.u32 s14, $0x2;
	s7 =	smul.u32 $0x2800, s29  }
0xf: {  	s14 =	simm.s32 $0x1400;
	s25 =	sadd.s32 $0x67600, s10;
	s10 =	smov.u32 s3  }
0x10: {  	s31 =	sadd.s32 s30, s1;
	s8 =	smax.u32 s11, $0x1;
	s10 =	smov.u32 @p0 s9  }
0x11: {  	s9 =	sshll.u32 s4, $0x6;
	s12 =	sshrl.u32 s31, $0x3;
	s10 =	sadd.s32 s10, s24  }
0x12: {  	s11 =	sor.u32 $0x1C03, s9;
	s24 =	sadd.s32 s24, s25;
	s25 =	simm.s32 $0x2700  }
.LBB2_1:
0x13: {  	[spmem:s12], [sflag:s11] =	dma.local [hbm:s10], $0x2800  }
0x14: {  	p1 =	por $0x1, $0x1;
	s29 =	simm.s32 $0x0  }
.LBB2_2:
0x15: {  	s29 =	sadd.s32 s7, s29  }
0x16: {  	s29 =	sshrl.u32 s29, $0x3  }
0x17: {  	s30 =	sadd.s32 s5, s29  }
0x18: {  	[tilespmem:s2], [sflag:$0x4] =	stream.linear.gather [hbm4b:s30+s2], $0x1400, $0x38;
	[tilespmem:$0x1E800] =	vst v63  }
0x19: {  	_ =	swait.ge [sflag:s13], $0x1400  }
0x1a: {  	[sflag:s13] =	ssyncset.done $0x0  }
0x1b: {  	s29 =	sadd.s32 s6, s29;
	[sflag:s13] =	ssyncadd.s32 $0xFFFFEC00  }
0x1c: {  	[tilespmem:s14], [sflag:$0x4] =	stream.linear.gather [hbm4b:s29+s2], $0x1400, $0x38;
	[tilespmem:$0x1E800] =	vst v63  }
0x1d: {  	_ =	swait.ge [sflag:s13], $0x1400  }
0x1e: {  	[sflag:s13] =	ssyncset.done $0x0  }
0x1f: {  	[sflag:s13] =	ssyncadd.s32 $0xFFFFEC00  }
0x20: {  	[tilespmem:s16], [sflag:$0x1] =	stream.indirect.gather [hbm4b:s3+s15], $0x80, s2, s15, $0xb8;
	[tilespmem:$0x1E800] =	vst v63  }
0x21: {  	s29 =	simm.s32 @p1 $0x3  }
0x22: {  	[tilespmem:s17], [sflag:$0x2] =	stream.indirect.gather [hbm4b:s3+s15], $0x80, s15, s15, $0xb8;
	[tilespmem:$0x1E800] =	vst v63  }
0x23: {  	_ =	swait.ge @p1 [sflag:s29], $0x2800  }
0x24: {  	[sflag:s29] =	ssyncset.done @p1 $0x0  }
0x25: {  	[sflag:s29] =	ssyncadd.s32 @p1 $0xFFFFD800  }
0x26: {  	[bflag:$0x0] =	sbarrier.arrive @p1 $0xFFFF  }
0x27: {  	_ =	swait.ge [sflag:s18], $0x4000  }
0x28: {  	[sflag:s18] =	ssyncset.done $0x0  }
0x29: {  	s29 =	simm.s32 $0x1400;
	[sflag:s18] =	ssyncadd.s32 $0xFFFFC000  }
0x2a: {  	[spmem:s1] =	stream.indirect.scatter.add.f32 [tilespmem:s16], [sflag:$0x4], $0x80, s29, s15, $0xb8;
	[tilespmem:$0x1E800] =	vst v63  }
0x2b: {  	_ =	swait.ge [sflag:s13], $0x4000  }
0x2c: {  	[sflag:s13] =	ssyncset.done $0x0  }
0x2d: {  	s29 =	simm.s32 $0x100;
	[sflag:s13] =	ssyncadd.s32 $0xFFFFC000  }
0x2e: {  	[tilespmem:s16], [sflag:$0x1] =	stream.indirect.gather [hbm4b:s3+s15], $0x80, s29, s15, $0xb8;
	[tilespmem:$0x1E800] =	vst v63  }
0x2f: {  	_ =	swait.ge [sflag:s19], $0x4000  }
0x30: {  	[sflag:s19] =	ssyncset.done $0x0  }
0x31: {  	s29 =	simm.s32 $0x1480;
	[sflag:s19] =	ssyncadd.s32 $0xFFFFC000  }
0x32: {  	[spmem:s1] =	stream.indirect.scatter.add.f32 [tilespmem:s17], [sflag:$0x4], $0x80, s29, s15, $0xb8;
	[tilespmem:$0x1E800] =	vst v63  }
0x33: {  	_ =	swait.ge [sflag:s13], $0x4000  }
0x34: {  	p0 =	por p1, p1;
	[sflag:s13] =	ssyncset.done $0x0  }
0x35: {  	s30 =	simm.s32 $0x180;
	s29 =	simm.s32 $0x400;
	[sflag:s13] =	ssyncadd.s32 $0xFFFFC000  }
.LBB2_3:
0x36: {  	[tilespmem:s17], [sflag:$0x2] =	stream.indirect.gather [hbm4b:s3+s15], $0x80, s30, s15, $0xb8;
	[tilespmem:$0x1E800] =	vst v63  }
0x37: {  	s30 =	smov.u32 s29  }
0x38: {  	p1 =	sne.s32 s29, $0x4400;
	s29 =	sadd.s32 $0x400, s29;
	_ =	swait.ge [sflag:s18], $0x4000  }
0x39: {  	s30 =	sshra.s32 s30, $0x2;
	[sflag:s18] =	ssyncset.done $0x0  }
0x3a: {  	s31 =	sadd.s32 $0x1400, s30;
	[sflag:s18] =	ssyncadd.s32 $0xFFFFC000  }
0x3b: {  	[spmem:s1] =	stream.indirect.scatter.add.f32 [tilespmem:s16], [sflag:$0x4], $0x80, s31, s15, $0xb8;
	[tilespmem:$0x1E800] =	vst v63  }
0x3c: {  	_ =	swait.ge [sflag:s13], $0x4000  }
0x3d: {  	[sflag:s13] =	ssyncset.done $0x0  }
0x3e: {  	s31 =	sadd.s32 $0x100, s30;
	[sflag:s13] =	ssyncadd.s32 $0xFFFFC000  }
0x3f: {  	[tilespmem:s16], [sflag:$0x1] =	stream.indirect.gather [hbm4b:s3+s15], $0x80, s31, s15, $0xb8;
	[tilespmem:$0x1E800] =	vst v63  }
0x40: {  	_ =	swait.ge [sflag:s19], $0x4000  }
0x41: {  	[sflag:s19] =	ssyncset.done $0x0  }
.Ltmp0:
0x42: {  	s31 =	sadd.s32 $0x1480, s30;
	[sflag:s19] =	ssyncadd.s32 $0xFFFFC000;
	(pc) =	sbr.rel @p1 .LBB2_3-.Ltmp0, $4  }
0x43: {  	[spmem:s1] =	stream.indirect.scatter.add.f32 [tilespmem:s17], [sflag:$0x4], $0x80, s31, s15, $0xb8;
	[tilespmem:$0x1E800] =	vst v63  }
0x44: {  	_ =	swait.ge [sflag:s13], $0x4000  }
0x45: {  	[sflag:s13] =	ssyncset.done $0x0  }
0x46: {  	s30 =	sadd.s32 $0x180, s30;
	[sflag:s13] =	ssyncadd.s32 $0xFFFFC000  }
0x47: {  	[tilespmem:s17], [sflag:$0x2] =	stream.indirect.gather [hbm4b:s3+s15], $0x80, s30, s15, $0xb8;
	[tilespmem:$0x1E800] =	vst v63  }
0x48: {  	_ =	swait.ge [sflag:s18], $0x4000  }
0x49: {  	[sflag:s18] =	ssyncset.done $0x0  }
0x4a: {  	[sflag:s18] =	ssyncadd.s32 $0xFFFFC000  }
0x4b: {  	[spmem:s1] =	stream.indirect.scatter.add.f32 [tilespmem:s16], [sflag:$0x4], $0x80, s20, s15, $0xb8;
	[tilespmem:$0x1E800] =	vst v63  }
0x4c: {  	_ =	swait.ge [sflag:s13], $0x4000  }
0x4d: {  	[sflag:s13] =	ssyncset.done $0x0  }
0x4e: {  	[sflag:s13] =	ssyncadd.s32 $0xFFFFC000  }
0x4f: {  	[tilespmem:s16], [sflag:$0x1] =	stream.indirect.gather [hbm4b:s3+s15], $0x80, s21, s15, $0xb8;
	[tilespmem:$0x1E800] =	vst v63  }
0x50: {  	_ =	swait.ge [sflag:s19], $0x4000  }
0x51: {  	[sflag:s19] =	ssyncset.done $0x0  }
0x52: {  	[sflag:s19] =	ssyncadd.s32 $0xFFFFC000  }
0x53: {  	[spmem:s1] =	stream.indirect.scatter.add.f32 [tilespmem:s17], [sflag:$0x4], $0x80, s22, s15, $0xb8;
	[tilespmem:$0x1E800] =	vst v63  }
0x54: {  	_ =	swait.ge [sflag:s13], $0x4000  }
0x55: {  	[sflag:s13] =	ssyncset.done $0x0  }
0x56: {  	[sflag:s13] =	ssyncadd.s32 $0xFFFFC000  }
0x57: {  	[tilespmem:s17], [sflag:$0x2] =	stream.indirect.gather [hbm4b:s3+s15], $0x80, s23, s15, $0xb8;
	[tilespmem:$0x1E800] =	vst v63  }
0x58: {  	_ =	swait.ge [sflag:s18], $0x4000  }
0x59: {  	[sflag:s18] =	ssyncset.done $0x0  }
0x5a: {  	[sflag:s18] =	ssyncadd.s32 $0xFFFFC000  }
0x5b: {  	[spmem:s1] =	stream.indirect.scatter.add.f32 [tilespmem:s16], [sflag:$0x4], $0x80, s25, s15, $0xb8;
	[tilespmem:$0x1E800] =	vst v63  }
0x5c: {  	_ =	swait.ge [sflag:s13], $0x4000  }
0x5d: {  	[sflag:s13] =	ssyncset.done $0x0  }
0x5e: {  	[sflag:s13] =	ssyncadd.s32 $0xFFFFC000  }
0x5f: {  	[tilespmem:s16], [sflag:$0x1] =	stream.indirect.gather [hbm4b:s3+s15], $0x80, s23, s15, $0xb8;
	[tilespmem:$0x1E800] =	vst v63  }
0x60: {  	_ =	swait.ge [sflag:s19], $0x4000  }
0x61: {  	[sflag:s19] =	ssyncset.done $0x0  }
0x62: {  	[sflag:s19] =	ssyncadd.s32 $0xFFFFC000  }
0x63: {  	[spmem:s1] =	stream.indirect.scatter.add.f32 [tilespmem:s17], [sflag:$0x4], $0x80, s26, s15, $0xb8;
	[tilespmem:$0x1E800] =	vst v63  }
0x64: {  	_ =	swait.ge [sflag:s13], $0x4000  }
0x65: {  	[sflag:s13] =	ssyncset.done $0x0  }
0x66: {  	[sflag:s13] =	ssyncadd.s32 $0xFFFFC000  }
0x67: {  	[tilespmem:s17], [sflag:$0x2] =	stream.indirect.gather [hbm4b:s3+s15], $0x80, s23, s15, $0xb8;
	[tilespmem:$0x1E800] =	vst v63  }
0x68: {  	_ =	swait.ge [sflag:s18], $0x4000  }
.Ltmp1:
0x69: {  	[sflag:s18] =	ssyncset.done $0x0;
	(pc) =	sbr.rel @p0 .LBB2_2-.Ltmp1, $4  }
0x6a: {  	[sflag:s18] =	ssyncadd.s32 $0xFFFFC000  }
0x6b: {  	_ =	swait.ge [sflag:s19], $0x4000  }
0x6c: {  	[sflag:s19] =	ssyncset.done $0x0  }
0x6d: {  	s29 =	simm.s32 $0x1400;
	p1 =	por $0x0, $0x0;
	[sflag:s19] =	ssyncadd.s32 $0xFFFFC000  }
0x6e: {  	s28 =	sadd.s32 $0x1, s28  }
0x6f: {  	p0 =	sne.s32 s28, s8  }
.Ltmp2:
0x70: {  	[bflag:$0x0] =	sbarrier.arrive $0xFFFF;
	s29 =	sor.u32 $0x1C04, s9;
	(pc) =	sbr.rel @p0 .LBB2_1-.Ltmp2, $4  }
0x71: {  	[hbm:s24], [sflag:s29] =	dma.local [spmem:s12], $0x2800  }
0x72: {  	_ =	swait.ge [sflag:s13], $0x2800  }
0x73: {  	[sflag:s13] =	ssyncset.done $0x0  }
0x74: {  	[sflag:s13] =	ssyncadd.s32 $0xFFFFD800  }
0x75: {  	_ =	sfence.sel $0x180000  }
0x76: {  	[bflag:$0x0] =	sbarrier.arrive $0xFFFF  }
0x77: {  	p0 =	sne.s32 s4, $0x0;
	_ =	strace $0x90000050  }
0x78: {  	s0 =	sadd.s32 @!p0 $0x100000, s0;
	[bflag:$0x2] =	sbarrier.arrive $0xFFFF  }
0x79: {  	[sflag:s0] =	ssyncadd.tile.s32 @!p0 $0x1;
	_ =	shalt  }
.Lfunc_end2:
_tile_overlayer_lowered:
.L_overlay_start_2:
0x7a: {  	(tag) =	ssettag $0x2  }
0x7b: {  	s0 =	rddreg [dreg:$0x0];
	s2 =	stileid.u32  }
0x7c: {  	s1 =	rddreg [dreg:$0x1];
	p0 =	sne.s32 s2, $0x0  }
0x7d: {  	s3 =	rddreg [dreg:$0x2];
	[bflag:$0x3] =	sbarrier.arrive $0xFFFF;
	s2 =	simm.s32 @!p0 $0x1C04  }
0x7e: {  	[timem:s3], [sflag:s2] =	dma.local @!p0 [hbm:s0], s1  }
0x7f: {  	s0 =	simm.s32 @!p0 $0x4  }
0x80: {  	_ =	swait.ge @!p0 [sflag:s0], s1  }
0x81: {  	s1 =	ssub.s32 @!p0 $0x0, s1;
	[sflag:s0] =	ssyncset.done @!p0 $0x0  }
0x82: {  	[sflag:s0] =	ssyncadd.s32 @!p0 s1  }
0x83: {  	[bflag:$0x3] =	sbarrier.arrive $0xFFFF  }
0x84: {  	_ =	shalt  }

</sc_bundles>
